<compile_context>
chip_gen: v7x
topology: tpu7x:2x2x1
jax: 0.10.2.dev20260603
libtpu: 0.0.44.dev20260713+nightly
codegen_flags: <defaults>
</compile_context>

<pallas_src>
import functools

import jax
import jax.numpy as jnp
import numpy as np
from jax import lax
from jax.experimental import pallas as pl
from jax.experimental.pallas import tpu as pltpu
from jax.experimental.pallas import tpu_sc as plsc

N = 10000
E = 320000
F_IN = 128
HID = 64
HID2 = 32
N_DCS = 32
N_GRAPHS = 16

NC = 2
NS = 16
NW = NC * NS
CH = 128
K = 80
E_PAD = NW * K * CH
NP = 10112
RPT = NP // NS

_mesh = plsc.VectorSubcoreMesh(core_axis_name="c", subcore_axis_name="s")



NBG = 4
NG = K // (2 * NBG)


def _make_agg(width):

  @functools.partial(
      pl.kernel,
      out_type=jax.ShapeDtypeStruct((NC, NP, width), jnp.float32),
      mesh=_mesh,
      compiler_params=pltpu.CompilerParams(use_tc_tiling_on_sc=False),
      scratch_types=[
          pltpu.VMEM((K, CH), jnp.int32),
          pltpu.VMEM((K, CH), jnp.int32),
          pltpu.VMEM((2, NBG, CH, width), jnp.float32),
          pltpu.VMEM_SHARED((NP, width), jnp.float32),
          pltpu.SemaphoreType.DMA((2, NBG)),
      ],
  )
  def agg(src_hbm, dst_hbm, table_hbm, zeros_hbm, out_hbm,
          idx_s, idx_d, rows, acc, gsem):
    c = lax.axis_index("c")
    s = lax.axis_index("s")
    wid = c * NS + s
    pltpu.sync_copy(zeros_hbm, acc.at[pl.ds(s * RPT, RPT)])
    pltpu.sync_copy(src_hbm.at[pl.ds(wid * K, K)], idx_s)
    pltpu.sync_copy(dst_hbm.at[pl.ds(wid * K, K)], idx_d)
    plsc.subcore_barrier()

    def fire(p, grp):
      for b in range(NBG):
        jj = grp * NBG + b
        pltpu.async_copy(table_hbm.at[idx_s.at[jj]], rows.at[p, b],
                         gsem.at[p, b])

    def drain(p, grp):
      for b in range(NBG):
        jj = grp * NBG + b
        pltpu.make_async_copy(table_hbm.at[idx_s.at[jj]], rows.at[p, b],
                              gsem.at[p, b]).wait()
        pltpu.sync_copy(rows.at[p, b], acc.at[idx_d.at[jj]], add=True)

    fire(0, 0)

    def body(i, carry):
      fire(1, 2 * i + 1)
      drain(0, 2 * i)

      @pl.when(i + 1 < NG)
      def _():
        fire(0, 2 * i + 2)

      drain(1, 2 * i + 1)
      return carry

    lax.fori_loop(0, NG, body, 0)
    plsc.subcore_barrier()
    pltpu.sync_copy(acc.at[pl.ds(s * RPT, RPT)],
                    out_hbm.at[c, pl.ds(s * RPT, RPT)])

  return agg


_agg64 = _make_agg(HID)
_agg32 = _make_agg(HID2)

DEGW = 16


@functools.partial(
    pl.kernel,
    out_type=jax.ShapeDtypeStruct((NC, NP, DEGW), jnp.float32),
    mesh=_mesh,
    compiler_params=pltpu.CompilerParams(use_tc_tiling_on_sc=False),
    scratch_types=[
        pltpu.VMEM((K, CH), jnp.int32),
        pltpu.VMEM((CH, DEGW), jnp.float32),
        pltpu.VMEM_SHARED((NP, DEGW), jnp.float32),
        pltpu.SemaphoreType.DMA,
    ],
)
def _deg(dst_hbm, zeros_hbm, ones_hbm, out_hbm, idx_d, rows, acc, sem):
  c = lax.axis_index("c")
  s = lax.axis_index("s")
  wid = c * NS + s
  pltpu.sync_copy(zeros_hbm, acc.at[pl.ds(s * RPT, RPT)])
  pltpu.sync_copy(dst_hbm.at[pl.ds(wid * K, K)], idx_d)
  pltpu.sync_copy(ones_hbm, rows)
  plsc.subcore_barrier()

  def body(j, carry):
    pltpu.sync_copy(rows, acc.at[idx_d.at[j]], add=True)
    return carry

  lax.fori_loop(0, K, body, 0)
  plsc.subcore_barrier()
  pltpu.sync_copy(acc.at[pl.ds(s * RPT, RPT)],
                  out_hbm.at[c, pl.ds(s * RPT, RPT)])



def _tc_pre_body(degp_ref, x_ref, w1_ref, g1_ref, dis_ref):
  deg = (degp_ref[0:1, :N] + degp_ref[1:2, :N] + 1.0).reshape(N, 1)
  dis = lax.rsqrt(deg)
  h = jnp.dot(x_ref[...], w1_ref[...], preferred_element_type=jnp.float32)
  g1_ref[...] = h * dis
  dis_ref[...] = dis


def _tc_pre(degp, x, w1):
  return pl.pallas_call(
      _tc_pre_body,
      out_shape=(jax.ShapeDtypeStruct((N, HID), jnp.float32),
                 jax.ShapeDtypeStruct((N, 1), jnp.float32)),
  )(degp, x, w1)


def _tc_mid_body(p_ref, g1_ref, dis_ref, w2_ref, b1_ref, g2_ref):
  dis = dis_ref[...]
  acc = p_ref[0, :N, :] + p_ref[1, :N, :] + g1_ref[...]
  bx = jnp.maximum(acc * dis + b1_ref[...], 0.0)
  g2_ref[...] = jnp.dot(bx, w2_ref[...],
                        preferred_element_type=jnp.float32) * dis


def _tc_mid(p, g1, dis, w2, b1r):
  return pl.pallas_call(
      _tc_mid_body,
      out_shape=jax.ShapeDtypeStruct((N, HID2), jnp.float32),
  )(p, g1, dis, w2, b1r)


def _tc_post_body(q_ref, g2_ref, dis_ref, b2_ref, batch_ref, wm_ref, bm_ref,
                  out_ref):
  acc = q_ref[0, :, :N] + q_ref[1, :, :N] + g2_ref[...]
  cx = jnp.maximum(acc * dis_ref[...] + b2_ref[...], 0.0)
  b = batch_ref[...]
  neg = jnp.float32(-jnp.inf)
  cols = []
  for g in range(N_GRAPHS):
    m = (b == g)
    cols.append(jnp.max(jnp.where(m, cx, neg), axis=1, keepdims=False))
  px = jnp.stack(cols, axis=0)
  out_ref[...] = jnp.dot(px, wm_ref[...],
                         preferred_element_type=jnp.float32) + bm_ref[...]


def _tc_post(qt, g2t, dist, b2t, batcht, wm, bmr):
  return pl.pallas_call(
      _tc_post_body,
      out_shape=jax.ShapeDtypeStruct((N_GRAPHS, N_DCS), jnp.float32),
  )(qt, g2t, dist, b2t, batcht, wm, bmr)



@jax.jit
def kernel(x, edge_index, batch, W1, b1, W2, b2, Wm, bm):
  pad = E_PAD - E
  pad_idx = jnp.asarray(N + (np.arange(pad) % (NP - N)), dtype=jnp.int32)
  ep = jnp.concatenate(
      [edge_index, jnp.broadcast_to(pad_idx, (2, pad))], axis=1)
  ep = ep.reshape(2, NW * K, CH)
  srcp, dstp = ep[0], ep[1]

  z16 = jnp.zeros((RPT, DEGW), jnp.float32)
  z64 = jnp.zeros((RPT, HID), jnp.float32)
  z32 = jnp.zeros((RPT, HID2), jnp.float32)
  ones16 = jnp.ones((CH, DEGW), jnp.float32)

  degp = _deg(dstp, z16, ones16)
  g1, dis = _tc_pre(degp[:, :, 0], x, W1)
  g1p = jnp.pad(g1, ((0, NP - N), (0, 0)))
  p = _agg64(srcp, dstp, g1p, z64)
  g2 = _tc_mid(p, g1, dis, W2, b1.reshape(1, HID))
  g2p = jnp.pad(g2, ((0, NP - N), (0, 0)))
  q = _agg32(srcp, dstp, g2p, z32)
  qt = jnp.transpose(q, (0, 2, 1))
  return _tc_post(qt, g2.T, dis.reshape(1, N), b2.reshape(HID2, 1),
                  batch.reshape(1, N), Wm, bm.reshape(1, N_DCS))

# --- scband reference (transcript-rebuilt; emitter-appended) ---
"""Pipeline reference for scband-physnet-agg-demand-gcn-15994458211335 (READ-ONLY COPY).

The authoritative reference and input builder live on the scoring server;
editing this copy changes nothing except your own understanding.
"""

import jax, jax.numpy as jnp
import numpy as np

N_NODES = 10000
N_EDGES = 320000
F_IN = 128      # num_commodities
HID = 64        # hidden_units
HID2 = HID // 2
N_DCS = 32
N_GRAPHS = 16


def setup_inputs(seed: int = 0) -> dict:
    key = jax.random.key(seed)
    ks = jax.random.split(key, 8)
    x = jax.random.normal(ks[0], (N_NODES, F_IN), dtype=jnp.float32)
    edge_index = jax.random.randint(ks[1], (2, N_EDGES), 0, N_NODES, dtype=jnp.int32)
    batch = jnp.sort(jax.random.randint(ks[2], (N_NODES,), 0, N_GRAPHS, dtype=jnp.int32))
    W1 = jax.random.normal(ks[3], (F_IN, HID), dtype=jnp.float32) * 0.05
    b1 = jnp.zeros((HID,), dtype=jnp.float32)
    W2 = jax.random.normal(ks[4], (HID, HID2), dtype=jnp.float32) * 0.05
    b2 = jnp.zeros((HID2,), dtype=jnp.float32)
    Wm = jax.random.normal(ks[5], (HID2, N_DCS), dtype=jnp.float32) * 0.05
    bm = jnp.zeros((N_DCS,), dtype=jnp.float32)
    return {"x": x, "edge_index": edge_index, "batch": batch,
            "W1": W1, "b1": b1, "W2": W2, "b2": b2, "Wm": Wm, "bm": bm}


def _gcn_conv(x, edge_index, W, b):
    # Faithful PyG GCNConv: add self-loops, symmetric deg^{-1/2} normalization,
    # linear transform, scatter-add aggregation, bias.
    n = x.shape[0]
    loop = jnp.arange(n, dtype=edge_index.dtype)
    src = jnp.concatenate([edge_index[0], loop])
    dst = jnp.concatenate([edge_index[1], loop])
    deg = jnp.zeros((n,), dtype=x.dtype).at[dst].add(1.0)
    deg_inv_sqrt = jnp.where(deg > 0, 1.0 / jnp.sqrt(deg), 0.0)
    norm = deg_inv_sqrt[src] * deg_inv_sqrt[dst]
    h = x @ W
    msg = h[src] * norm[:, None]
    out = jnp.zeros((n, W.shape[1]), dtype=x.dtype).at[dst].add(msg)
    return out + b


def reference(x, edge_index, batch, W1, b1, W2, b2, Wm, bm):
    # x = data.x.float() (normalize_inputs is False)
    bx = jax.nn.relu(_gcn_conv(x, edge_index, W1, b1))
    cx = jax.nn.relu(_gcn_conv(bx, edge_index, W2, b2))
    px = jax.ops.segment_max(cx, batch, num_segments=N_GRAPHS)  # global_max_pool
    mx = px @ Wm + bm
    return mx

if __name__ == "__main__":
    import jax
    _d = setup_inputs()
    print(jax.jit(kernel)(*tuple(_d.values())))

</pallas_src>

<mosaic_0001>
#map = affine_map<(d0, d1) -> (0, 0)>
#map1 = affine_map<(d0, d1) -> (0, 0, 0)>
module attributes {stable_mosaic.version = 14 : i64} {
  func.func @_deg(%arg0: i32, %arg1: i32, %arg2: memref<2560x128xi32, #tpu.memory_space<hbm>>, %arg3: memref<632x16xf32, #tpu.memory_space<hbm>>, %arg4: memref<128x16xf32, #tpu.memory_space<hbm>>, %arg5: memref<2x10112x16xf32, #tpu.memory_space<hbm>>, %arg6: memref<80x128xi32, #tpu.memory_space<vmem>>, %arg7: memref<128x16xf32, #tpu.memory_space<vmem>>, %arg8: memref<10112x16xf32, #tpu.memory_space<vmem_shared>>, %arg9: memref<!tpu.dma_semaphore, #tpu.memory_space<semaphore_mem>>) attributes {dimension_semantics = [#tpu.dimension_semantics<core_parallel>, #tpu.dimension_semantics<subcore_parallel>], iteration_bounds = array<i64: 2, 16>, scalar_prefetch = 0 : i64, scratch_operands = 4 : i64, tpu.core_type = #tpu.core_type<sc_vector_subcore>, window_params = [{transform_indices = #map}, {transform_indices = #map}, {transform_indices = #map}, {transform_indices = #map1}]} {
    %mul3A = arith.constant 16 : i32
    %mul3A_0 = arith.muli %arg0, %mul3A : i32
    %add3A = arith.addi %mul3A_0, %arg1 : i32
    %mul3A_1 = arith.constant 632 : i32
    %mul3A_2 = arith.muli %arg1, %mul3A_1 : i32
    "tpu.region"() ({
      %run_scoped3A = tpu.sem_alloc : memref<!tpu.dma_semaphore, #tpu.memory_space<semaphore_mem>>
      %dma_start3A = arith.constant 0 : i32
      %dma_start3A_15 = tpu.memref_slice %arg8[%mul3A_2, %dma_start3A] : memref<10112x16xf32, #tpu.memory_space<vmem_shared>> -> memref<632x16xf32, #tpu.memory_space<vmem_shared>>
      tpu.enqueue_dma source(%arg3 : memref<632x16xf32, #tpu.memory_space<hbm>>) target(%dma_start3A_15 : memref<632x16xf32, #tpu.memory_space<vmem_shared>>) target_semaphore(%run_scoped3A : memref<!tpu.dma_semaphore, #tpu.memory_space<semaphore_mem>>)
      %dma_wait3A = arith.constant 0 : i32
      %dma_wait3A_16 = tpu.memref_slice %arg8[%mul3A_2, %dma_wait3A] : memref<10112x16xf32, #tpu.memory_space<vmem_shared>> -> memref<632x16xf32, #tpu.memory_space<vmem_shared>>
      tpu.wait_dma2 semaphore(%run_scoped3A : memref<!tpu.dma_semaphore, #tpu.memory_space<semaphore_mem>>) src(%arg3 : memref<632x16xf32, #tpu.memory_space<hbm>>) dst(%dma_wait3A_16 : memref<632x16xf32, #tpu.memory_space<vmem_shared>>)
      tpu.yield
    }) : () -> ()
    %mul3A_3 = arith.constant 80 : i32
    %mul3A_4 = arith.muli %add3A, %mul3A_3 : i32
    "tpu.region"() ({
      %run_scoped3A = tpu.sem_alloc : memref<!tpu.dma_semaphore, #tpu.memory_space<semaphore_mem>>
      %dma_start3A = arith.constant 0 : i32
      %dma_start3A_15 = tpu.memref_slice %arg2[%mul3A_4, %dma_start3A] : memref<2560x128xi32, #tpu.memory_space<hbm>> -> memref<80x128xi32, #tpu.memory_space<hbm>>
      %dma_start3A_16 = arith.constant 0 : i32
      %dma_start3A_17 = tpu.memref_slice %arg2[%mul3A_4, %dma_start3A_16] : memref<2560x128xi32, #tpu.memory_space<hbm>> -> memref<80x128xi32, #tpu.memory_space<hbm>>
      tpu.enqueue_dma source(%dma_start3A_17 : memref<80x128xi32, #tpu.memory_space<hbm>>) target(%arg6 : memref<80x128xi32, #tpu.memory_space<vmem>>) target_semaphore(%run_scoped3A : memref<!tpu.dma_semaphore, #tpu.memory_space<semaphore_mem>>)
      %dma_wait3A = arith.constant 0 : i32
      %dma_wait3A_18 = tpu.memref_slice %arg2[%mul3A_4, %dma_wait3A] : memref<2560x128xi32, #tpu.memory_space<hbm>> -> memref<80x128xi32, #tpu.memory_space<hbm>>
      %dma_wait3A_19 = arith.constant 0 : i32
      %dma_wait3A_20 = tpu.memref_slice %arg2[%mul3A_4, %dma_wait3A_19] : memref<2560x128xi32, #tpu.memory_space<hbm>> -> memref<80x128xi32, #tpu.memory_space<hbm>>
      tpu.wait_dma2 semaphore(%run_scoped3A : memref<!tpu.dma_semaphore, #tpu.memory_space<semaphore_mem>>) src(%dma_wait3A_20 : memref<80x128xi32, #tpu.memory_space<hbm>>) dst(%arg6 : memref<80x128xi32, #tpu.memory_space<vmem>>)
      tpu.yield
    }) : () -> ()
    "tpu.region"() ({
      %run_scoped3A = tpu.sem_alloc : memref<!tpu.dma_semaphore, #tpu.memory_space<semaphore_mem>>
      tpu.enqueue_dma source(%arg4 : memref<128x16xf32, #tpu.memory_space<hbm>>) target(%arg7 : memref<128x16xf32, #tpu.memory_space<vmem>>) target_semaphore(%run_scoped3A : memref<!tpu.dma_semaphore, #tpu.memory_space<semaphore_mem>>)
      tpu.wait_dma2 semaphore(%run_scoped3A : memref<!tpu.dma_semaphore, #tpu.memory_space<semaphore_mem>>) src(%arg4 : memref<128x16xf32, #tpu.memory_space<hbm>>) dst(%arg7 : memref<128x16xf32, #tpu.memory_space<vmem>>)
      tpu.yield
    }) : () -> ()
    %barrier3A = arith.constant 0 : index
    tpu.barrier barrier_id(%barrier3A)
    %scan3A = arith.constant 0 : i32
    %scan3A_5 = arith.constant 0 : i32
    %scan3A_6 = arith.constant 80 : i32
    %scan3A_7 = arith.addi %scan3A_5, %scan3A_6 : i32
    %scan3A_8 = arith.constant 1 : i32
    scf.for %scan3A_15 = %scan3A_5 to %scan3A_7 step %scan3A_8  : i32 {
      "tpu.region"() ({
        %run_scoped3A = tpu.sem_alloc : memref<!tpu.dma_semaphore, #tpu.memory_space<semaphore_mem>>
        %dma_start3A = arith.constant 0 : i32
        %dma_start3A_16 = tpu.memref_slice %arg6[%scan3A_15, %dma_start3A] : memref<80x128xi32, #tpu.memory_space<vmem>> -> memref<1x128xi32, #tpu.memory_space<vmem>>
        %dma_start3A_17 = tpu.memref_squeeze %dma_start3A_16 : memref<1x128xi32, #tpu.memory_space<vmem>> -> memref<128xi32, #tpu.memory_space<vmem>>
        %dma_start3A_18 = arith.constant 0 : i32
        %dma_start3A_19 = arith.constant 0 : i32
        %dma_start3A_20 = tpu.memref_slice %arg8[%dma_start3A_18, %dma_start3A_19] : memref<10112x16xf32, #tpu.memory_space<vmem_shared>> -> memref<10112x16xf32, #tpu.memory_space<vmem_shared>>
        tpu.enqueue_indirect_dma source(%arg7 : memref<128x16xf32, #tpu.memory_space<vmem>>) target(%dma_start3A_20 : memref<10112x16xf32, #tpu.memory_space<vmem_shared>>) offsets(%dma_start3A_17 : memref<128xi32, #tpu.memory_space<vmem>>) semaphore(%run_scoped3A : memref<!tpu.dma_semaphore, #tpu.memory_space<semaphore_mem>>) {add = true}
        %dma_wait3A = arith.constant 0 : i32
        %dma_wait3A_21 = tpu.memref_slice %arg6[%scan3A_15, %dma_wait3A] : memref<80x128xi32, #tpu.memory_space<vmem>> -> memref<1x128xi32, #tpu.memory_space<vmem>>
        %dma_wait3A_22 = tpu.memref_squeeze %dma_wait3A_21 : memref<1x128xi32, #tpu.memory_space<vmem>> -> memref<128xi32, #tpu.memory_space<vmem>>
        %dma_wait3A_23 = arith.constant 0 : i32
        %dma_wait3A_24 = arith.constant 0 : i32
        %dma_wait3A_25 = tpu.memref_slice %arg8[%dma_wait3A_23, %dma_wait3A_24] : memref<10112x16xf32, #tpu.memory_space<vmem_shared>> -> memref<10112x16xf32, #tpu.memory_space<vmem_shared>>
        tpu.wait_indirect_dma semaphore(%run_scoped3A : memref<!tpu.dma_semaphore, #tpu.memory_space<semaphore_mem>>) src(%arg7 : memref<128x16xf32, #tpu.memory_space<vmem>>) dst(%dma_wait3A_25 : memref<10112x16xf32, #tpu.memory_space<vmem_shared>>)
        tpu.yield
      }) : () -> ()
    }
    %scan3A_9 = arith.constant 80 : i32
    %barrier3A_10 = arith.constant 0 : index
    tpu.barrier barrier_id(%barrier3A_10)
    %mul3A_11 = arith.constant 632 : i32
    %mul3A_12 = arith.muli %arg1, %mul3A_11 : i32
    %mul3A_13 = arith.constant 632 : i32
    %mul3A_14 = arith.muli %arg1, %mul3A_13 : i32
    "tpu.region"() ({
      %run_scoped3A = tpu.sem_alloc : memref<!tpu.dma_semaphore, #tpu.memory_space<semaphore_mem>>
      %dma_start3A = arith.constant 0 : i32
      %dma_start3A_15 = tpu.memref_slice %arg5[%arg0, %mul3A_14, %dma_start3A] : memref<2x10112x16xf32, #tpu.memory_space<hbm>> -> memref<1x632x16xf32, #tpu.memory_space<hbm>>
      %dma_start3A_16 = tpu.memref_squeeze %dma_start3A_15 : memref<1x632x16xf32, #tpu.memory_space<hbm>> -> memref<632x16xf32, #tpu.memory_space<hbm>>
      %dma_start3A_17 = arith.constant 0 : i32
      %dma_start3A_18 = tpu.memref_slice %arg8[%mul3A_12, %dma_start3A_17] : memref<10112x16xf32, #tpu.memory_space<vmem_shared>> -> memref<632x16xf32, #tpu.memory_space<vmem_shared>>
      tpu.enqueue_dma source(%dma_start3A_18 : memref<632x16xf32, #tpu.memory_space<vmem_shared>>) target(%dma_start3A_16 : memref<632x16xf32, #tpu.memory_space<hbm>>) target_semaphore(%run_scoped3A : memref<!tpu.dma_semaphore, #tpu.memory_space<semaphore_mem>>)
      %dma_wait3A = arith.constant 0 : i32
      %dma_wait3A_19 = tpu.memref_slice %arg5[%arg0, %mul3A_14, %dma_wait3A] : memref<2x10112x16xf32, #tpu.memory_space<hbm>> -> memref<1x632x16xf32, #tpu.memory_space<hbm>>
      %dma_wait3A_20 = tpu.memref_squeeze %dma_wait3A_19 : memref<1x632x16xf32, #tpu.memory_space<hbm>> -> memref<632x16xf32, #tpu.memory_space<hbm>>
      %dma_wait3A_21 = arith.constant 0 : i32
      %dma_wait3A_22 = tpu.memref_slice %arg8[%mul3A_12, %dma_wait3A_21] : memref<10112x16xf32, #tpu.memory_space<vmem_shared>> -> memref<632x16xf32, #tpu.memory_space<vmem_shared>>
      tpu.wait_dma2 semaphore(%run_scoped3A : memref<!tpu.dma_semaphore, #tpu.memory_space<semaphore_mem>>) src(%dma_wait3A_22 : memref<632x16xf32, #tpu.memory_space<vmem_shared>>) dst(%dma_wait3A_20 : memref<632x16xf32, #tpu.memory_space<hbm>>)
      tpu.yield
    }) : () -> ()
    return
  }
}

#map = affine_map<(d0, d1) -> (0, 0)>
#map1 = affine_map<(d0, d1) -> (0, 0, 0)>
module attributes {stable_mosaic.version = 14 : i64} {
  func.func @agg(%arg0: i32, %arg1: i32, %arg2: memref<2560x128xi32, #tpu.memory_space<hbm>>, %arg3: memref<2560x128xi32, #tpu.memory_space<hbm>>, %arg4: memref<10112x32xf32, #tpu.memory_space<hbm>>, %arg5: memref<632x32xf32, #tpu.memory_space<hbm>>, %arg6: memref<2x10112x32xf32, #tpu.memory_space<hbm>>, %arg7: memref<80x128xi32, #tpu.memory_space<vmem>>, %arg8: memref<80x128xi32, #tpu.memory_space<vmem>>, %arg9: memref<2x4x128x32xf32, #tpu.memory_space<vmem>>, %arg10: memref<10112x32xf32, #tpu.memory_space<vmem_shared>>, %arg11: memref<2x4x!tpu.dma_semaphore, #tpu.memory_space<semaphore_mem>>) attributes {dimension_semantics = [#tpu.dimension_semantics<core_parallel>, #tpu.dimension_semantics<subcore_parallel>], iteration_bounds = array<i64: 2, 16>, scalar_prefetch = 0 : i64, scratch_operands = 5 : i64, tpu.core_type = #tpu.core_type<sc_vector_subcore>, window_params = [{transform_indices = #map}, {transform_indices = #map}, {transform_indices = #map}, {transform_indices = #map}, {transform_indices = #map1}]} {
    %mul3A = arith.constant 16 : i32
    %mul3A_0 = arith.muli %arg0, %mul3A : i32
    %add3A = arith.addi %mul3A_0, %arg1 : i32
    %mul3A_1 = arith.constant 632 : i32
    %mul3A_2 = arith.muli %arg1, %mul3A_1 : i32
    "tpu.region"() ({
      %run_scoped3A = tpu.sem_alloc : memref<!tpu.dma_semaphore, #tpu.memory_space<semaphore_mem>>
      %dma_start3A_84 = arith.constant 0 : i32
      %dma_start3A_85 = tpu.memref_slice %arg10[%mul3A_2, %dma_start3A_84] : memref<10112x32xf32, #tpu.memory_space<vmem_shared>> -> memref<632x32xf32, #tpu.memory_space<vmem_shared>>
      tpu.enqueue_dma source(%arg5 : memref<632x32xf32, #tpu.memory_space<hbm>>) target(%dma_start3A_85 : memref<632x32xf32, #tpu.memory_space<vmem_shared>>) target_semaphore(%run_scoped3A : memref<!tpu.dma_semaphore, #tpu.memory_space<semaphore_mem>>)
      %dma_wait3A = arith.constant 0 : i32
      %dma_wait3A_86 = tpu.memref_slice %arg10[%mul3A_2, %dma_wait3A] : memref<10112x32xf32, #tpu.memory_space<vmem_shared>> -> memref<632x32xf32, #tpu.memory_space<vmem_shared>>
      tpu.wait_dma2 semaphore(%run_scoped3A : memref<!tpu.dma_semaphore, #tpu.memory_space<semaphore_mem>>) src(%arg5 : memref<632x32xf32, #tpu.memory_space<hbm>>) dst(%dma_wait3A_86 : memref<632x32xf32, #tpu.memory_space<vmem_shared>>)
      tpu.yield
    }) : () -> ()
    %mul3A_3 = arith.constant 80 : i32
    %mul3A_4 = arith.muli %add3A, %mul3A_3 : i32
    "tpu.region"() ({
      %run_scoped3A = tpu.sem_alloc : memref<!tpu.dma_semaphore, #tpu.memory_space<semaphore_mem>>
      %dma_start3A_84 = arith.constant 0 : i32
      %dma_start3A_85 = tpu.memref_slice %arg2[%mul3A_4, %dma_start3A_84] : memref<2560x128xi32, #tpu.memory_space<hbm>> -> memref<80x128xi32, #tpu.memory_space<hbm>>
      %dma_start3A_86 = arith.constant 0 : i32
      %dma_start3A_87 = tpu.memref_slice %arg2[%mul3A_4, %dma_start3A_86] : memref<2560x128xi32, #tpu.memory_space<hbm>> -> memref<80x128xi32, #tpu.memory_space<hbm>>
      tpu.enqueue_dma source(%dma_start3A_87 : memref<80x128xi32, #tpu.memory_space<hbm>>) target(%arg7 : memref<80x128xi32, #tpu.memory_space<vmem>>) target_semaphore(%run_scoped3A : memref<!tpu.dma_semaphore, #tpu.memory_space<semaphore_mem>>)
      %dma_wait3A = arith.constant 0 : i32
      %dma_wait3A_88 = tpu.memref_slice %arg2[%mul3A_4, %dma_wait3A] : memref<2560x128xi32, #tpu.memory_space<hbm>> -> memref<80x128xi32, #tpu.memory_space<hbm>>
      %dma_wait3A_89 = arith.constant 0 : i32
      %dma_wait3A_90 = tpu.memref_slice %arg2[%mul3A_4, %dma_wait3A_89] : memref<2560x128xi32, #tpu.memory_space<hbm>> -> memref<80x128xi32, #tpu.memory_space<hbm>>
      tpu.wait_dma2 semaphore(%run_scoped3A : memref<!tpu.dma_semaphore, #tpu.memory_space<semaphore_mem>>) src(%dma_wait3A_90 : memref<80x128xi32, #tpu.memory_space<hbm>>) dst(%arg7 : memref<80x128xi32, #tpu.memory_space<vmem>>)
      tpu.yield
    }) : () -> ()
    %mul3A_5 = arith.constant 80 : i32
    %mul3A_6 = arith.muli %add3A, %mul3A_5 : i32
    "tpu.region"() ({
      %run_scoped3A = tpu.sem_alloc : memref<!tpu.dma_semaphore, #tpu.memory_space<semaphore_mem>>
      %dma_start3A_84 = arith.constant 0 : i32
      %dma_start3A_85 = tpu.memref_slice %arg3[%mul3A_6, %dma_start3A_84] : memref<2560x128xi32, #tpu.memory_space<hbm>> -> memref<80x128xi32, #tpu.memory_space<hbm>>
      %dma_start3A_86 = arith.constant 0 : i32
      %dma_start3A_87 = tpu.memref_slice %arg3[%mul3A_6, %dma_start3A_86] : memref<2560x128xi32, #tpu.memory_space<hbm>> -> memref<80x128xi32, #tpu.memory_space<hbm>>
      tpu.enqueue_dma source(%dma_start3A_87 : memref<80x128xi32, #tpu.memory_space<hbm>>) target(%arg8 : memref<80x128xi32, #tpu.memory_space<vmem>>) target_semaphore(%run_scoped3A : memref<!tpu.dma_semaphore, #tpu.memory_space<semaphore_mem>>)
      %dma_wait3A = arith.constant 0 : i32
      %dma_wait3A_88 = tpu.memref_slice %arg3[%mul3A_6, %dma_wait3A] : memref<2560x128xi32, #tpu.memory_space<hbm>> -> memref<80x128xi32, #tpu.memory_space<hbm>>
      %dma_wait3A_89 = arith.constant 0 : i32
      %dma_wait3A_90 = tpu.memref_slice %arg3[%mul3A_6, %dma_wait3A_89] : memref<2560x128xi32, #tpu.memory_space<hbm>> -> memref<80x128xi32, #tpu.memory_space<hbm>>
      tpu.wait_dma2 semaphore(%run_scoped3A : memref<!tpu.dma_semaphore, #tpu.memory_space<semaphore_mem>>) src(%dma_wait3A_90 : memref<80x128xi32, #tpu.memory_space<hbm>>) dst(%arg8 : memref<80x128xi32, #tpu.memory_space<vmem>>)
      tpu.yield
    }) : () -> ()
    %barrier3A = arith.constant 0 : index
    tpu.barrier barrier_id(%barrier3A)
    %dma_start3A = arith.constant 0 : i32
    %dma_start3A_7 = arith.constant 0 : i32
    %dma_start3A_8 = arith.constant 0 : i32
    %dma_start3A_9 = arith.constant 0 : i32
    %dma_start3A_10 = arith.constant 0 : i32
    %dma_start3A_11 = arith.constant 0 : i32
    %dma_start3A_12 = arith.constant 0 : i32
    %dma_start3A_13 = tpu.memref_slice %arg9[%dma_start3A_7, %dma_start3A_8, %dma_start3A_11, %dma_start3A_12] : memref<2x4x128x32xf32, #tpu.memory_space<vmem>> -> memref<1x1x128x32xf32, #tpu.memory_space<vmem>>
    %dma_start3A_14 = tpu.memref_squeeze %dma_start3A_13 : memref<1x1x128x32xf32, #tpu.memory_space<vmem>> -> memref<128x32xf32, #tpu.memory_space<vmem>>
    %dma_start3A_15 = arith.constant 0 : i32
    %dma_start3A_16 = tpu.memref_slice %arg7[%dma_start3A, %dma_start3A_15] : memref<80x128xi32, #tpu.memory_space<vmem>> -> memref<1x128xi32, #tpu.memory_space<vmem>>
    %dma_start3A_17 = tpu.memref_squeeze %dma_start3A_16 : memref<1x128xi32, #tpu.memory_space<vmem>> -> memref<128xi32, #tpu.memory_space<vmem>>
    %dma_start3A_18 = arith.constant 0 : i32
    %dma_start3A_19 = arith.constant 0 : i32
    %dma_start3A_20 = tpu.memref_slice %arg4[%dma_start3A_18, %dma_start3A_19] : memref<10112x32xf32, #tpu.memory_space<hbm>> -> memref<10112x32xf32, #tpu.memory_space<hbm>>
    %dma_start3A_21 = tpu.memref_slice %arg11[%dma_start3A_9, %dma_start3A_10] : memref<2x4x!tpu.dma_semaphore, #tpu.memory_space<semaphore_mem>> -> memref<1x1x!tpu.dma_semaphore, #tpu.memory_space<semaphore_mem>>
    %dma_start3A_22 = tpu.memref_squeeze %dma_start3A_21 : memref<1x1x!tpu.dma_semaphore, #tpu.memory_space<semaphore_mem>> -> memref<!tpu.dma_semaphore, #tpu.memory_space<semaphore_mem>>
    tpu.enqueue_indirect_dma source(%dma_start3A_20 : memref<10112x32xf32, #tpu.memory_space<hbm>>) target(%dma_start3A_14 : memref<128x32xf32, #tpu.memory_space<vmem>>) offsets(%dma_start3A_17 : memref<128xi32, #tpu.memory_space<vmem>>) semaphore(%dma_start3A_22 : memref<!tpu.dma_semaphore, #tpu.memory_space<semaphore_mem>>)
    %dma_start3A_23 = arith.constant 1 : i32
    %dma_start3A_24 = arith.constant 0 : i32
    %dma_start3A_25 = arith.constant 1 : i32
    %dma_start3A_26 = arith.constant 0 : i32
    %dma_start3A_27 = arith.constant 1 : i32
    %dma_start3A_28 = arith.constant 0 : i32
    %dma_start3A_29 = arith.constant 0 : i32
    %dma_start3A_30 = tpu.memref_slice %arg9[%dma_start3A_24, %dma_start3A_25, %dma_start3A_28, %dma_start3A_29] : memref<2x4x128x32xf32, #tpu.memory_space<vmem>> -> memref<1x1x128x32xf32, #tpu.memory_space<vmem>>
    %dma_start3A_31 = tpu.memref_squeeze %dma_start3A_30 : memref<1x1x128x32xf32, #tpu.memory_space<vmem>> -> memref<128x32xf32, #tpu.memory_space<vmem>>
    %dma_start3A_32 = arith.constant 0 : i32
    %dma_start3A_33 = tpu.memref_slice %arg7[%dma_start3A_23, %dma_start3A_32] : memref<80x128xi32, #tpu.memory_space<vmem>> -> memref<1x128xi32, #tpu.memory_space<vmem>>
    %dma_start3A_34 = tpu.memref_squeeze %dma_start3A_33 : memref<1x128xi32, #tpu.memory_space<vmem>> -> memref<128xi32, #tpu.memory_space<vmem>>
    %dma_start3A_35 = arith.constant 0 : i32
    %dma_start3A_36 = arith.constant 0 : i32
    %dma_start3A_37 = tpu.memref_slice %arg4[%dma_start3A_35, %dma_start3A_36] : memref<10112x32xf32, #tpu.memory_space<hbm>> -> memref<10112x32xf32, #tpu.memory_space<hbm>>
    %dma_start3A_38 = tpu.memref_slice %arg11[%dma_start3A_26, %dma_start3A_27] : memref<2x4x!tpu.dma_semaphore, #tpu.memory_space<semaphore_mem>> -> memref<1x1x!tpu.dma_semaphore, #tpu.memory_space<semaphore_mem>>
    %dma_start3A_39 = tpu.memref_squeeze %dma_start3A_38 : memref<1x1x!tpu.dma_semaphore, #tpu.memory_space<semaphore_mem>> -> memref<!tpu.dma_semaphore, #tpu.memory_space<semaphore_mem>>
    tpu.enqueue_indirect_dma source(%dma_start3A_37 : memref<10112x32xf32, #tpu.memory_space<hbm>>) target(%dma_start3A_31 : memref<128x32xf32, #tpu.memory_space<vmem>>) offsets(%dma_start3A_34 : memref<128xi32, #tpu.memory_space<vmem>>) semaphore(%dma_start3A_39 : memref<!tpu.dma_semaphore, #tpu.memory_space<semaphore_mem>>)
    %dma_start3A_40 = arith.constant 2 : i32
    %dma_start3A_41 = arith.constant 0 : i32
    %dma_start3A_42 = arith.constant 2 : i32
    %dma_start3A_43 = arith.constant 0 : i32
    %dma_start3A_44 = arith.constant 2 : i32
    %dma_start3A_45 = arith.constant 0 : i32
    %dma_start3A_46 = arith.constant 0 : i32
    %dma_start3A_47 = tpu.memref_slice %arg9[%dma_start3A_41, %dma_start3A_42, %dma_start3A_45, %dma_start3A_46] : memref<2x4x128x32xf32, #tpu.memory_space<vmem>> -> memref<1x1x128x32xf32, #tpu.memory_space<vmem>>
    %dma_start3A_48 = tpu.memref_squeeze %dma_start3A_47 : memref<1x1x128x32xf32, #tpu.memory_space<vmem>> -> memref<128x32xf32, #tpu.memory_space<vmem>>
    %dma_start3A_49 = arith.constant 0 : i32
    %dma_start3A_50 = tpu.memref_slice %arg7[%dma_start3A_40, %dma_start3A_49] : memref<80x128xi32, #tpu.memory_space<vmem>> -> memref<1x128xi32, #tpu.memory_space<vmem>>
    %dma_start3A_51 = tpu.memref_squeeze %dma_start3A_50 : memref<1x128xi32, #tpu.memory_space<vmem>> -> memref<128xi32, #tpu.memory_space<vmem>>
    %dma_start3A_52 = arith.constant 0 : i32
    %dma_start3A_53 = arith.constant 0 : i32
    %dma_start3A_54 = tpu.memref_slice %arg4[%dma_start3A_52, %dma_start3A_53] : memref<10112x32xf32, #tpu.memory_space<hbm>> -> memref<10112x32xf32, #tpu.memory_space<hbm>>
    %dma_start3A_55 = tpu.memref_slice %arg11[%dma_start3A_43, %dma_start3A_44] : memref<2x4x!tpu.dma_semaphore, #tpu.memory_space<semaphore_mem>> -> memref<1x1x!tpu.dma_semaphore, #tpu.memory_space<semaphore_mem>>
    %dma_start3A_56 = tpu.memref_squeeze %dma_start3A_55 : memref<1x1x!tpu.dma_semaphore, #tpu.memory_space<semaphore_mem>> -> memref<!tpu.dma_semaphore, #tpu.memory_space<semaphore_mem>>
    tpu.enqueue_indirect_dma source(%dma_start3A_54 : memref<10112x32xf32, #tpu.memory_space<hbm>>) target(%dma_start3A_48 : memref<128x32xf32, #tpu.memory_space<vmem>>) offsets(%dma_start3A_51 : memref<128xi32, #tpu.memory_space<vmem>>) semaphore(%dma_start3A_56 : memref<!tpu.dma_semaphore, #tpu.memory_space<semaphore_mem>>)
    %dma_start3A_57 = arith.constant 3 : i32
    %dma_start3A_58 = arith.constant 0 : i32
    %dma_start3A_59 = arith.constant 3 : i32
    %dma_start3A_60 = arith.constant 0 : i32
    %dma_start3A_61 = arith.constant 3 : i32
    %dma_start3A_62 = arith.constant 0 : i32
    %dma_start3A_63 = arith.constant 0 : i32
    %dma_start3A_64 = tpu.memref_slice %arg9[%dma_start3A_58, %dma_start3A_59, %dma_start3A_62, %dma_start3A_63] : memref<2x4x128x32xf32, #tpu.memory_space<vmem>> -> memref<1x1x128x32xf32, #tpu.memory_space<vmem>>
    %dma_start3A_65 = tpu.memref_squeeze %dma_start3A_64 : memref<1x1x128x32xf32, #tpu.memory_space<vmem>> -> memref<128x32xf32, #tpu.memory_space<vmem>>
    %dma_start3A_66 = arith.constant 0 : i32
    %dma_start3A_67 = tpu.memref_slice %arg7[%dma_start3A_57, %dma_start3A_66] : memref<80x128xi32, #tpu.memory_space<vmem>> -> memref<1x128xi32, #tpu.memory_space<vmem>>
    %dma_start3A_68 = tpu.memref_squeeze %dma_start3A_67 : memref<1x128xi32, #tpu.memory_space<vmem>> -> memref<128xi32, #tpu.memory_space<vmem>>
    %dma_start3A_69 = arith.constant 0 : i32
    %dma_start3A_70 = arith.constant 0 : i32
    %dma_start3A_71 = tpu.memref_slice %arg4[%dma_start3A_69, %dma_start3A_70] : memref<10112x32xf32, #tpu.memory_space<hbm>> -> memref<10112x32xf32, #tpu.memory_space<hbm>>
    %dma_start3A_72 = tpu.memref_slice %arg11[%dma_start3A_60, %dma_start3A_61] : memref<2x4x!tpu.dma_semaphore, #tpu.memory_space<semaphore_mem>> -> memref<1x1x!tpu.dma_semaphore, #tpu.memory_space<semaphore_mem>>
    %dma_start3A_73 = tpu.memref_squeeze %dma_start3A_72 : memref<1x1x!tpu.dma_semaphore, #tpu.memory_space<semaphore_mem>> -> memref<!tpu.dma_semaphore, #tpu.memory_space<semaphore_mem>>
    tpu.enqueue_indirect_dma source(%dma_start3A_71 : memref<10112x32xf32, #tpu.memory_space<hbm>>) target(%dma_start3A_65 : memref<128x32xf32, #tpu.memory_space<vmem>>) offsets(%dma_start3A_68 : memref<128xi32, #tpu.memory_space<vmem>>) semaphore(%dma_start3A_73 : memref<!tpu.dma_semaphore, #tpu.memory_space<semaphore_mem>>)
    %scan3A = arith.constant 0 : i32
    %scan3A_74 = arith.constant 0 : i32
    %scan3A_75 = arith.constant 10 : i32
    %scan3A_76 = arith.addi %scan3A_74, %scan3A_75 : i32
    %scan3A_77 = arith.constant 1 : i32
    scf.for %scan3A_84 = %scan3A_74 to %scan3A_76 step %scan3A_77  : i32 {
      %mul3A_85 = arith.constant 2 : i32
      %mul3A_86 = arith.muli %mul3A_85, %scan3A_84 : i32
      %add3A_87 = arith.constant 1 : i32
      %add3A_88 = arith.addi %mul3A_86, %add3A_87 : i32
      %mul3A_89 = arith.constant 4 : i32
      %mul3A_90 = arith.muli %add3A_88, %mul3A_89 : i32
      %add3A_91 = arith.constant 0 : i32
      %add3A_92 = arith.addi %mul3A_90, %add3A_91 : i32
      %dma_start3A_93 = arith.constant 1 : i32
      %dma_start3A_94 = arith.constant 0 : i32
      %dma_start3A_95 = arith.constant 1 : i32
      %dma_start3A_96 = arith.constant 0 : i32
      %dma_start3A_97 = arith.constant 0 : i32
      %dma_start3A_98 = arith.constant 0 : i32
      %dma_start3A_99 = tpu.memref_slice %arg9[%dma_start3A_93, %dma_start3A_94, %dma_start3A_97, %dma_start3A_98] : memref<2x4x128x32xf32, #tpu.memory_space<vmem>> -> memref<1x1x128x32xf32, #tpu.memory_space<vmem>>
      %dma_start3A_100 = tpu.memref_squeeze %dma_start3A_99 : memref<1x1x128x32xf32, #tpu.memory_space<vmem>> -> memref<128x32xf32, #tpu.memory_space<vmem>>
      %dma_start3A_101 = arith.constant 0 : i32
      %dma_start3A_102 = tpu.memref_slice %arg7[%add3A_92, %dma_start3A_101] : memref<80x128xi32, #tpu.memory_space<vmem>> -> memref<1x128xi32, #tpu.memory_space<vmem>>
      %dma_start3A_103 = tpu.memref_squeeze %dma_start3A_102 : memref<1x128xi32, #tpu.memory_space<vmem>> -> memref<128xi32, #tpu.memory_space<vmem>>
      %dma_start3A_104 = arith.constant 0 : i32
      %dma_start3A_105 = arith.constant 0 : i32
      %dma_start3A_106 = tpu.memref_slice %arg4[%dma_start3A_104, %dma_start3A_105] : memref<10112x32xf32, #tpu.memory_space<hbm>> -> memref<10112x32xf32, #tpu.memory_space<hbm>>
      %dma_start3A_107 = tpu.memref_slice %arg11[%dma_start3A_95, %dma_start3A_96] : memref<2x4x!tpu.dma_semaphore, #tpu.memory_space<semaphore_mem>> -> memref<1x1x!tpu.dma_semaphore, #tpu.memory_space<semaphore_mem>>
      %dma_start3A_108 = tpu.memref_squeeze %dma_start3A_107 : memref<1x1x!tpu.dma_semaphore, #tpu.memory_space<semaphore_mem>> -> memref<!tpu.dma_semaphore, #tpu.memory_space<semaphore_mem>>
      tpu.enqueue_indirect_dma source(%dma_start3A_106 : memref<10112x32xf32, #tpu.memory_space<hbm>>) target(%dma_start3A_100 : memref<128x32xf32, #tpu.memory_space<vmem>>) offsets(%dma_start3A_103 : memref<128xi32, #tpu.memory_space<vmem>>) semaphore(%dma_start3A_108 : memref<!tpu.dma_semaphore, #tpu.memory_space<semaphore_mem>>)
      %mul3A_109 = arith.constant 4 : i32
      %mul3A_110 = arith.muli %add3A_88, %mul3A_109 : i32
      %add3A_111 = arith.constant 1 : i32
      %add3A_112 = arith.addi %mul3A_110, %add3A_111 : i32
      %dma_start3A_113 = arith.constant 1 : i32
      %dma_start3A_114 = arith.constant 1 : i32
      %dma_start3A_115 = arith.constant 1 : i32
      %dma_start3A_116 = arith.constant 1 : i32
      %dma_start3A_117 = arith.constant 0 : i32
      %dma_start3A_118 = arith.constant 0 : i32
      %dma_start3A_119 = tpu.memref_slice %arg9[%dma_start3A_113, %dma_start3A_114, %dma_start3A_117, %dma_start3A_118] : memref<2x4x128x32xf32, #tpu.memory_space<vmem>> -> memref<1x1x128x32xf32, #tpu.memory_space<vmem>>
      %dma_start3A_120 = tpu.memref_squeeze %dma_start3A_119 : memref<1x1x128x32xf32, #tpu.memory_space<vmem>> -> memref<128x32xf32, #tpu.memory_space<vmem>>
      %dma_start3A_121 = arith.constant 0 : i32
      %dma_start3A_122 = tpu.memref_slice %arg7[%add3A_112, %dma_start3A_121] : memref<80x128xi32, #tpu.memory_space<vmem>> -> memref<1x128xi32, #tpu.memory_space<vmem>>
      %dma_start3A_123 = tpu.memref_squeeze %dma_start3A_122 : memref<1x128xi32, #tpu.memory_space<vmem>> -> memref<128xi32, #tpu.memory_space<vmem>>
      %dma_start3A_124 = arith.constant 0 : i32
      %dma_start3A_125 = arith.constant 0 : i32
      %dma_start3A_126 = tpu.memref_slice %arg4[%dma_start3A_124, %dma_start3A_125] : memref<10112x32xf32, #tpu.memory_space<hbm>> -> memref<10112x32xf32, #tpu.memory_space<hbm>>
      %dma_start3A_127 = tpu.memref_slice %arg11[%dma_start3A_115, %dma_start3A_116] : memref<2x4x!tpu.dma_semaphore, #tpu.memory_space<semaphore_mem>> -> memref<1x1x!tpu.dma_semaphore, #tpu.memory_space<semaphore_mem>>
      %dma_start3A_128 = tpu.memref_squeeze %dma_start3A_127 : memref<1x1x!tpu.dma_semaphore, #tpu.memory_space<semaphore_mem>> -> memref<!tpu.dma_semaphore, #tpu.memory_space<semaphore_mem>>
      tpu.enqueue_indirect_dma source(%dma_start3A_126 : memref<10112x32xf32, #tpu.memory_space<hbm>>) target(%dma_start3A_120 : memref<128x32xf32, #tpu.memory_space<vmem>>) offsets(%dma_start3A_123 : memref<128xi32, #tpu.memory_space<vmem>>) semaphore(%dma_start3A_128 : memref<!tpu.dma_semaphore, #tpu.memory_space<semaphore_mem>>)
      %mul3A_129 = arith.constant 4 : i32
      %mul3A_130 = arith.muli %add3A_88, %mul3A_129 : i32
      %add3A_131 = arith.constant 2 : i32
      %add3A_132 = arith.addi %mul3A_130, %add3A_131 : i32
      %dma_start3A_133 = arith.constant 1 : i32
      %dma_start3A_134 = arith.constant 2 : i32
      %dma_start3A_135 = arith.constant 1 : i32
      %dma_start3A_136 = arith.constant 2 : i32
      %dma_start3A_137 = arith.constant 0 : i32
      %dma_start3A_138 = arith.constant 0 : i32
      %dma_start3A_139 = tpu.memref_slice %arg9[%dma_start3A_133, %dma_start3A_134, %dma_start3A_137, %dma_start3A_138] : memref<2x4x128x32xf32, #tpu.memory_space<vmem>> -> memref<1x1x128x32xf32, #tpu.memory_space<vmem>>
      %dma_start3A_140 = tpu.memref_squeeze %dma_start3A_139 : memref<1x1x128x32xf32, #tpu.memory_space<vmem>> -> memref<128x32xf32, #tpu.memory_space<vmem>>
      %dma_start3A_141 = arith.constant 0 : i32
      %dma_start3A_142 = tpu.memref_slice %arg7[%add3A_132, %dma_start3A_141] : memref<80x128xi32, #tpu.memory_space<vmem>> -> memref<1x128xi32, #tpu.memory_space<vmem>>
      %dma_start3A_143 = tpu.memref_squeeze %dma_start3A_142 : memref<1x128xi32, #tpu.memory_space<vmem>> -> memref<128xi32, #tpu.memory_space<vmem>>
      %dma_start3A_144 = arith.constant 0 : i32
      %dma_start3A_145 = arith.constant 0 : i32
      %dma_start3A_146 = tpu.memref_slice %arg4[%dma_start3A_144, %dma_start3A_145] : memref<10112x32xf32, #tpu.memory_space<hbm>> -> memref<10112x32xf32, #tpu.memory_space<hbm>>
      %dma_start3A_147 = tpu.memref_slice %arg11[%dma_start3A_135, %dma_start3A_136] : memref<2x4x!tpu.dma_semaphore, #tpu.memory_space<semaphore_mem>> -> memref<1x1x!tpu.dma_semaphore, #tpu.memory_space<semaphore_mem>>
      %dma_start3A_148 = tpu.memref_squeeze %dma_start3A_147 : memref<1x1x!tpu.dma_semaphore, #tpu.memory_space<semaphore_mem>> -> memref<!tpu.dma_semaphore, #tpu.memory_space<semaphore_mem>>
      tpu.enqueue_indirect_dma source(%dma_start3A_146 : memref<10112x32xf32, #tpu.memory_space<hbm>>) target(%dma_start3A_140 : memref<128x32xf32, #tpu.memory_space<vmem>>) offsets(%dma_start3A_143 : memref<128xi32, #tpu.memory_space<vmem>>) semaphore(%dma_start3A_148 : memref<!tpu.dma_semaphore, #tpu.memory_space<semaphore_mem>>)
      %mul3A_149 = arith.constant 4 : i32
      %mul3A_150 = arith.muli %add3A_88, %mul3A_149 : i32
      %add3A_151 = arith.constant 3 : i32
      %add3A_152 = arith.addi %mul3A_150, %add3A_151 : i32
      %dma_start3A_153 = arith.constant 1 : i32
      %dma_start3A_154 = arith.constant 3 : i32
      %dma_start3A_155 = arith.constant 1 : i32
      %dma_start3A_156 = arith.constant 3 : i32
      %dma_start3A_157 = arith.constant 0 : i32
      %dma_start3A_158 = arith.constant 0 : i32
      %dma_start3A_159 = tpu.memref_slice %arg9[%dma_start3A_153, %dma_start3A_154, %dma_start3A_157, %dma_start3A_158] : memref<2x4x128x32xf32, #tpu.memory_space<vmem>> -> memref<1x1x128x32xf32, #tpu.memory_space<vmem>>
      %dma_start3A_160 = tpu.memref_squeeze %dma_start3A_159 : memref<1x1x128x32xf32, #tpu.memory_space<vmem>> -> memref<128x32xf32, #tpu.memory_space<vmem>>
      %dma_start3A_161 = arith.constant 0 : i32
      %dma_start3A_162 = tpu.memref_slice %arg7[%add3A_152, %dma_start3A_161] : memref<80x128xi32, #tpu.memory_space<vmem>> -> memref<1x128xi32, #tpu.memory_space<vmem>>
      %dma_start3A_163 = tpu.memref_squeeze %dma_start3A_162 : memref<1x128xi32, #tpu.memory_space<vmem>> -> memref<128xi32, #tpu.memory_space<vmem>>
      %dma_start3A_164 = arith.constant 0 : i32
      %dma_start3A_165 = arith.constant 0 : i32
      %dma_start3A_166 = tpu.memref_slice %arg4[%dma_start3A_164, %dma_start3A_165] : memref<10112x32xf32, #tpu.memory_space<hbm>> -> memref<10112x32xf32, #tpu.memory_space<hbm>>
      %dma_start3A_167 = tpu.memref_slice %arg11[%dma_start3A_155, %dma_start3A_156] : memref<2x4x!tpu.dma_semaphore, #tpu.memory_space<semaphore_mem>> -> memref<1x1x!tpu.dma_semaphore, #tpu.memory_space<semaphore_mem>>
      %dma_start3A_168 = tpu.memref_squeeze %dma_start3A_167 : memref<1x1x!tpu.dma_semaphore, #tpu.memory_space<semaphore_mem>> -> memref<!tpu.dma_semaphore, #tpu.memory_space<semaphore_mem>>
      tpu.enqueue_indirect_dma source(%dma_start3A_166 : memref<10112x32xf32, #tpu.memory_space<hbm>>) target(%dma_start3A_160 : memref<128x32xf32, #tpu.memory_space<vmem>>) offsets(%dma_start3A_163 : memref<128xi32, #tpu.memory_space<vmem>>) semaphore(%dma_start3A_168 : memref<!tpu.dma_semaphore, #tpu.memory_space<semaphore_mem>>)
      %mul3A_169 = arith.constant 2 : i32
      %mul3A_170 = arith.muli %mul3A_169, %scan3A_84 : i32
      %mul3A_171 = arith.constant 4 : i32
      %mul3A_172 = arith.muli %mul3A_170, %mul3A_171 : i32
      %add3A_173 = arith.constant 0 : i32
      %add3A_174 = arith.addi %mul3A_172, %add3A_173 : i32
      %dma_wait3A = arith.constant 0 : i32
      %dma_wait3A_175 = arith.constant 0 : i32
      %dma_wait3A_176 = arith.constant 0 : i32
      %dma_wait3A_177 = arith.constant 0 : i32
      %dma_wait3A_178 = arith.constant 0 : i32
      %dma_wait3A_179 = arith.constant 0 : i32
      %dma_wait3A_180 = tpu.memref_slice %arg9[%dma_wait3A, %dma_wait3A_175, %dma_wait3A_178, %dma_wait3A_179] : memref<2x4x128x32xf32, #tpu.memory_space<vmem>> -> memref<1x1x128x32xf32, #tpu.memory_space<vmem>>
      %dma_wait3A_181 = tpu.memref_squeeze %dma_wait3A_180 : memref<1x1x128x32xf32, #tpu.memory_space<vmem>> -> memref<128x32xf32, #tpu.memory_space<vmem>>
      %dma_wait3A_182 = arith.constant 0 : i32
      %dma_wait3A_183 = tpu.memref_slice %arg7[%add3A_174, %dma_wait3A_182] : memref<80x128xi32, #tpu.memory_space<vmem>> -> memref<1x128xi32, #tpu.memory_space<vmem>>
      %dma_wait3A_184 = tpu.memref_squeeze %dma_wait3A_183 : memref<1x128xi32, #tpu.memory_space<vmem>> -> memref<128xi32, #tpu.memory_space<vmem>>
      %dma_wait3A_185 = arith.constant 0 : i32
      %dma_wait3A_186 = arith.constant 0 : i32
      %dma_wait3A_187 = tpu.memref_slice %arg4[%dma_wait3A_185, %dma_wait3A_186] : memref<10112x32xf32, #tpu.memory_space<hbm>> -> memref<10112x32xf32, #tpu.memory_space<hbm>>
      %dma_wait3A_188 = tpu.memref_slice %arg11[%dma_wait3A_176, %dma_wait3A_177] : memref<2x4x!tpu.dma_semaphore, #tpu.memory_space<semaphore_mem>> -> memref<1x1x!tpu.dma_semaphore, #tpu.memory_space<semaphore_mem>>
      %dma_wait3A_189 = tpu.memref_squeeze %dma_wait3A_188 : memref<1x1x!tpu.dma_semaphore, #tpu.memory_space<semaphore_mem>> -> memref<!tpu.dma_semaphore, #tpu.memory_space<semaphore_mem>>
      tpu.wait_indirect_dma semaphore(%dma_wait3A_189 : memref<!tpu.dma_semaphore, #tpu.memory_space<semaphore_mem>>) src(%dma_wait3A_187 : memref<10112x32xf32, #tpu.memory_space<hbm>>) dst(%dma_wait3A_181 : memref<128x32xf32, #tpu.memory_space<vmem>>)
      %run_scoped3A = arith.constant 0 : i32
      %run_scoped3A_190 = arith.constant 0 : i32
      "tpu.region"() ({
        %run_scoped3A_353 = tpu.sem_alloc : memref<!tpu.dma_semaphore, #tpu.memory_space<semaphore_mem>>
        %dma_start3A_354 = arith.constant 0 : i32
        %dma_start3A_355 = arith.constant 0 : i32
        %dma_start3A_356 = tpu.memref_slice %arg9[%run_scoped3A, %run_scoped3A_190, %dma_start3A_354, %dma_start3A_355] : memref<2x4x128x32xf32, #tpu.memory_space<vmem>> -> memref<1x1x128x32xf32, #tpu.memory_space<vmem>>
        %dma_start3A_357 = tpu.memref_squeeze %dma_start3A_356 : memref<1x1x128x32xf32, #tpu.memory_space<vmem>> -> memref<128x32xf32, #tpu.memory_space<vmem>>
        %dma_start3A_358 = arith.constant 0 : i32
        %dma_start3A_359 = tpu.memref_slice %arg8[%add3A_174, %dma_start3A_358] : memref<80x128xi32, #tpu.memory_space<vmem>> -> memref<1x128xi32, #tpu.memory_space<vmem>>
        %dma_start3A_360 = tpu.memref_squeeze %dma_start3A_359 : memref<1x128xi32, #tpu.memory_space<vmem>> -> memref<128xi32, #tpu.memory_space<vmem>>
        %dma_start3A_361 = arith.constant 0 : i32
        %dma_start3A_362 = arith.constant 0 : i32
        %dma_start3A_363 = tpu.memref_slice %arg10[%dma_start3A_361, %dma_start3A_362] : memref<10112x32xf32, #tpu.memory_space<vmem_shared>> -> memref<10112x32xf32, #tpu.memory_space<vmem_shared>>
        tpu.enqueue_indirect_dma source(%dma_start3A_357 : memref<128x32xf32, #tpu.memory_space<vmem>>) target(%dma_start3A_363 : memref<10112x32xf32, #tpu.memory_space<vmem_shared>>) offsets(%dma_start3A_360 : memref<128xi32, #tpu.memory_space<vmem>>) semaphore(%run_scoped3A_353 : memref<!tpu.dma_semaphore, #tpu.memory_space<semaphore_mem>>) {add = true}
        %dma_wait3A_364 = arith.constant 0 : i32
        %dma_wait3A_365 = arith.constant 0 : i32
        %dma_wait3A_366 = tpu.memref_slice %arg9[%run_scoped3A, %run_scoped3A_190, %dma_wait3A_364, %dma_wait3A_365] : memref<2x4x128x32xf32, #tpu.memory_space<vmem>> -> memref<1x1x128x32xf32, #tpu.memory_space<vmem>>
        %dma_wait3A_367 = tpu.memref_squeeze %dma_wait3A_366 : memref<1x1x128x32xf32, #tpu.memory_space<vmem>> -> memref<128x32xf32, #tpu.memory_space<vmem>>
        %dma_wait3A_368 = arith.constant 0 : i32
        %dma_wait3A_369 = tpu.memref_slice %arg8[%add3A_174, %dma_wait3A_368] : memref<80x128xi32, #tpu.memory_space<vmem>> -> memref<1x128xi32, #tpu.memory_space<vmem>>
        %dma_wait3A_370 = tpu.memref_squeeze %dma_wait3A_369 : memref<1x128xi32, #tpu.memory_space<vmem>> -> memref<128xi32, #tpu.memory_space<vmem>>
        %dma_wait3A_371 = arith.constant 0 : i32
        %dma_wait3A_372 = arith.constant 0 : i32
        %dma_wait3A_373 = tpu.memref_slice %arg10[%dma_wait3A_371, %dma_wait3A_372] : memref<10112x32xf32, #tpu.memory_space<vmem_shared>> -> memref<10112x32xf32, #tpu.memory_space<vmem_shared>>
        tpu.wait_indirect_dma semaphore(%run_scoped3A_353 : memref<!tpu.dma_semaphore, #tpu.memory_space<semaphore_mem>>) src(%dma_wait3A_367 : memref<128x32xf32, #tpu.memory_space<vmem>>) dst(%dma_wait3A_373 : memref<10112x32xf32, #tpu.memory_space<vmem_shared>>)
        tpu.yield
      }) : () -> ()
      %mul3A_191 = arith.constant 4 : i32
      %mul3A_192 = arith.muli %mul3A_170, %mul3A_191 : i32
      %add3A_193 = arith.constant 1 : i32
      %add3A_194 = arith.addi %mul3A_192, %add3A_193 : i32
      %dma_wait3A_195 = arith.constant 0 : i32
      %dma_wait3A_196 = arith.constant 1 : i32
      %dma_wait3A_197 = arith.constant 0 : i32
      %dma_wait3A_198 = arith.constant 1 : i32
      %dma_wait3A_199 = arith.constant 0 : i32
      %dma_wait3A_200 = arith.constant 0 : i32
      %dma_wait3A_201 = tpu.memref_slice %arg9[%dma_wait3A_195, %dma_wait3A_196, %dma_wait3A_199, %dma_wait3A_200] : memref<2x4x128x32xf32, #tpu.memory_space<vmem>> -> memref<1x1x128x32xf32, #tpu.memory_space<vmem>>
      %dma_wait3A_202 = tpu.memref_squeeze %dma_wait3A_201 : memref<1x1x128x32xf32, #tpu.memory_space<vmem>> -> memref<128x32xf32, #tpu.memory_space<vmem>>
      %dma_wait3A_203 = arith.constant 0 : i32
      %dma_wait3A_204 = tpu.memref_slice %arg7[%add3A_194, %dma_wait3A_203] : memref<80x128xi32, #tpu.memory_space<vmem>> -> memref<1x128xi32, #tpu.memory_space<vmem>>
      %dma_wait3A_205 = tpu.memref_squeeze %dma_wait3A_204 : memref<1x128xi32, #tpu.memory_space<vmem>> -> memref<128xi32, #tpu.memory_space<vmem>>
      %dma_wait3A_206 = arith.constant 0 : i32
      %dma_wait3A_207 = arith.constant 0 : i32
      %dma_wait3A_208 = tpu.memref_slice %arg4[%dma_wait3A_206, %dma_wait3A_207] : memref<10112x32xf32, #tpu.memory_space<hbm>> -> memref<10112x32xf32, #tpu.memory_space<hbm>>
      %dma_wait3A_209 = tpu.memref_slice %arg11[%dma_wait3A_197, %dma_wait3A_198] : memref<2x4x!tpu.dma_semaphore, #tpu.memory_space<semaphore_mem>> -> memref<1x1x!tpu.dma_semaphore, #tpu.memory_space<semaphore_mem>>
      %dma_wait3A_210 = tpu.memref_squeeze %dma_wait3A_209 : memref<1x1x!tpu.dma_semaphore, #tpu.memory_space<semaphore_mem>> -> memref<!tpu.dma_semaphore, #tpu.memory_space<semaphore_mem>>
      tpu.wait_indirect_dma semaphore(%dma_wait3A_210 : memref<!tpu.dma_semaphore, #tpu.memory_space<semaphore_mem>>) src(%dma_wait3A_208 : memref<10112x32xf32, #tpu.memory_space<hbm>>) dst(%dma_wait3A_202 : memref<128x32xf32, #tpu.memory_space<vmem>>)
      %run_scoped3A_211 = arith.constant 0 : i32
      %run_scoped3A_212 = arith.constant 1 : i32
      "tpu.region"() ({
        %run_scoped3A_353 = tpu.sem_alloc : memref<!tpu.dma_semaphore, #tpu.memory_space<semaphore_mem>>
        %dma_start3A_354 = arith.constant 0 : i32
        %dma_start3A_355 = arith.constant 0 : i32
        %dma_start3A_356 = tpu.memref_slice %arg9[%run_scoped3A_211, %run_scoped3A_212, %dma_start3A_354, %dma_start3A_355] : memref<2x4x128x32xf32, #tpu.memory_space<vmem>> -> memref<1x1x128x32xf32, #tpu.memory_space<vmem>>
        %dma_start3A_357 = tpu.memref_squeeze %dma_start3A_356 : memref<1x1x128x32xf32, #tpu.memory_space<vmem>> -> memref<128x32xf32, #tpu.memory_space<vmem>>
        %dma_start3A_358 = arith.constant 0 : i32
        %dma_start3A_359 = tpu.memref_slice %arg8[%add3A_194, %dma_start3A_358] : memref<80x128xi32, #tpu.memory_space<vmem>> -> memref<1x128xi32, #tpu.memory_space<vmem>>
        %dma_start3A_360 = tpu.memref_squeeze %dma_start3A_359 : memref<1x128xi32, #tpu.memory_space<vmem>> -> memref<128xi32, #tpu.memory_space<vmem>>
        %dma_start3A_361 = arith.constant 0 : i32
        %dma_start3A_362 = arith.constant 0 : i32
        %dma_start3A_363 = tpu.memref_slice %arg10[%dma_start3A_361, %dma_start3A_362] : memref<10112x32xf32, #tpu.memory_space<vmem_shared>> -> memref<10112x32xf32, #tpu.memory_space<vmem_shared>>
        tpu.enqueue_indirect_dma source(%dma_start3A_357 : memref<128x32xf32, #tpu.memory_space<vmem>>) target(%dma_start3A_363 : memref<10112x32xf32, #tpu.memory_space<vmem_shared>>) offsets(%dma_start3A_360 : memref<128xi32, #tpu.memory_space<vmem>>) semaphore(%run_scoped3A_353 : memref<!tpu.dma_semaphore, #tpu.memory_space<semaphore_mem>>) {add = true}
        %dma_wait3A_364 = arith.constant 0 : i32
        %dma_wait3A_365 = arith.constant 0 : i32
        %dma_wait3A_366 = tpu.memref_slice %arg9[%run_scoped3A_211, %run_scoped3A_212, %dma_wait3A_364, %dma_wait3A_365] : memref<2x4x128x32xf32, #tpu.memory_space<vmem>> -> memref<1x1x128x32xf32, #tpu.memory_space<vmem>>
        %dma_wait3A_367 = tpu.memref_squeeze %dma_wait3A_366 : memref<1x1x128x32xf32, #tpu.memory_space<vmem>> -> memref<128x32xf32, #tpu.memory_space<vmem>>
        %dma_wait3A_368 = arith.constant 0 : i32
        %dma_wait3A_369 = tpu.memref_slice %arg8[%add3A_194, %dma_wait3A_368] : memref<80x128xi32, #tpu.memory_space<vmem>> -> memref<1x128xi32, #tpu.memory_space<vmem>>
        %dma_wait3A_370 = tpu.memref_squeeze %dma_wait3A_369 : memref<1x128xi32, #tpu.memory_space<vmem>> -> memref<128xi32, #tpu.memory_space<vmem>>
        %dma_wait3A_371 = arith.constant 0 : i32
        %dma_wait3A_372 = arith.constant 0 : i32
        %dma_wait3A_373 = tpu.memref_slice %arg10[%dma_wait3A_371, %dma_wait3A_372] : memref<10112x32xf32, #tpu.memory_space<vmem_shared>> -> memref<10112x32xf32, #tpu.memory_space<vmem_shared>>
        tpu.wait_indirect_dma semaphore(%run_scoped3A_353 : memref<!tpu.dma_semaphore, #tpu.memory_space<semaphore_mem>>) src(%dma_wait3A_367 : memref<128x32xf32, #tpu.memory_space<vmem>>) dst(%dma_wait3A_373 : memref<10112x32xf32, #tpu.memory_space<vmem_shared>>)
        tpu.yield
      }) : () -> ()
      %mul3A_213 = arith.constant 4 : i32
      %mul3A_214 = arith.muli %mul3A_170, %mul3A_213 : i32
      %add3A_215 = arith.constant 2 : i32
      %add3A_216 = arith.addi %mul3A_214, %add3A_215 : i32
      %dma_wait3A_217 = arith.constant 0 : i32
      %dma_wait3A_218 = arith.constant 2 : i32
      %dma_wait3A_219 = arith.constant 0 : i32
      %dma_wait3A_220 = arith.constant 2 : i32
      %dma_wait3A_221 = arith.constant 0 : i32
      %dma_wait3A_222 = arith.constant 0 : i32
      %dma_wait3A_223 = tpu.memref_slice %arg9[%dma_wait3A_217, %dma_wait3A_218, %dma_wait3A_221, %dma_wait3A_222] : memref<2x4x128x32xf32, #tpu.memory_space<vmem>> -> memref<1x1x128x32xf32, #tpu.memory_space<vmem>>
      %dma_wait3A_224 = tpu.memref_squeeze %dma_wait3A_223 : memref<1x1x128x32xf32, #tpu.memory_space<vmem>> -> memref<128x32xf32, #tpu.memory_space<vmem>>
      %dma_wait3A_225 = arith.constant 0 : i32
      %dma_wait3A_226 = tpu.memref_slice %arg7[%add3A_216, %dma_wait3A_225] : memref<80x128xi32, #tpu.memory_space<vmem>> -> memref<1x128xi32, #tpu.memory_space<vmem>>
      %dma_wait3A_227 = tpu.memref_squeeze %dma_wait3A_226 : memref<1x128xi32, #tpu.memory_space<vmem>> -> memref<128xi32, #tpu.memory_space<vmem>>
      %dma_wait3A_228 = arith.constant 0 : i32
      %dma_wait3A_229 = arith.constant 0 : i32
      %dma_wait3A_230 = tpu.memref_slice %arg4[%dma_wait3A_228, %dma_wait3A_229] : memref<10112x32xf32, #tpu.memory_space<hbm>> -> memref<10112x32xf32, #tpu.memory_space<hbm>>
      %dma_wait3A_231 = tpu.memref_slice %arg11[%dma_wait3A_219, %dma_wait3A_220] : memref<2x4x!tpu.dma_semaphore, #tpu.memory_space<semaphore_mem>> -> memref<1x1x!tpu.dma_semaphore, #tpu.memory_space<semaphore_mem>>
      %dma_wait3A_232 = tpu.memref_squeeze %dma_wait3A_231 : memref<1x1x!tpu.dma_semaphore, #tpu.memory_space<semaphore_mem>> -> memref<!tpu.dma_semaphore, #tpu.memory_space<semaphore_mem>>
      tpu.wait_indirect_dma semaphore(%dma_wait3A_232 : memref<!tpu.dma_semaphore, #tpu.memory_space<semaphore_mem>>) src(%dma_wait3A_230 : memref<10112x32xf32, #tpu.memory_space<hbm>>) dst(%dma_wait3A_224 : memref<128x32xf32, #tpu.memory_space<vmem>>)
      %run_scoped3A_233 = arith.constant 0 : i32
      %run_scoped3A_234 = arith.constant 2 : i32
      "tpu.region"() ({
        %run_scoped3A_353 = tpu.sem_alloc : memref<!tpu.dma_semaphore, #tpu.memory_space<semaphore_mem>>
        %dma_start3A_354 = arith.constant 0 : i32
        %dma_start3A_355 = arith.constant 0 : i32
        %dma_start3A_356 = tpu.memref_slice %arg9[%run_scoped3A_233, %run_scoped3A_234, %dma_start3A_354, %dma_start3A_355] : memref<2x4x128x32xf32, #tpu.memory_space<vmem>> -> memref<1x1x128x32xf32, #tpu.memory_space<vmem>>
        %dma_start3A_357 = tpu.memref_squeeze %dma_start3A_356 : memref<1x1x128x32xf32, #tpu.memory_space<vmem>> -> memref<128x32xf32, #tpu.memory_space<vmem>>
        %dma_start3A_358 = arith.constant 0 : i32
        %dma_start3A_359 = tpu.memref_slice %arg8[%add3A_216, %dma_start3A_358] : memref<80x128xi32, #tpu.memory_space<vmem>> -> memref<1x128xi32, #tpu.memory_space<vmem>>
        %dma_start3A_360 = tpu.memref_squeeze %dma_start3A_359 : memref<1x128xi32, #tpu.memory_space<vmem>> -> memref<128xi32, #tpu.memory_space<vmem>>
        %dma_start3A_361 = arith.constant 0 : i32
        %dma_start3A_362 = arith.constant 0 : i32
        %dma_start3A_363 = tpu.memref_slice %arg10[%dma_start3A_361, %dma_start3A_362] : memref<10112x32xf32, #tpu.memory_space<vmem_shared>> -> memref<10112x32xf32, #tpu.memory_space<vmem_shared>>
        tpu.enqueue_indirect_dma source(%dma_start3A_357 : memref<128x32xf32, #tpu.memory_space<vmem>>) target(%dma_start3A_363 : memref<10112x32xf32, #tpu.memory_space<vmem_shared>>) offsets(%dma_start3A_360 : memref<128xi32, #tpu.memory_space<vmem>>) semaphore(%run_scoped3A_353 : memref<!tpu.dma_semaphore, #tpu.memory_space<semaphore_mem>>) {add = true}
        %dma_wait3A_364 = arith.constant 0 : i32
        %dma_wait3A_365 = arith.constant 0 : i32
        %dma_wait3A_366 = tpu.memref_slice %arg9[%run_scoped3A_233, %run_scoped3A_234, %dma_wait3A_364, %dma_wait3A_365] : memref<2x4x128x32xf32, #tpu.memory_space<vmem>> -> memref<1x1x128x32xf32, #tpu.memory_space<vmem>>
        %dma_wait3A_367 = tpu.memref_squeeze %dma_wait3A_366 : memref<1x1x128x32xf32, #tpu.memory_space<vmem>> -> memref<128x32xf32, #tpu.memory_space<vmem>>
        %dma_wait3A_368 = arith.constant 0 : i32
        %dma_wait3A_369 = tpu.memref_slice %arg8[%add3A_216, %dma_wait3A_368] : memref<80x128xi32, #tpu.memory_space<vmem>> -> memref<1x128xi32, #tpu.memory_space<vmem>>
        %dma_wait3A_370 = tpu.memref_squeeze %dma_wait3A_369 : memref<1x128xi32, #tpu.memory_space<vmem>> -> memref<128xi32, #tpu.memory_space<vmem>>
        %dma_wait3A_371 = arith.constant 0 : i32
        %dma_wait3A_372 = arith.constant 0 : i32
        %dma_wait3A_373 = tpu.memref_slice %arg10[%dma_wait3A_371, %dma_wait3A_372] : memref<10112x32xf32, #tpu.memory_space<vmem_shared>> -> memref<10112x32xf32, #tpu.memory_space<vmem_shared>>
        tpu.wait_indirect_dma semaphore(%run_scoped3A_353 : memref<!tpu.dma_semaphore, #tpu.memory_space<semaphore_mem>>) src(%dma_wait3A_367 : memref<128x32xf32, #tpu.memory_space<vmem>>) dst(%dma_wait3A_373 : memref<10112x32xf32, #tpu.memory_space<vmem_shared>>)
        tpu.yield
      }) : () -> ()
      %mul3A_235 = arith.constant 4 : i32
      %mul3A_236 = arith.muli %mul3A_170, %mul3A_235 : i32
      %add3A_237 = arith.constant 3 : i32
      %add3A_238 = arith.addi %mul3A_236, %add3A_237 : i32
      %dma_wait3A_239 = arith.constant 0 : i32
      %dma_wait3A_240 = arith.constant 3 : i32
      %dma_wait3A_241 = arith.constant 0 : i32
      %dma_wait3A_242 = arith.constant 3 : i32
      %dma_wait3A_243 = arith.constant 0 : i32
      %dma_wait3A_244 = arith.constant 0 : i32
      %dma_wait3A_245 = tpu.memref_slice %arg9[%dma_wait3A_239, %dma_wait3A_240, %dma_wait3A_243, %dma_wait3A_244] : memref<2x4x128x32xf32, #tpu.memory_space<vmem>> -> memref<1x1x128x32xf32, #tpu.memory_space<vmem>>
      %dma_wait3A_246 = tpu.memref_squeeze %dma_wait3A_245 : memref<1x1x128x32xf32, #tpu.memory_space<vmem>> -> memref<128x32xf32, #tpu.memory_space<vmem>>
      %dma_wait3A_247 = arith.constant 0 : i32
      %dma_wait3A_248 = tpu.memref_slice %arg7[%add3A_238, %dma_wait3A_247] : memref<80x128xi32, #tpu.memory_space<vmem>> -> memref<1x128xi32, #tpu.memory_space<vmem>>
      %dma_wait3A_249 = tpu.memref_squeeze %dma_wait3A_248 : memref<1x128xi32, #tpu.memory_space<vmem>> -> memref<128xi32, #tpu.memory_space<vmem>>
      %dma_wait3A_250 = arith.constant 0 : i32
      %dma_wait3A_251 = arith.constant 0 : i32
      %dma_wait3A_252 = tpu.memref_slice %arg4[%dma_wait3A_250, %dma_wait3A_251] : memref<10112x32xf32, #tpu.memory_space<hbm>> -> memref<10112x32xf32, #tpu.memory_space<hbm>>
      %dma_wait3A_253 = tpu.memref_slice %arg11[%dma_wait3A_241, %dma_wait3A_242] : memref<2x4x!tpu.dma_semaphore, #tpu.memory_space<semaphore_mem>> -> memref<1x1x!tpu.dma_semaphore, #tpu.memory_space<semaphore_mem>>
      %dma_wait3A_254 = tpu.memref_squeeze %dma_wait3A_253 : memref<1x1x!tpu.dma_semaphore, #tpu.memory_space<semaphore_mem>> -> memref<!tpu.dma_semaphore, #tpu.memory_space<semaphore_mem>>
      tpu.wait_indirect_dma semaphore(%dma_wait3A_254 : memref<!tpu.dma_semaphore, #tpu.memory_space<semaphore_mem>>) src(%dma_wait3A_252 : memref<10112x32xf32, #tpu.memory_space<hbm>>) dst(%dma_wait3A_246 : memref<128x32xf32, #tpu.memory_space<vmem>>)
      %run_scoped3A_255 = arith.constant 0 : i32
      %run_scoped3A_256 = arith.constant 3 : i32
      "tpu.region"() ({
        %run_scoped3A_353 = tpu.sem_alloc : memref<!tpu.dma_semaphore, #tpu.memory_space<semaphore_mem>>
        %dma_start3A_354 = arith.constant 0 : i32
        %dma_start3A_355 = arith.constant 0 : i32
        %dma_start3A_356 = tpu.memref_slice %arg9[%run_scoped3A_255, %run_scoped3A_256, %dma_start3A_354, %dma_start3A_355] : memref<2x4x128x32xf32, #tpu.memory_space<vmem>> -> memref<1x1x128x32xf32, #tpu.memory_space<vmem>>
        %dma_start3A_357 = tpu.memref_squeeze %dma_start3A_356 : memref<1x1x128x32xf32, #tpu.memory_space<vmem>> -> memref<128x32xf32, #tpu.memory_space<vmem>>
        %dma_start3A_358 = arith.constant 0 : i32
        %dma_start3A_359 = tpu.memref_slice %arg8[%add3A_238, %dma_start3A_358] : memref<80x128xi32, #tpu.memory_space<vmem>> -> memref<1x128xi32, #tpu.memory_space<vmem>>
        %dma_start3A_360 = tpu.memref_squeeze %dma_start3A_359 : memref<1x128xi32, #tpu.memory_space<vmem>> -> memref<128xi32, #tpu.memory_space<vmem>>
        %dma_start3A_361 = arith.constant 0 : i32
        %dma_start3A_362 = arith.constant 0 : i32
        %dma_start3A_363 = tpu.memref_slice %arg10[%dma_start3A_361, %dma_start3A_362] : memref<10112x32xf32, #tpu.memory_space<vmem_shared>> -> memref<10112x32xf32, #tpu.memory_space<vmem_shared>>
        tpu.enqueue_indirect_dma source(%dma_start3A_357 : memref<128x32xf32, #tpu.memory_space<vmem>>) target(%dma_start3A_363 : memref<10112x32xf32, #tpu.memory_space<vmem_shared>>) offsets(%dma_start3A_360 : memref<128xi32, #tpu.memory_space<vmem>>) semaphore(%run_scoped3A_353 : memref<!tpu.dma_semaphore, #tpu.memory_space<semaphore_mem>>) {add = true}
        %dma_wait3A_364 = arith.constant 0 : i32
        %dma_wait3A_365 = arith.constant 0 : i32
        %dma_wait3A_366 = tpu.memref_slice %arg9[%run_scoped3A_255, %run_scoped3A_256, %dma_wait3A_364, %dma_wait3A_365] : memref<2x4x128x32xf32, #tpu.memory_space<vmem>> -> memref<1x1x128x32xf32, #tpu.memory_space<vmem>>
        %dma_wait3A_367 = tpu.memref_squeeze %dma_wait3A_366 : memref<1x1x128x32xf32, #tpu.memory_space<vmem>> -> memref<128x32xf32, #tpu.memory_space<vmem>>
        %dma_wait3A_368 = arith.constant 0 : i32
        %dma_wait3A_369 = tpu.memref_slice %arg8[%add3A_238, %dma_wait3A_368] : memref<80x128xi32, #tpu.memory_space<vmem>> -> memref<1x128xi32, #tpu.memory_space<vmem>>
        %dma_wait3A_370 = tpu.memref_squeeze %dma_wait3A_369 : memref<1x128xi32, #tpu.memory_space<vmem>> -> memref<128xi32, #tpu.memory_space<vmem>>
        %dma_wait3A_371 = arith.constant 0 : i32
        %dma_wait3A_372 = arith.constant 0 : i32
        %dma_wait3A_373 = tpu.memref_slice %arg10[%dma_wait3A_371, %dma_wait3A_372] : memref<10112x32xf32, #tpu.memory_space<vmem_shared>> -> memref<10112x32xf32, #tpu.memory_space<vmem_shared>>
        tpu.wait_indirect_dma semaphore(%run_scoped3A_353 : memref<!tpu.dma_semaphore, #tpu.memory_space<semaphore_mem>>) src(%dma_wait3A_367 : memref<128x32xf32, #tpu.memory_space<vmem>>) dst(%dma_wait3A_373 : memref<10112x32xf32, #tpu.memory_space<vmem_shared>>)
        tpu.yield
      }) : () -> ()
      %add3A_257 = arith.constant 1 : i32
      %add3A_258 = arith.addi %scan3A_84, %add3A_257 : i32
      %lt3A = arith.constant 10 : i32
      %lt3A_259 = arith.cmpi slt, %add3A_258, %lt3A : i32
      %convert_element_type3A = arith.extui %lt3A_259 : i1 to i32
      %cond3A = arith.constant 0 : i32
      %cond3A_260 = arith.cmpi ne, %convert_element_type3A, %cond3A : i32
      scf.if %cond3A_260 {
        %mul3A_353 = arith.constant 2 : i32
        %mul3A_354 = arith.muli %mul3A_353, %scan3A_84 : i32
        %add3A_355 = arith.constant 2 : i32
        %add3A_356 = arith.addi %mul3A_354, %add3A_355 : i32
        %mul3A_357 = arith.constant 4 : i32
        %mul3A_358 = arith.muli %add3A_356, %mul3A_357 : i32
        %add3A_359 = arith.constant 0 : i32
        %add3A_360 = arith.addi %mul3A_358, %add3A_359 : i32
        %dma_start3A_361 = arith.constant 0 : i32
        %dma_start3A_362 = arith.constant 0 : i32
        %dma_start3A_363 = arith.constant 0 : i32
        %dma_start3A_364 = arith.constant 0 : i32
        %dma_start3A_365 = arith.constant 0 : i32
        %dma_start3A_366 = arith.constant 0 : i32
        %dma_start3A_367 = tpu.memref_slice %arg9[%dma_start3A_361, %dma_start3A_362, %dma_start3A_365, %dma_start3A_366] : memref<2x4x128x32xf32, #tpu.memory_space<vmem>> -> memref<1x1x128x32xf32, #tpu.memory_space<vmem>>
        %dma_start3A_368 = tpu.memref_squeeze %dma_start3A_367 : memref<1x1x128x32xf32, #tpu.memory_space<vmem>> -> memref<128x32xf32, #tpu.memory_space<vmem>>
        %dma_start3A_369 = arith.constant 0 : i32
        %dma_start3A_370 = tpu.memref_slice %arg7[%add3A_360, %dma_start3A_369] : memref<80x128xi32, #tpu.memory_space<vmem>> -> memref<1x128xi32, #tpu.memory_space<vmem>>
        %dma_start3A_371 = tpu.memref_squeeze %dma_start3A_370 : memref<1x128xi32, #tpu.memory_space<vmem>> -> memref<128xi32, #tpu.memory_space<vmem>>
        %dma_start3A_372 = arith.constant 0 : i32
        %dma_start3A_373 = arith.constant 0 : i32
        %dma_start3A_374 = tpu.memref_slice %arg4[%dma_start3A_372, %dma_start3A_373] : memref<10112x32xf32, #tpu.memory_space<hbm>> -> memref<10112x32xf32, #tpu.memory_space<hbm>>
        %dma_start3A_375 = tpu.memref_slice %arg11[%dma_start3A_363, %dma_start3A_364] : memref<2x4x!tpu.dma_semaphore, #tpu.memory_space<semaphore_mem>> -> memref<1x1x!tpu.dma_semaphore, #tpu.memory_space<semaphore_mem>>
        %dma_start3A_376 = tpu.memref_squeeze %dma_start3A_375 : memref<1x1x!tpu.dma_semaphore, #tpu.memory_space<semaphore_mem>> -> memref<!tpu.dma_semaphore, #tpu.memory_space<semaphore_mem>>
        tpu.enqueue_indirect_dma source(%dma_start3A_374 : memref<10112x32xf32, #tpu.memory_space<hbm>>) target(%dma_start3A_368 : memref<128x32xf32, #tpu.memory_space<vmem>>) offsets(%dma_start3A_371 : memref<128xi32, #tpu.memory_space<vmem>>) semaphore(%dma_start3A_376 : memref<!tpu.dma_semaphore, #tpu.memory_space<semaphore_mem>>)
        %mul3A_377 = arith.constant 4 : i32
        %mul3A_378 = arith.muli %add3A_356, %mul3A_377 : i32
        %add3A_379 = arith.constant 1 : i32
        %add3A_380 = arith.addi %mul3A_378, %add3A_379 : i32
        %dma_start3A_381 = arith.constant 0 : i32
        %dma_start3A_382 = arith.constant 1 : i32
        %dma_start3A_383 = arith.constant 0 : i32
        %dma_start3A_384 = arith.constant 1 : i32
        %dma_start3A_385 = arith.constant 0 : i32
        %dma_start3A_386 = arith.constant 0 : i32
        %dma_start3A_387 = tpu.memref_slice %arg9[%dma_start3A_381, %dma_start3A_382, %dma_start3A_385, %dma_start3A_386] : memref<2x4x128x32xf32, #tpu.memory_space<vmem>> -> memref<1x1x128x32xf32, #tpu.memory_space<vmem>>
        %dma_start3A_388 = tpu.memref_squeeze %dma_start3A_387 : memref<1x1x128x32xf32, #tpu.memory_space<vmem>> -> memref<128x32xf32, #tpu.memory_space<vmem>>
        %dma_start3A_389 = arith.constant 0 : i32
        %dma_start3A_390 = tpu.memref_slice %arg7[%add3A_380, %dma_start3A_389] : memref<80x128xi32, #tpu.memory_space<vmem>> -> memref<1x128xi32, #tpu.memory_space<vmem>>
        %dma_start3A_391 = tpu.memref_squeeze %dma_start3A_390 : memref<1x128xi32, #tpu.memory_space<vmem>> -> memref<128xi32, #tpu.memory_space<vmem>>
        %dma_start3A_392 = arith.constant 0 : i32
        %dma_start3A_393 = arith.constant 0 : i32
        %dma_start3A_394 = tpu.memref_slice %arg4[%dma_start3A_392, %dma_start3A_393] : memref<10112x32xf32, #tpu.memory_space<hbm>> -> memref<10112x32xf32, #tpu.memory_space<hbm>>
        %dma_start3A_395 = tpu.memref_slice %arg11[%dma_start3A_383, %dma_start3A_384] : memref<2x4x!tpu.dma_semaphore, #tpu.memory_space<semaphore_mem>> -> memref<1x1x!tpu.dma_semaphore, #tpu.memory_space<semaphore_mem>>
        %dma_start3A_396 = tpu.memref_squeeze %dma_start3A_395 : memref<1x1x!tpu.dma_semaphore, #tpu.memory_space<semaphore_mem>> -> memref<!tpu.dma_semaphore, #tpu.memory_space<semaphore_mem>>
        tpu.enqueue_indirect_dma source(%dma_start3A_394 : memref<10112x32xf32, #tpu.memory_space<hbm>>) target(%dma_start3A_388 : memref<128x32xf32, #tpu.memory_space<vmem>>) offsets(%dma_start3A_391 : memref<128xi32, #tpu.memory_space<vmem>>) semaphore(%dma_start3A_396 : memref<!tpu.dma_semaphore, #tpu.memory_space<semaphore_mem>>)
        %mul3A_397 = arith.constant 4 : i32
        %mul3A_398 = arith.muli %add3A_356, %mul3A_397 : i32
        %add3A_399 = arith.constant 2 : i32
        %add3A_400 = arith.addi %mul3A_398, %add3A_399 : i32
        %dma_start3A_401 = arith.constant 0 : i32
        %dma_start3A_402 = arith.constant 2 : i32
        %dma_start3A_403 = arith.constant 0 : i32
        %dma_start3A_404 = arith.constant 2 : i32
        %dma_start3A_405 = arith.constant 0 : i32
        %dma_start3A_406 = arith.constant 0 : i32
        %dma_start3A_407 = tpu.memref_slice %arg9[%dma_start3A_401, %dma_start3A_402, %dma_start3A_405, %dma_start3A_406] : memref<2x4x128x32xf32, #tpu.memory_space<vmem>> -> memref<1x1x128x32xf32, #tpu.memory_space<vmem>>
        %dma_start3A_408 = tpu.memref_squeeze %dma_start3A_407 : memref<1x1x128x32xf32, #tpu.memory_space<vmem>> -> memref<128x32xf32, #tpu.memory_space<vmem>>
        %dma_start3A_409 = arith.constant 0 : i32
        %dma_start3A_410 = tpu.memref_slice %arg7[%add3A_400, %dma_start3A_409] : memref<80x128xi32, #tpu.memory_space<vmem>> -> memref<1x128xi32, #tpu.memory_space<vmem>>
        %dma_start3A_411 = tpu.memref_squeeze %dma_start3A_410 : memref<1x128xi32, #tpu.memory_space<vmem>> -> memref<128xi32, #tpu.memory_space<vmem>>
        %dma_start3A_412 = arith.constant 0 : i32
        %dma_start3A_413 = arith.constant 0 : i32
        %dma_start3A_414 = tpu.memref_slice %arg4[%dma_start3A_412, %dma_start3A_413] : memref<10112x32xf32, #tpu.memory_space<hbm>> -> memref<10112x32xf32, #tpu.memory_space<hbm>>
        %dma_start3A_415 = tpu.memref_slice %arg11[%dma_start3A_403, %dma_start3A_404] : memref<2x4x!tpu.dma_semaphore, #tpu.memory_space<semaphore_mem>> -> memref<1x1x!tpu.dma_semaphore, #tpu.memory_space<semaphore_mem>>
        %dma_start3A_416 = tpu.memref_squeeze %dma_start3A_415 : memref<1x1x!tpu.dma_semaphore, #tpu.memory_space<semaphore_mem>> -> memref<!tpu.dma_semaphore, #tpu.memory_space<semaphore_mem>>
        tpu.enqueue_indirect_dma source(%dma_start3A_414 : memref<10112x32xf32, #tpu.memory_space<hbm>>) target(%dma_start3A_408 : memref<128x32xf32, #tpu.memory_space<vmem>>) offsets(%dma_start3A_411 : memref<128xi32, #tpu.memory_space<vmem>>) semaphore(%dma_start3A_416 : memref<!tpu.dma_semaphore, #tpu.memory_space<semaphore_mem>>)
        %mul3A_417 = arith.constant 4 : i32
        %mul3A_418 = arith.muli %add3A_356, %mul3A_417 : i32
        %add3A_419 = arith.constant 3 : i32
        %add3A_420 = arith.addi %mul3A_418, %add3A_419 : i32
        %dma_start3A_421 = arith.constant 0 : i32
        %dma_start3A_422 = arith.constant 3 : i32
        %dma_start3A_423 = arith.constant 0 : i32
        %dma_start3A_424 = arith.constant 3 : i32
        %dma_start3A_425 = arith.constant 0 : i32
        %dma_start3A_426 = arith.constant 0 : i32
        %dma_start3A_427 = tpu.memref_slice %arg9[%dma_start3A_421, %dma_start3A_422, %dma_start3A_425, %dma_start3A_426] : memref<2x4x128x32xf32, #tpu.memory_space<vmem>> -> memref<1x1x128x32xf32, #tpu.memory_space<vmem>>
        %dma_start3A_428 = tpu.memref_squeeze %dma_start3A_427 : memref<1x1x128x32xf32, #tpu.memory_space<vmem>> -> memref<128x32xf32, #tpu.memory_space<vmem>>
        %dma_start3A_429 = arith.constant 0 : i32
        %dma_start3A_430 = tpu.memref_slice %arg7[%add3A_420, %dma_start3A_429] : memref<80x128xi32, #tpu.memory_space<vmem>> -> memref<1x128xi32, #tpu.memory_space<vmem>>
        %dma_start3A_431 = tpu.memref_squeeze %dma_start3A_430 : memref<1x128xi32, #tpu.memory_space<vmem>> -> memref<128xi32, #tpu.memory_space<vmem>>
        %dma_start3A_432 = arith.constant 0 : i32
        %dma_start3A_433 = arith.constant 0 : i32
        %dma_start3A_434 = tpu.memref_slice %arg4[%dma_start3A_432, %dma_start3A_433] : memref<10112x32xf32, #tpu.memory_space<hbm>> -> memref<10112x32xf32, #tpu.memory_space<hbm>>
        %dma_start3A_435 = tpu.memref_slice %arg11[%dma_start3A_423, %dma_start3A_424] : memref<2x4x!tpu.dma_semaphore, #tpu.memory_space<semaphore_mem>> -> memref<1x1x!tpu.dma_semaphore, #tpu.memory_space<semaphore_mem>>
        %dma_start3A_436 = tpu.memref_squeeze %dma_start3A_435 : memref<1x1x!tpu.dma_semaphore, #tpu.memory_space<semaphore_mem>> -> memref<!tpu.dma_semaphore, #tpu.memory_space<semaphore_mem>>
        tpu.enqueue_indirect_dma source(%dma_start3A_434 : memref<10112x32xf32, #tpu.memory_space<hbm>>) target(%dma_start3A_428 : memref<128x32xf32, #tpu.memory_space<vmem>>) offsets(%dma_start3A_431 : memref<128xi32, #tpu.memory_space<vmem>>) semaphore(%dma_start3A_436 : memref<!tpu.dma_semaphore, #tpu.memory_space<semaphore_mem>>)
      } else {
      }
      %mul3A_261 = arith.constant 2 : i32
      %mul3A_262 = arith.muli %mul3A_261, %scan3A_84 : i32
      %add3A_263 = arith.constant 1 : i32
      %add3A_264 = arith.addi %mul3A_262, %add3A_263 : i32
      %mul3A_265 = arith.constant 4 : i32
      %mul3A_266 = arith.muli %add3A_264, %mul3A_265 : i32
      %add3A_267 = arith.constant 0 : i32
      %add3A_268 = arith.addi %mul3A_266, %add3A_267 : i32
      %dma_wait3A_269 = arith.constant 1 : i32
      %dma_wait3A_270 = arith.constant 0 : i32
      %dma_wait3A_271 = arith.constant 1 : i32
      %dma_wait3A_272 = arith.constant 0 : i32
      %dma_wait3A_273 = arith.constant 0 : i32
      %dma_wait3A_274 = arith.constant 0 : i32
      %dma_wait3A_275 = tpu.memref_slice %arg9[%dma_wait3A_269, %dma_wait3A_270, %dma_wait3A_273, %dma_wait3A_274] : memref<2x4x128x32xf32, #tpu.memory_space<vmem>> -> memref<1x1x128x32xf32, #tpu.memory_space<vmem>>
      %dma_wait3A_276 = tpu.memref_squeeze %dma_wait3A_275 : memref<1x1x128x32xf32, #tpu.memory_space<vmem>> -> memref<128x32xf32, #tpu.memory_space<vmem>>
      %dma_wait3A_277 = arith.constant 0 : i32
      %dma_wait3A_278 = tpu.memref_slice %arg7[%add3A_268, %dma_wait3A_277] : memref<80x128xi32, #tpu.memory_space<vmem>> -> memref<1x128xi32, #tpu.memory_space<vmem>>
      %dma_wait3A_279 = tpu.memref_squeeze %dma_wait3A_278 : memref<1x128xi32, #tpu.memory_space<vmem>> -> memref<128xi32, #tpu.memory_space<vmem>>
      %dma_wait3A_280 = arith.constant 0 : i32
      %dma_wait3A_281 = arith.constant 0 : i32
      %dma_wait3A_282 = tpu.memref_slice %arg4[%dma_wait3A_280, %dma_wait3A_281] : memref<10112x32xf32, #tpu.memory_space<hbm>> -> memref<10112x32xf32, #tpu.memory_space<hbm>>
      %dma_wait3A_283 = tpu.memref_slice %arg11[%dma_wait3A_271, %dma_wait3A_272] : memref<2x4x!tpu.dma_semaphore, #tpu.memory_space<semaphore_mem>> -> memref<1x1x!tpu.dma_semaphore, #tpu.memory_space<semaphore_mem>>
      %dma_wait3A_284 = tpu.memref_squeeze %dma_wait3A_283 : memref<1x1x!tpu.dma_semaphore, #tpu.memory_space<semaphore_mem>> -> memref<!tpu.dma_semaphore, #tpu.memory_space<semaphore_mem>>
      tpu.wait_indirect_dma semaphore(%dma_wait3A_284 : memref<!tpu.dma_semaphore, #tpu.memory_space<semaphore_mem>>) src(%dma_wait3A_282 : memref<10112x32xf32, #tpu.memory_space<hbm>>) dst(%dma_wait3A_276 : memref<128x32xf32, #tpu.memory_space<vmem>>)
      %run_scoped3A_285 = arith.constant 1 : i32
      %run_scoped3A_286 = arith.constant 0 : i32
      "tpu.region"() ({
        %run_scoped3A_353 = tpu.sem_alloc : memref<!tpu.dma_semaphore, #tpu.memory_space<semaphore_mem>>
        %dma_start3A_354 = arith.constant 0 : i32
        %dma_start3A_355 = arith.constant 0 : i32
        %dma_start3A_356 = tpu.memref_slice %arg9[%run_scoped3A_285, %run_scoped3A_286, %dma_start3A_354, %dma_start3A_355] : memref<2x4x128x32xf32, #tpu.memory_space<vmem>> -> memref<1x1x128x32xf32, #tpu.memory_space<vmem>>
        %dma_start3A_357 = tpu.memref_squeeze %dma_start3A_356 : memref<1x1x128x32xf32, #tpu.memory_space<vmem>> -> memref<128x32xf32, #tpu.memory_space<vmem>>
        %dma_start3A_358 = arith.constant 0 : i32
        %dma_start3A_359 = tpu.memref_slice %arg8[%add3A_268, %dma_start3A_358] : memref<80x128xi32, #tpu.memory_space<vmem>> -> memref<1x128xi32, #tpu.memory_space<vmem>>
        %dma_start3A_360 = tpu.memref_squeeze %dma_start3A_359 : memref<1x128xi32, #tpu.memory_space<vmem>> -> memref<128xi32, #tpu.memory_space<vmem>>
        %dma_start3A_361 = arith.constant 0 : i32
        %dma_start3A_362 = arith.constant 0 : i32
        %dma_start3A_363 = tpu.memref_slice %arg10[%dma_start3A_361, %dma_start3A_362] : memref<10112x32xf32, #tpu.memory_space<vmem_shared>> -> memref<10112x32xf32, #tpu.memory_space<vmem_shared>>
        tpu.enqueue_indirect_dma source(%dma_start3A_357 : memref<128x32xf32, #tpu.memory_space<vmem>>) target(%dma_start3A_363 : memref<10112x32xf32, #tpu.memory_space<vmem_shared>>) offsets(%dma_start3A_360 : memref<128xi32, #tpu.memory_space<vmem>>) semaphore(%run_scoped3A_353 : memref<!tpu.dma_semaphore, #tpu.memory_space<semaphore_mem>>) {add = true}
        %dma_wait3A_364 = arith.constant 0 : i32
        %dma_wait3A_365 = arith.constant 0 : i32
        %dma_wait3A_366 = tpu.memref_slice %arg9[%run_scoped3A_285, %run_scoped3A_286, %dma_wait3A_364, %dma_wait3A_365] : memref<2x4x128x32xf32, #tpu.memory_space<vmem>> -> memref<1x1x128x32xf32, #tpu.memory_space<vmem>>
        %dma_wait3A_367 = tpu.memref_squeeze %dma_wait3A_366 : memref<1x1x128x32xf32, #tpu.memory_space<vmem>> -> memref<128x32xf32, #tpu.memory_space<vmem>>
        %dma_wait3A_368 = arith.constant 0 : i32
        %dma_wait3A_369 = tpu.memref_slice %arg8[%add3A_268, %dma_wait3A_368] : memref<80x128xi32, #tpu.memory_space<vmem>> -> memref<1x128xi32, #tpu.memory_space<vmem>>
        %dma_wait3A_370 = tpu.memref_squeeze %dma_wait3A_369 : memref<1x128xi32, #tpu.memory_space<vmem>> -> memref<128xi32, #tpu.memory_space<vmem>>
        %dma_wait3A_371 = arith.constant 0 : i32
        %dma_wait3A_372 = arith.constant 0 : i32
        %dma_wait3A_373 = tpu.memref_slice %arg10[%dma_wait3A_371, %dma_wait3A_372] : memref<10112x32xf32, #tpu.memory_space<vmem_shared>> -> memref<10112x32xf32, #tpu.memory_space<vmem_shared>>
        tpu.wait_indirect_dma semaphore(%run_scoped3A_353 : memref<!tpu.dma_semaphore, #tpu.memory_space<semaphore_mem>>) src(%dma_wait3A_367 : memref<128x32xf32, #tpu.memory_space<vmem>>) dst(%dma_wait3A_373 : memref<10112x32xf32, #tpu.memory_space<vmem_shared>>)
        tpu.yield
      }) : () -> ()
      %mul3A_287 = arith.constant 4 : i32
      %mul3A_288 = arith.muli %add3A_264, %mul3A_287 : i32
      %add3A_289 = arith.constant 1 : i32
      %add3A_290 = arith.addi %mul3A_288, %add3A_289 : i32
      %dma_wait3A_291 = arith.constant 1 : i32
      %dma_wait3A_292 = arith.constant 1 : i32
      %dma_wait3A_293 = arith.constant 1 : i32
      %dma_wait3A_294 = arith.constant 1 : i32
      %dma_wait3A_295 = arith.constant 0 : i32
      %dma_wait3A_296 = arith.constant 0 : i32
      %dma_wait3A_297 = tpu.memref_slice %arg9[%dma_wait3A_291, %dma_wait3A_292, %dma_wait3A_295, %dma_wait3A_296] : memref<2x4x128x32xf32, #tpu.memory_space<vmem>> -> memref<1x1x128x32xf32, #tpu.memory_space<vmem>>
      %dma_wait3A_298 = tpu.memref_squeeze %dma_wait3A_297 : memref<1x1x128x32xf32, #tpu.memory_space<vmem>> -> memref<128x32xf32, #tpu.memory_space<vmem>>
      %dma_wait3A_299 = arith.constant 0 : i32
      %dma_wait3A_300 = tpu.memref_slice %arg7[%add3A_290, %dma_wait3A_299] : memref<80x128xi32, #tpu.memory_space<vmem>> -> memref<1x128xi32, #tpu.memory_space<vmem>>
      %dma_wait3A_301 = tpu.memref_squeeze %dma_wait3A_300 : memref<1x128xi32, #tpu.memory_space<vmem>> -> memref<128xi32, #tpu.memory_space<vmem>>
      %dma_wait3A_302 = arith.constant 0 : i32
      %dma_wait3A_303 = arith.constant 0 : i32
      %dma_wait3A_304 = tpu.memref_slice %arg4[%dma_wait3A_302, %dma_wait3A_303] : memref<10112x32xf32, #tpu.memory_space<hbm>> -> memref<10112x32xf32, #tpu.memory_space<hbm>>
      %dma_wait3A_305 = tpu.memref_slice %arg11[%dma_wait3A_293, %dma_wait3A_294] : memref<2x4x!tpu.dma_semaphore, #tpu.memory_space<semaphore_mem>> -> memref<1x1x!tpu.dma_semaphore, #tpu.memory_space<semaphore_mem>>
      %dma_wait3A_306 = tpu.memref_squeeze %dma_wait3A_305 : memref<1x1x!tpu.dma_semaphore, #tpu.memory_space<semaphore_mem>> -> memref<!tpu.dma_semaphore, #tpu.memory_space<semaphore_mem>>
      tpu.wait_indirect_dma semaphore(%dma_wait3A_306 : memref<!tpu.dma_semaphore, #tpu.memory_space<semaphore_mem>>) src(%dma_wait3A_304 : memref<10112x32xf32, #tpu.memory_space<hbm>>) dst(%dma_wait3A_298 : memref<128x32xf32, #tpu.memory_space<vmem>>)
      %run_scoped3A_307 = arith.constant 1 : i32
      %run_scoped3A_308 = arith.constant 1 : i32
      "tpu.region"() ({
        %run_scoped3A_353 = tpu.sem_alloc : memref<!tpu.dma_semaphore, #tpu.memory_space<semaphore_mem>>
        %dma_start3A_354 = arith.constant 0 : i32
        %dma_start3A_355 = arith.constant 0 : i32
        %dma_start3A_356 = tpu.memref_slice %arg9[%run_scoped3A_307, %run_scoped3A_308, %dma_start3A_354, %dma_start3A_355] : memref<2x4x128x32xf32, #tpu.memory_space<vmem>> -> memref<1x1x128x32xf32, #tpu.memory_space<vmem>>
        %dma_start3A_357 = tpu.memref_squeeze %dma_start3A_356 : memref<1x1x128x32xf32, #tpu.memory_space<vmem>> -> memref<128x32xf32, #tpu.memory_space<vmem>>
        %dma_start3A_358 = arith.constant 0 : i32
        %dma_start3A_359 = tpu.memref_slice %arg8[%add3A_290, %dma_start3A_358] : memref<80x128xi32, #tpu.memory_space<vmem>> -> memref<1x128xi32, #tpu.memory_space<vmem>>
        %dma_start3A_360 = tpu.memref_squeeze %dma_start3A_359 : memref<1x128xi32, #tpu.memory_space<vmem>> -> memref<128xi32, #tpu.memory_space<vmem>>
        %dma_start3A_361 = arith.constant 0 : i32
        %dma_start3A_362 = arith.constant 0 : i32
        %dma_start3A_363 = tpu.memref_slice %arg10[%dma_start3A_361, %dma_start3A_362] : memref<10112x32xf32, #tpu.memory_space<vmem_shared>> -> memref<10112x32xf32, #tpu.memory_space<vmem_shared>>
        tpu.enqueue_indirect_dma source(%dma_start3A_357 : memref<128x32xf32, #tpu.memory_space<vmem>>) target(%dma_start3A_363 : memref<10112x32xf32, #tpu.memory_space<vmem_shared>>) offsets(%dma_start3A_360 : memref<128xi32, #tpu.memory_space<vmem>>) semaphore(%run_scoped3A_353 : memref<!tpu.dma_semaphore, #tpu.memory_space<semaphore_mem>>) {add = true}
        %dma_wait3A_364 = arith.constant 0 : i32
        %dma_wait3A_365 = arith.constant 0 : i32
        %dma_wait3A_366 = tpu.memref_slice %arg9[%run_scoped3A_307, %run_scoped3A_308, %dma_wait3A_364, %dma_wait3A_365] : memref<2x4x128x32xf32, #tpu.memory_space<vmem>> -> memref<1x1x128x32xf32, #tpu.memory_space<vmem>>
        %dma_wait3A_367 = tpu.memref_squeeze %dma_wait3A_366 : memref<1x1x128x32xf32, #tpu.memory_space<vmem>> -> memref<128x32xf32, #tpu.memory_space<vmem>>
        %dma_wait3A_368 = arith.constant 0 : i32
        %dma_wait3A_369 = tpu.memref_slice %arg8[%add3A_290, %dma_wait3A_368] : memref<80x128xi32, #tpu.memory_space<vmem>> -> memref<1x128xi32, #tpu.memory_space<vmem>>
        %dma_wait3A_370 = tpu.memref_squeeze %dma_wait3A_369 : memref<1x128xi32, #tpu.memory_space<vmem>> -> memref<128xi32, #tpu.memory_space<vmem>>
        %dma_wait3A_371 = arith.constant 0 : i32
        %dma_wait3A_372 = arith.constant 0 : i32
        %dma_wait3A_373 = tpu.memref_slice %arg10[%dma_wait3A_371, %dma_wait3A_372] : memref<10112x32xf32, #tpu.memory_space<vmem_shared>> -> memref<10112x32xf32, #tpu.memory_space<vmem_shared>>
        tpu.wait_indirect_dma semaphore(%run_scoped3A_353 : memref<!tpu.dma_semaphore, #tpu.memory_space<semaphore_mem>>) src(%dma_wait3A_367 : memref<128x32xf32, #tpu.memory_space<vmem>>) dst(%dma_wait3A_373 : memref<10112x32xf32, #tpu.memory_space<vmem_shared>>)
        tpu.yield
      }) : () -> ()
      %mul3A_309 = arith.constant 4 : i32
      %mul3A_310 = arith.muli %add3A_264, %mul3A_309 : i32
      %add3A_311 = arith.constant 2 : i32
      %add3A_312 = arith.addi %mul3A_310, %add3A_311 : i32
      %dma_wait3A_313 = arith.constant 1 : i32
      %dma_wait3A_314 = arith.constant 2 : i32
      %dma_wait3A_315 = arith.constant 1 : i32
      %dma_wait3A_316 = arith.constant 2 : i32
      %dma_wait3A_317 = arith.constant 0 : i32
      %dma_wait3A_318 = arith.constant 0 : i32
      %dma_wait3A_319 = tpu.memref_slice %arg9[%dma_wait3A_313, %dma_wait3A_314, %dma_wait3A_317, %dma_wait3A_318] : memref<2x4x128x32xf32, #tpu.memory_space<vmem>> -> memref<1x1x128x32xf32, #tpu.memory_space<vmem>>
      %dma_wait3A_320 = tpu.memref_squeeze %dma_wait3A_319 : memref<1x1x128x32xf32, #tpu.memory_space<vmem>> -> memref<128x32xf32, #tpu.memory_space<vmem>>
      %dma_wait3A_321 = arith.constant 0 : i32
      %dma_wait3A_322 = tpu.memref_slice %arg7[%add3A_312, %dma_wait3A_321] : memref<80x128xi32, #tpu.memory_space<vmem>> -> memref<1x128xi32, #tpu.memory_space<vmem>>
      %dma_wait3A_323 = tpu.memref_squeeze %dma_wait3A_322 : memref<1x128xi32, #tpu.memory_space<vmem>> -> memref<128xi32, #tpu.memory_space<vmem>>
      %dma_wait3A_324 = arith.constant 0 : i32
      %dma_wait3A_325 = arith.constant 0 : i32
      %dma_wait3A_326 = tpu.memref_slice %arg4[%dma_wait3A_324, %dma_wait3A_325] : memref<10112x32xf32, #tpu.memory_space<hbm>> -> memref<10112x32xf32, #tpu.memory_space<hbm>>
      %dma_wait3A_327 = tpu.memref_slice %arg11[%dma_wait3A_315, %dma_wait3A_316] : memref<2x4x!tpu.dma_semaphore, #tpu.memory_space<semaphore_mem>> -> memref<1x1x!tpu.dma_semaphore, #tpu.memory_space<semaphore_mem>>
      %dma_wait3A_328 = tpu.memref_squeeze %dma_wait3A_327 : memref<1x1x!tpu.dma_semaphore, #tpu.memory_space<semaphore_mem>> -> memref<!tpu.dma_semaphore, #tpu.memory_space<semaphore_mem>>
      tpu.wait_indirect_dma semaphore(%dma_wait3A_328 : memref<!tpu.dma_semaphore, #tpu.memory_space<semaphore_mem>>) src(%dma_wait3A_326 : memref<10112x32xf32, #tpu.memory_space<hbm>>) dst(%dma_wait3A_320 : memref<128x32xf32, #tpu.memory_space<vmem>>)
      %run_scoped3A_329 = arith.constant 1 : i32
      %run_scoped3A_330 = arith.constant 2 : i32
      "tpu.region"() ({
        %run_scoped3A_353 = tpu.sem_alloc : memref<!tpu.dma_semaphore, #tpu.memory_space<semaphore_mem>>
        %dma_start3A_354 = arith.constant 0 : i32
        %dma_start3A_355 = arith.constant 0 : i32
        %dma_start3A_356 = tpu.memref_slice %arg9[%run_scoped3A_329, %run_scoped3A_330, %dma_start3A_354, %dma_start3A_355] : memref<2x4x128x32xf32, #tpu.memory_space<vmem>> -> memref<1x1x128x32xf32, #tpu.memory_space<vmem>>
        %dma_start3A_357 = tpu.memref_squeeze %dma_start3A_356 : memref<1x1x128x32xf32, #tpu.memory_space<vmem>> -> memref<128x32xf32, #tpu.memory_space<vmem>>
        %dma_start3A_358 = arith.constant 0 : i32
        %dma_start3A_359 = tpu.memref_slice %arg8[%add3A_312, %dma_start3A_358] : memref<80x128xi32, #tpu.memory_space<vmem>> -> memref<1x128xi32, #tpu.memory_space<vmem>>
        %dma_start3A_360 = tpu.memref_squeeze %dma_start3A_359 : memref<1x128xi32, #tpu.memory_space<vmem>> -> memref<128xi32, #tpu.memory_space<vmem>>
        %dma_start3A_361 = arith.constant 0 : i32
        %dma_start3A_362 = arith.constant 0 : i32
        %dma_start3A_363 = tpu.memref_slice %arg10[%dma_start3A_361, %dma_start3A_362] : memref<10112x32xf32, #tpu.memory_space<vmem_shared>> -> memref<10112x32xf32, #tpu.memory_space<vmem_shared>>
        tpu.enqueue_indirect_dma source(%dma_start3A_357 : memref<128x32xf32, #tpu.memory_space<vmem>>) target(%dma_start3A_363 : memref<10112x32xf32, #tpu.memory_space<vmem_shared>>) offsets(%dma_start3A_360 : memref<128xi32, #tpu.memory_space<vmem>>) semaphore(%run_scoped3A_353 : memref<!tpu.dma_semaphore, #tpu.memory_space<semaphore_mem>>) {add = true}
        %dma_wait3A_364 = arith.constant 0 : i32
        %dma_wait3A_365 = arith.constant 0 : i32
        %dma_wait3A_366 = tpu.memref_slice %arg9[%run_scoped3A_329, %run_scoped3A_330, %dma_wait3A_364, %dma_wait3A_365] : memref<2x4x128x32xf32, #tpu.memory_space<vmem>> -> memref<1x1x128x32xf32, #tpu.memory_space<vmem>>
        %dma_wait3A_367 = tpu.memref_squeeze %dma_wait3A_366 : memref<1x1x128x32xf32, #tpu.memory_space<vmem>> -> memref<128x32xf32, #tpu.memory_space<vmem>>
        %dma_wait3A_368 = arith.constant 0 : i32
        %dma_wait3A_369 = tpu.memref_slice %arg8[%add3A_312, %dma_wait3A_368] : memref<80x128xi32, #tpu.memory_space<vmem>> -> memref<1x128xi32, #tpu.memory_space<vmem>>
        %dma_wait3A_370 = tpu.memref_squeeze %dma_wait3A_369 : memref<1x128xi32, #tpu.memory_space<vmem>> -> memref<128xi32, #tpu.memory_space<vmem>>
        %dma_wait3A_371 = arith.constant 0 : i32
        %dma_wait3A_372 = arith.constant 0 : i32
        %dma_wait3A_373 = tpu.memref_slice %arg10[%dma_wait3A_371, %dma_wait3A_372] : memref<10112x32xf32, #tpu.memory_space<vmem_shared>> -> memref<10112x32xf32, #tpu.memory_space<vmem_shared>>
        tpu.wait_indirect_dma semaphore(%run_scoped3A_353 : memref<!tpu.dma_semaphore, #tpu.memory_space<semaphore_mem>>) src(%dma_wait3A_367 : memref<128x32xf32, #tpu.memory_space<vmem>>) dst(%dma_wait3A_373 : memref<10112x32xf32, #tpu.memory_space<vmem_shared>>)
        tpu.yield
      }) : () -> ()
      %mul3A_331 = arith.constant 4 : i32
      %mul3A_332 = arith.muli %add3A_264, %mul3A_331 : i32
      %add3A_333 = arith.constant 3 : i32
      %add3A_334 = arith.addi %mul3A_332, %add3A_333 : i32
      %dma_wait3A_335 = arith.constant 1 : i32
      %dma_wait3A_336 = arith.constant 3 : i32
      %dma_wait3A_337 = arith.constant 1 : i32
      %dma_wait3A_338 = arith.constant 3 : i32
      %dma_wait3A_339 = arith.constant 0 : i32
      %dma_wait3A_340 = arith.constant 0 : i32
      %dma_wait3A_341 = tpu.memref_slice %arg9[%dma_wait3A_335, %dma_wait3A_336, %dma_wait3A_339, %dma_wait3A_340] : memref<2x4x128x32xf32, #tpu.memory_space<vmem>> -> memref<1x1x128x32xf32, #tpu.memory_space<vmem>>
      %dma_wait3A_342 = tpu.memref_squeeze %dma_wait3A_341 : memref<1x1x128x32xf32, #tpu.memory_space<vmem>> -> memref<128x32xf32, #tpu.memory_space<vmem>>
      %dma_wait3A_343 = arith.constant 0 : i32
      %dma_wait3A_344 = tpu.memref_slice %arg7[%add3A_334, %dma_wait3A_343] : memref<80x128xi32, #tpu.memory_space<vmem>> -> memref<1x128xi32, #tpu.memory_space<vmem>>
      %dma_wait3A_345 = tpu.memref_squeeze %dma_wait3A_344 : memref<1x128xi32, #tpu.memory_space<vmem>> -> memref<128xi32, #tpu.memory_space<vmem>>
      %dma_wait3A_346 = arith.constant 0 : i32
      %dma_wait3A_347 = arith.constant 0 : i32
      %dma_wait3A_348 = tpu.memref_slice %arg4[%dma_wait3A_346, %dma_wait3A_347] : memref<10112x32xf32, #tpu.memory_space<hbm>> -> memref<10112x32xf32, #tpu.memory_space<hbm>>
      %dma_wait3A_349 = tpu.memref_slice %arg11[%dma_wait3A_337, %dma_wait3A_338] : memref<2x4x!tpu.dma_semaphore, #tpu.memory_space<semaphore_mem>> -> memref<1x1x!tpu.dma_semaphore, #tpu.memory_space<semaphore_mem>>
      %dma_wait3A_350 = tpu.memref_squeeze %dma_wait3A_349 : memref<1x1x!tpu.dma_semaphore, #tpu.memory_space<semaphore_mem>> -> memref<!tpu.dma_semaphore, #tpu.memory_space<semaphore_mem>>
      tpu.wait_indirect_dma semaphore(%dma_wait3A_350 : memref<!tpu.dma_semaphore, #tpu.memory_space<semaphore_mem>>) src(%dma_wait3A_348 : memref<10112x32xf32, #tpu.memory_space<hbm>>) dst(%dma_wait3A_342 : memref<128x32xf32, #tpu.memory_space<vmem>>)
      %run_scoped3A_351 = arith.constant 1 : i32
      %run_scoped3A_352 = arith.constant 3 : i32
      "tpu.region"() ({
        %run_scoped3A_353 = tpu.sem_alloc : memref<!tpu.dma_semaphore, #tpu.memory_space<semaphore_mem>>
        %dma_start3A_354 = arith.constant 0 : i32
        %dma_start3A_355 = arith.constant 0 : i32
        %dma_start3A_356 = tpu.memref_slice %arg9[%run_scoped3A_351, %run_scoped3A_352, %dma_start3A_354, %dma_start3A_355] : memref<2x4x128x32xf32, #tpu.memory_space<vmem>> -> memref<1x1x128x32xf32, #tpu.memory_space<vmem>>
        %dma_start3A_357 = tpu.memref_squeeze %dma_start3A_356 : memref<1x1x128x32xf32, #tpu.memory_space<vmem>> -> memref<128x32xf32, #tpu.memory_space<vmem>>
        %dma_start3A_358 = arith.constant 0 : i32
        %dma_start3A_359 = tpu.memref_slice %arg8[%add3A_334, %dma_start3A_358] : memref<80x128xi32, #tpu.memory_space<vmem>> -> memref<1x128xi32, #tpu.memory_space<vmem>>
        %dma_start3A_360 = tpu.memref_squeeze %dma_start3A_359 : memref<1x128xi32, #tpu.memory_space<vmem>> -> memref<128xi32, #tpu.memory_space<vmem>>
        %dma_start3A_361 = arith.constant 0 : i32
        %dma_start3A_362 = arith.constant 0 : i32
        %dma_start3A_363 = tpu.memref_slice %arg10[%dma_start3A_361, %dma_start3A_362] : memref<10112x32xf32, #tpu.memory_space<vmem_shared>> -> memref<10112x32xf32, #tpu.memory_space<vmem_shared>>
        tpu.enqueue_indirect_dma source(%dma_start3A_357 : memref<128x32xf32, #tpu.memory_space<vmem>>) target(%dma_start3A_363 : memref<10112x32xf32, #tpu.memory_space<vmem_shared>>) offsets(%dma_start3A_360 : memref<128xi32, #tpu.memory_space<vmem>>) semaphore(%run_scoped3A_353 : memref<!tpu.dma_semaphore, #tpu.memory_space<semaphore_mem>>) {add = true}
        %dma_wait3A_364 = arith.constant 0 : i32
        %dma_wait3A_365 = arith.constant 0 : i32
        %dma_wait3A_366 = tpu.memref_slice %arg9[%run_scoped3A_351, %run_scoped3A_352, %dma_wait3A_364, %dma_wait3A_365] : memref<2x4x128x32xf32, #tpu.memory_space<vmem>> -> memref<1x1x128x32xf32, #tpu.memory_space<vmem>>
        %dma_wait3A_367 = tpu.memref_squeeze %dma_wait3A_366 : memref<1x1x128x32xf32, #tpu.memory_space<vmem>> -> memref<128x32xf32, #tpu.memory_space<vmem>>
        %dma_wait3A_368 = arith.constant 0 : i32
        %dma_wait3A_369 = tpu.memref_slice %arg8[%add3A_334, %dma_wait3A_368] : memref<80x128xi32, #tpu.memory_space<vmem>> -> memref<1x128xi32, #tpu.memory_space<vmem>>
        %dma_wait3A_370 = tpu.memref_squeeze %dma_wait3A_369 : memref<1x128xi32, #tpu.memory_space<vmem>> -> memref<128xi32, #tpu.memory_space<vmem>>
        %dma_wait3A_371 = arith.constant 0 : i32
        %dma_wait3A_372 = arith.constant 0 : i32
        %dma_wait3A_373 = tpu.memref_slice %arg10[%dma_wait3A_371, %dma_wait3A_372] : memref<10112x32xf32, #tpu.memory_space<vmem_shared>> -> memref<10112x32xf32, #tpu.memory_space<vmem_shared>>
        tpu.wait_indirect_dma semaphore(%run_scoped3A_353 : memref<!tpu.dma_semaphore, #tpu.memory_space<semaphore_mem>>) src(%dma_wait3A_367 : memref<128x32xf32, #tpu.memory_space<vmem>>) dst(%dma_wait3A_373 : memref<10112x32xf32, #tpu.memory_space<vmem_shared>>)
        tpu.yield
      }) : () -> ()
    }
    %scan3A_78 = arith.constant 10 : i32
    %barrier3A_79 = arith.constant 0 : index
    tpu.barrier barrier_id(%barrier3A_79)
    %mul3A_80 = arith.constant 632 : i32
    %mul3A_81 = arith.muli %arg1, %mul3A_80 : i32
    %mul3A_82 = arith.constant 632 : i32
    %mul3A_83 = arith.muli %arg1, %mul3A_82 : i32
    "tpu.region"() ({
      %run_scoped3A = tpu.sem_alloc : memref<!tpu.dma_semaphore, #tpu.memory_space<semaphore_mem>>
      %dma_start3A_84 = arith.constant 0 : i32
      %dma_start3A_85 = tpu.memref_slice %arg6[%arg0, %mul3A_83, %dma_start3A_84] : memref<2x10112x32xf32, #tpu.memory_space<hbm>> -> memref<1x632x32xf32, #tpu.memory_space<hbm>>
      %dma_start3A_86 = tpu.memref_squeeze %dma_start3A_85 : memref<1x632x32xf32, #tpu.memory_space<hbm>> -> memref<632x32xf32, #tpu.memory_space<hbm>>
      %dma_start3A_87 = arith.constant 0 : i32
      %dma_start3A_88 = tpu.memref_slice %arg10[%mul3A_81, %dma_start3A_87] : memref<10112x32xf32, #tpu.memory_space<vmem_shared>> -> memref<632x32xf32, #tpu.memory_space<vmem_shared>>
      tpu.enqueue_dma source(%dma_start3A_88 : memref<632x32xf32, #tpu.memory_space<vmem_shared>>) target(%dma_start3A_86 : memref<632x32xf32, #tpu.memory_space<hbm>>) target_semaphore(%run_scoped3A : memref<!tpu.dma_semaphore, #tpu.memory_space<semaphore_mem>>)
      %dma_wait3A = arith.constant 0 : i32
      %dma_wait3A_89 = tpu.memref_slice %arg6[%arg0, %mul3A_83, %dma_wait3A] : memref<2x10112x32xf32, #tpu.memory_space<hbm>> -> memref<1x632x32xf32, #tpu.memory_space<hbm>>
      %dma_wait3A_90 = tpu.memref_squeeze %dma_wait3A_89 : memref<1x632x32xf32, #tpu.memory_space<hbm>> -> memref<632x32xf32, #tpu.memory_space<hbm>>
      %dma_wait3A_91 = arith.constant 0 : i32
      %dma_wait3A_92 = tpu.memref_slice %arg10[%mul3A_81, %dma_wait3A_91] : memref<10112x32xf32, #tpu.memory_space<vmem_shared>> -> memref<632x32xf32, #tpu.memory_space<vmem_shared>>
      tpu.wait_dma2 semaphore(%run_scoped3A : memref<!tpu.dma_semaphore, #tpu.memory_space<semaphore_mem>>) src(%dma_wait3A_92 : memref<632x32xf32, #tpu.memory_space<vmem_shared>>) dst(%dma_wait3A_90 : memref<632x32xf32, #tpu.memory_space<hbm>>)
      tpu.yield
    }) : () -> ()
    return
  }
}

#map = affine_map<(d0, d1) -> (0, 0)>
#map1 = affine_map<(d0, d1) -> (0, 0, 0)>
module attributes {stable_mosaic.version = 14 : i64} {
  func.func @agg(%arg0: i32, %arg1: i32, %arg2: memref<2560x128xi32, #tpu.memory_space<hbm>>, %arg3: memref<2560x128xi32, #tpu.memory_space<hbm>>, %arg4: memref<10112x64xf32, #tpu.memory_space<hbm>>, %arg5: memref<632x64xf32, #tpu.memory_space<hbm>>, %arg6: memref<2x10112x64xf32, #tpu.memory_space<hbm>>, %arg7: memref<80x128xi32, #tpu.memory_space<vmem>>, %arg8: memref<80x128xi32, #tpu.memory_space<vmem>>, %arg9: memref<2x4x128x64xf32, #tpu.memory_space<vmem>>, %arg10: memref<10112x64xf32, #tpu.memory_space<vmem_shared>>, %arg11: memref<2x4x!tpu.dma_semaphore, #tpu.memory_space<semaphore_mem>>) attributes {dimension_semantics = [#tpu.dimension_semantics<core_parallel>, #tpu.dimension_semantics<subcore_parallel>], iteration_bounds = array<i64: 2, 16>, scalar_prefetch = 0 : i64, scratch_operands = 5 : i64, tpu.core_type = #tpu.core_type<sc_vector_subcore>, window_params = [{transform_indices = #map}, {transform_indices = #map}, {transform_indices = #map}, {transform_indices = #map}, {transform_indices = #map1}]} {
    %mul3A = arith.constant 16 : i32
    %mul3A_0 = arith.muli %arg0, %mul3A : i32
    %add3A = arith.addi %mul3A_0, %arg1 : i32
    %mul3A_1 = arith.constant 632 : i32
    %mul3A_2 = arith.muli %arg1, %mul3A_1 : i32
    "tpu.region"() ({
      %run_scoped3A = tpu.sem_alloc : memref<!tpu.dma_semaphore, #tpu.memory_space<semaphore_mem>>
      %dma_start3A_84 = arith.constant 0 : i32
      %dma_start3A_85 = tpu.memref_slice %arg10[%mul3A_2, %dma_start3A_84] : memref<10112x64xf32, #tpu.memory_space<vmem_shared>> -> memref<632x64xf32, #tpu.memory_space<vmem_shared>>
      tpu.enqueue_dma source(%arg5 : memref<632x64xf32, #tpu.memory_space<hbm>>) target(%dma_start3A_85 : memref<632x64xf32, #tpu.memory_space<vmem_shared>>) target_semaphore(%run_scoped3A : memref<!tpu.dma_semaphore, #tpu.memory_space<semaphore_mem>>)
      %dma_wait3A = arith.constant 0 : i32
      %dma_wait3A_86 = tpu.memref_slice %arg10[%mul3A_2, %dma_wait3A] : memref<10112x64xf32, #tpu.memory_space<vmem_shared>> -> memref<632x64xf32, #tpu.memory_space<vmem_shared>>
      tpu.wait_dma2 semaphore(%run_scoped3A : memref<!tpu.dma_semaphore, #tpu.memory_space<semaphore_mem>>) src(%arg5 : memref<632x64xf32, #tpu.memory_space<hbm>>) dst(%dma_wait3A_86 : memref<632x64xf32, #tpu.memory_space<vmem_shared>>)
      tpu.yield
    }) : () -> ()
    %mul3A_3 = arith.constant 80 : i32
    %mul3A_4 = arith.muli %add3A, %mul3A_3 : i32
    "tpu.region"() ({
      %run_scoped3A = tpu.sem_alloc : memref<!tpu.dma_semaphore, #tpu.memory_space<semaphore_mem>>
      %dma_start3A_84 = arith.constant 0 : i32
      %dma_start3A_85 = tpu.memref_slice %arg2[%mul3A_4, %dma_start3A_84] : memref<2560x128xi32, #tpu.memory_space<hbm>> -> memref<80x128xi32, #tpu.memory_space<hbm>>
      %dma_start3A_86 = arith.constant 0 : i32
      %dma_start3A_87 = tpu.memref_slice %arg2[%mul3A_4, %dma_start3A_86] : memref<2560x128xi32, #tpu.memory_space<hbm>> -> memref<80x128xi32, #tpu.memory_space<hbm>>
      tpu.enqueue_dma source(%dma_start3A_87 : memref<80x128xi32, #tpu.memory_space<hbm>>) target(%arg7 : memref<80x128xi32, #tpu.memory_space<vmem>>) target_semaphore(%run_scoped3A : memref<!tpu.dma_semaphore, #tpu.memory_space<semaphore_mem>>)
      %dma_wait3A = arith.constant 0 : i32
      %dma_wait3A_88 = tpu.memref_slice %arg2[%mul3A_4, %dma_wait3A] : memref<2560x128xi32, #tpu.memory_space<hbm>> -> memref<80x128xi32, #tpu.memory_space<hbm>>
      %dma_wait3A_89 = arith.constant 0 : i32
      %dma_wait3A_90 = tpu.memref_slice %arg2[%mul3A_4, %dma_wait3A_89] : memref<2560x128xi32, #tpu.memory_space<hbm>> -> memref<80x128xi32, #tpu.memory_space<hbm>>
      tpu.wait_dma2 semaphore(%run_scoped3A : memref<!tpu.dma_semaphore, #tpu.memory_space<semaphore_mem>>) src(%dma_wait3A_90 : memref<80x128xi32, #tpu.memory_space<hbm>>) dst(%arg7 : memref<80x128xi32, #tpu.memory_space<vmem>>)
      tpu.yield
    }) : () -> ()
    %mul3A_5 = arith.constant 80 : i32
    %mul3A_6 = arith.muli %add3A, %mul3A_5 : i32
    "tpu.region"() ({
      %run_scoped3A = tpu.sem_alloc : memref<!tpu.dma_semaphore, #tpu.memory_space<semaphore_mem>>
      %dma_start3A_84 = arith.constant 0 : i32
      %dma_start3A_85 = tpu.memref_slice %arg3[%mul3A_6, %dma_start3A_84] : memref<2560x128xi32, #tpu.memory_space<hbm>> -> memref<80x128xi32, #tpu.memory_space<hbm>>
      %dma_start3A_86 = arith.constant 0 : i32
      %dma_start3A_87 = tpu.memref_slice %arg3[%mul3A_6, %dma_start3A_86] : memref<2560x128xi32, #tpu.memory_space<hbm>> -> memref<80x128xi32, #tpu.memory_space<hbm>>
      tpu.enqueue_dma source(%dma_start3A_87 : memref<80x128xi32, #tpu.memory_space<hbm>>) target(%arg8 : memref<80x128xi32, #tpu.memory_space<vmem>>) target_semaphore(%run_scoped3A : memref<!tpu.dma_semaphore, #tpu.memory_space<semaphore_mem>>)
      %dma_wait3A = arith.constant 0 : i32
      %dma_wait3A_88 = tpu.memref_slice %arg3[%mul3A_6, %dma_wait3A] : memref<2560x128xi32, #tpu.memory_space<hbm>> -> memref<80x128xi32, #tpu.memory_space<hbm>>
      %dma_wait3A_89 = arith.constant 0 : i32
      %dma_wait3A_90 = tpu.memref_slice %arg3[%mul3A_6, %dma_wait3A_89] : memref<2560x128xi32, #tpu.memory_space<hbm>> -> memref<80x128xi32, #tpu.memory_space<hbm>>
      tpu.wait_dma2 semaphore(%run_scoped3A : memref<!tpu.dma_semaphore, #tpu.memory_space<semaphore_mem>>) src(%dma_wait3A_90 : memref<80x128xi32, #tpu.memory_space<hbm>>) dst(%arg8 : memref<80x128xi32, #tpu.memory_space<vmem>>)
      tpu.yield
    }) : () -> ()
    %barrier3A = arith.constant 0 : index
    tpu.barrier barrier_id(%barrier3A)
    %dma_start3A = arith.constant 0 : i32
    %dma_start3A_7 = arith.constant 0 : i32
    %dma_start3A_8 = arith.constant 0 : i32
    %dma_start3A_9 = arith.constant 0 : i32
    %dma_start3A_10 = arith.constant 0 : i32
    %dma_start3A_11 = arith.constant 0 : i32
    %dma_start3A_12 = arith.constant 0 : i32
    %dma_start3A_13 = tpu.memref_slice %arg9[%dma_start3A_7, %dma_start3A_8, %dma_start3A_11, %dma_start3A_12] : memref<2x4x128x64xf32, #tpu.memory_space<vmem>> -> memref<1x1x128x64xf32, #tpu.memory_space<vmem>>
    %dma_start3A_14 = tpu.memref_squeeze %dma_start3A_13 : memref<1x1x128x64xf32, #tpu.memory_space<vmem>> -> memref<128x64xf32, #tpu.memory_space<vmem>>
    %dma_start3A_15 = arith.constant 0 : i32
    %dma_start3A_16 = tpu.memref_slice %arg7[%dma_start3A, %dma_start3A_15] : memref<80x128xi32, #tpu.memory_space<vmem>> -> memref<1x128xi32, #tpu.memory_space<vmem>>
    %dma_start3A_17 = tpu.memref_squeeze %dma_start3A_16 : memref<1x128xi32, #tpu.memory_space<vmem>> -> memref<128xi32, #tpu.memory_space<vmem>>
    %dma_start3A_18 = arith.constant 0 : i32
    %dma_start3A_19 = arith.constant 0 : i32
    %dma_start3A_20 = tpu.memref_slice %arg4[%dma_start3A_18, %dma_start3A_19] : memref<10112x64xf32, #tpu.memory_space<hbm>> -> memref<10112x64xf32, #tpu.memory_space<hbm>>
    %dma_start3A_21 = tpu.memref_slice %arg11[%dma_start3A_9, %dma_start3A_10] : memref<2x4x!tpu.dma_semaphore, #tpu.memory_space<semaphore_mem>> -> memref<1x1x!tpu.dma_semaphore, #tpu.memory_space<semaphore_mem>>
    %dma_start3A_22 = tpu.memref_squeeze %dma_start3A_21 : memref<1x1x!tpu.dma_semaphore, #tpu.memory_space<semaphore_mem>> -> memref<!tpu.dma_semaphore, #tpu.memory_space<semaphore_mem>>
    tpu.enqueue_indirect_dma source(%dma_start3A_20 : memref<10112x64xf32, #tpu.memory_space<hbm>>) target(%dma_start3A_14 : memref<128x64xf32, #tpu.memory_space<vmem>>) offsets(%dma_start3A_17 : memref<128xi32, #tpu.memory_space<vmem>>) semaphore(%dma_start3A_22 : memref<!tpu.dma_semaphore, #tpu.memory_space<semaphore_mem>>)
    %dma_start3A_23 = arith.constant 1 : i32
    %dma_start3A_24 = arith.constant 0 : i32
    %dma_start3A_25 = arith.constant 1 : i32
    %dma_start3A_26 = arith.constant 0 : i32
    %dma_start3A_27 = arith.constant 1 : i32
    %dma_start3A_28 = arith.constant 0 : i32
    %dma_start3A_29 = arith.constant 0 : i32
    %dma_start3A_30 = tpu.memref_slice %arg9[%dma_start3A_24, %dma_start3A_25, %dma_start3A_28, %dma_start3A_29] : memref<2x4x128x64xf32, #tpu.memory_space<vmem>> -> memref<1x1x128x64xf32, #tpu.memory_space<vmem>>
    %dma_start3A_31 = tpu.memref_squeeze %dma_start3A_30 : memref<1x1x128x64xf32, #tpu.memory_space<vmem>> -> memref<128x64xf32, #tpu.memory_space<vmem>>
    %dma_start3A_32 = arith.constant 0 : i32
    %dma_start3A_33 = tpu.memref_slice %arg7[%dma_start3A_23, %dma_start3A_32] : memref<80x128xi32, #tpu.memory_space<vmem>> -> memref<1x128xi32, #tpu.memory_space<vmem>>
    %dma_start3A_34 = tpu.memref_squeeze %dma_start3A_33 : memref<1x128xi32, #tpu.memory_space<vmem>> -> memref<128xi32, #tpu.memory_space<vmem>>
    %dma_start3A_35 = arith.constant 0 : i32
    %dma_start3A_36 = arith.constant 0 : i32
    %dma_start3A_37 = tpu.memref_slice %arg4[%dma_start3A_35, %dma_start3A_36] : memref<10112x64xf32, #tpu.memory_space<hbm>> -> memref<10112x64xf32, #tpu.memory_space<hbm>>
    %dma_start3A_38 = tpu.memref_slice %arg11[%dma_start3A_26, %dma_start3A_27] : memref<2x4x!tpu.dma_semaphore, #tpu.memory_space<semaphore_mem>> -> memref<1x1x!tpu.dma_semaphore, #tpu.memory_space<semaphore_mem>>
    %dma_start3A_39 = tpu.memref_squeeze %dma_start3A_38 : memref<1x1x!tpu.dma_semaphore, #tpu.memory_space<semaphore_mem>> -> memref<!tpu.dma_semaphore, #tpu.memory_space<semaphore_mem>>
    tpu.enqueue_indirect_dma source(%dma_start3A_37 : memref<10112x64xf32, #tpu.memory_space<hbm>>) target(%dma_start3A_31 : memref<128x64xf32, #tpu.memory_space<vmem>>) offsets(%dma_start3A_34 : memref<128xi32, #tpu.memory_space<vmem>>) semaphore(%dma_start3A_39 : memref<!tpu.dma_semaphore, #tpu.memory_space<semaphore_mem>>)
    %dma_start3A_40 = arith.constant 2 : i32
    %dma_start3A_41 = arith.constant 0 : i32
    %dma_start3A_42 = arith.constant 2 : i32
    %dma_start3A_43 = arith.constant 0 : i32
    %dma_start3A_44 = arith.constant 2 : i32
    %dma_start3A_45 = arith.constant 0 : i32
    %dma_start3A_46 = arith.constant 0 : i32
    %dma_start3A_47 = tpu.memref_slice %arg9[%dma_start3A_41, %dma_start3A_42, %dma_start3A_45, %dma_start3A_46] : memref<2x4x128x64xf32, #tpu.memory_space<vmem>> -> memref<1x1x128x64xf32, #tpu.memory_space<vmem>>
    %dma_start3A_48 = tpu.memref_squeeze %dma_start3A_47 : memref<1x1x128x64xf32, #tpu.memory_space<vmem>> -> memref<128x64xf32, #tpu.memory_space<vmem>>
    %dma_start3A_49 = arith.constant 0 : i32
    %dma_start3A_50 = tpu.memref_slice %arg7[%dma_start3A_40, %dma_start3A_49] : memref<80x128xi32, #tpu.memory_space<vmem>> -> memref<1x128xi32, #tpu.memory_space<vmem>>
    %dma_start3A_51 = tpu.memref_squeeze %dma_start3A_50 : memref<1x128xi32, #tpu.memory_space<vmem>> -> memref<128xi32, #tpu.memory_space<vmem>>
    %dma_start3A_52 = arith.constant 0 : i32
    %dma_start3A_53 = arith.constant 0 : i32
    %dma_start3A_54 = tpu.memref_slice %arg4[%dma_start3A_52, %dma_start3A_53] : memref<10112x64xf32, #tpu.memory_space<hbm>> -> memref<10112x64xf32, #tpu.memory_space<hbm>>
    %dma_start3A_55 = tpu.memref_slice %arg11[%dma_start3A_43, %dma_start3A_44] : memref<2x4x!tpu.dma_semaphore, #tpu.memory_space<semaphore_mem>> -> memref<1x1x!tpu.dma_semaphore, #tpu.memory_space<semaphore_mem>>
    %dma_start3A_56 = tpu.memref_squeeze %dma_start3A_55 : memref<1x1x!tpu.dma_semaphore, #tpu.memory_space<semaphore_mem>> -> memref<!tpu.dma_semaphore, #tpu.memory_space<semaphore_mem>>
    tpu.enqueue_indirect_dma source(%dma_start3A_54 : memref<10112x64xf32, #tpu.memory_space<hbm>>) target(%dma_start3A_48 : memref<128x64xf32, #tpu.memory_space<vmem>>) offsets(%dma_start3A_51 : memref<128xi32, #tpu.memory_space<vmem>>) semaphore(%dma_start3A_56 : memref<!tpu.dma_semaphore, #tpu.memory_space<semaphore_mem>>)
    %dma_start3A_57 = arith.constant 3 : i32
    %dma_start3A_58 = arith.constant 0 : i32
    %dma_start3A_59 = arith.constant 3 : i32
    %dma_start3A_60 = arith.constant 0 : i32
    %dma_start3A_61 = arith.constant 3 : i32
    %dma_start3A_62 = arith.constant 0 : i32
    %dma_start3A_63 = arith.constant 0 : i32
    %dma_start3A_64 = tpu.memref_slice %arg9[%dma_start3A_58, %dma_start3A_59, %dma_start3A_62, %dma_start3A_63] : memref<2x4x128x64xf32, #tpu.memory_space<vmem>> -> memref<1x1x128x64xf32, #tpu.memory_space<vmem>>
    %dma_start3A_65 = tpu.memref_squeeze %dma_start3A_64 : memref<1x1x128x64xf32, #tpu.memory_space<vmem>> -> memref<128x64xf32, #tpu.memory_space<vmem>>
    %dma_start3A_66 = arith.constant 0 : i32
    %dma_start3A_67 = tpu.memref_slice %arg7[%dma_start3A_57, %dma_start3A_66] : memref<80x128xi32, #tpu.memory_space<vmem>> -> memref<1x128xi32, #tpu.memory_space<vmem>>
    %dma_start3A_68 = tpu.memref_squeeze %dma_start3A_67 : memref<1x128xi32, #tpu.memory_space<vmem>> -> memref<128xi32, #tpu.memory_space<vmem>>
    %dma_start3A_69 = arith.constant 0 : i32
    %dma_start3A_70 = arith.constant 0 : i32
    %dma_start3A_71 = tpu.memref_slice %arg4[%dma_start3A_69, %dma_start3A_70] : memref<10112x64xf32, #tpu.memory_space<hbm>> -> memref<10112x64xf32, #tpu.memory_space<hbm>>
    %dma_start3A_72 = tpu.memref_slice %arg11[%dma_start3A_60, %dma_start3A_61] : memref<2x4x!tpu.dma_semaphore, #tpu.memory_space<semaphore_mem>> -> memref<1x1x!tpu.dma_semaphore, #tpu.memory_space<semaphore_mem>>
    %dma_start3A_73 = tpu.memref_squeeze %dma_start3A_72 : memref<1x1x!tpu.dma_semaphore, #tpu.memory_space<semaphore_mem>> -> memref<!tpu.dma_semaphore, #tpu.memory_space<semaphore_mem>>
    tpu.enqueue_indirect_dma source(%dma_start3A_71 : memref<10112x64xf32, #tpu.memory_space<hbm>>) target(%dma_start3A_65 : memref<128x64xf32, #tpu.memory_space<vmem>>) offsets(%dma_start3A_68 : memref<128xi32, #tpu.memory_space<vmem>>) semaphore(%dma_start3A_73 : memref<!tpu.dma_semaphore, #tpu.memory_space<semaphore_mem>>)
    %scan3A = arith.constant 0 : i32
    %scan3A_74 = arith.constant 0 : i32
    %scan3A_75 = arith.constant 10 : i32
    %scan3A_76 = arith.addi %scan3A_74, %scan3A_75 : i32
    %scan3A_77 = arith.constant 1 : i32
    scf.for %scan3A_84 = %scan3A_74 to %scan3A_76 step %scan3A_77  : i32 {
      %mul3A_85 = arith.constant 2 : i32
      %mul3A_86 = arith.muli %mul3A_85, %scan3A_84 : i32
      %add3A_87 = arith.constant 1 : i32
      %add3A_88 = arith.addi %mul3A_86, %add3A_87 : i32
      %mul3A_89 = arith.constant 4 : i32
      %mul3A_90 = arith.muli %add3A_88, %mul3A_89 : i32
      %add3A_91 = arith.constant 0 : i32
      %add3A_92 = arith.addi %mul3A_90, %add3A_91 : i32
      %dma_start3A_93 = arith.constant 1 : i32
      %dma_start3A_94 = arith.constant 0 : i32
      %dma_start3A_95 = arith.constant 1 : i32
      %dma_start3A_96 = arith.constant 0 : i32
      %dma_start3A_97 = arith.constant 0 : i32
      %dma_start3A_98 = arith.constant 0 : i32
      %dma_start3A_99 = tpu.memref_slice %arg9[%dma_start3A_93, %dma_start3A_94, %dma_start3A_97, %dma_start3A_98] : memref<2x4x128x64xf32, #tpu.memory_space<vmem>> -> memref<1x1x128x64xf32, #tpu.memory_space<vmem>>
      %dma_start3A_100 = tpu.memref_squeeze %dma_start3A_99 : memref<1x1x128x64xf32, #tpu.memory_space<vmem>> -> memref<128x64xf32, #tpu.memory_space<vmem>>
      %dma_start3A_101 = arith.constant 0 : i32
      %dma_start3A_102 = tpu.memref_slice %arg7[%add3A_92, %dma_start3A_101] : memref<80x128xi32, #tpu.memory_space<vmem>> -> memref<1x128xi32, #tpu.memory_space<vmem>>
      %dma_start3A_103 = tpu.memref_squeeze %dma_start3A_102 : memref<1x128xi32, #tpu.memory_space<vmem>> -> memref<128xi32, #tpu.memory_space<vmem>>
      %dma_start3A_104 = arith.constant 0 : i32
      %dma_start3A_105 = arith.constant 0 : i32
      %dma_start3A_106 = tpu.memref_slice %arg4[%dma_start3A_104, %dma_start3A_105] : memref<10112x64xf32, #tpu.memory_space<hbm>> -> memref<10112x64xf32, #tpu.memory_space<hbm>>
      %dma_start3A_107 = tpu.memref_slice %arg11[%dma_start3A_95, %dma_start3A_96] : memref<2x4x!tpu.dma_semaphore, #tpu.memory_space<semaphore_mem>> -> memref<1x1x!tpu.dma_semaphore, #tpu.memory_space<semaphore_mem>>
      %dma_start3A_108 = tpu.memref_squeeze %dma_start3A_107 : memref<1x1x!tpu.dma_semaphore, #tpu.memory_space<semaphore_mem>> -> memref<!tpu.dma_semaphore, #tpu.memory_space<semaphore_mem>>
      tpu.enqueue_indirect_dma source(%dma_start3A_106 : memref<10112x64xf32, #tpu.memory_space<hbm>>) target(%dma_start3A_100 : memref<128x64xf32, #tpu.memory_space<vmem>>) offsets(%dma_start3A_103 : memref<128xi32, #tpu.memory_space<vmem>>) semaphore(%dma_start3A_108 : memref<!tpu.dma_semaphore, #tpu.memory_space<semaphore_mem>>)
      %mul3A_109 = arith.constant 4 : i32
      %mul3A_110 = arith.muli %add3A_88, %mul3A_109 : i32
      %add3A_111 = arith.constant 1 : i32
      %add3A_112 = arith.addi %mul3A_110, %add3A_111 : i32
      %dma_start3A_113 = arith.constant 1 : i32
      %dma_start3A_114 = arith.constant 1 : i32
      %dma_start3A_115 = arith.constant 1 : i32
      %dma_start3A_116 = arith.constant 1 : i32
      %dma_start3A_117 = arith.constant 0 : i32
      %dma_start3A_118 = arith.constant 0 : i32
      %dma_start3A_119 = tpu.memref_slice %arg9[%dma_start3A_113, %dma_start3A_114, %dma_start3A_117, %dma_start3A_118] : memref<2x4x128x64xf32, #tpu.memory_space<vmem>> -> memref<1x1x128x64xf32, #tpu.memory_space<vmem>>
      %dma_start3A_120 = tpu.memref_squeeze %dma_start3A_119 : memref<1x1x128x64xf32, #tpu.memory_space<vmem>> -> memref<128x64xf32, #tpu.memory_space<vmem>>
      %dma_start3A_121 = arith.constant 0 : i32
      %dma_start3A_122 = tpu.memref_slice %arg7[%add3A_112, %dma_start3A_121] : memref<80x128xi32, #tpu.memory_space<vmem>> -> memref<1x128xi32, #tpu.memory_space<vmem>>
      %dma_start3A_123 = tpu.memref_squeeze %dma_start3A_122 : memref<1x128xi32, #tpu.memory_space<vmem>> -> memref<128xi32, #tpu.memory_space<vmem>>
      %dma_start3A_124 = arith.constant 0 : i32
      %dma_start3A_125 = arith.constant 0 : i32
      %dma_start3A_126 = tpu.memref_slice %arg4[%dma_start3A_124, %dma_start3A_125] : memref<10112x64xf32, #tpu.memory_space<hbm>> -> memref<10112x64xf32, #tpu.memory_space<hbm>>
      %dma_start3A_127 = tpu.memref_slice %arg11[%dma_start3A_115, %dma_start3A_116] : memref<2x4x!tpu.dma_semaphore, #tpu.memory_space<semaphore_mem>> -> memref<1x1x!tpu.dma_semaphore, #tpu.memory_space<semaphore_mem>>
      %dma_start3A_128 = tpu.memref_squeeze %dma_start3A_127 : memref<1x1x!tpu.dma_semaphore, #tpu.memory_space<semaphore_mem>> -> memref<!tpu.dma_semaphore, #tpu.memory_space<semaphore_mem>>
      tpu.enqueue_indirect_dma source(%dma_start3A_126 : memref<10112x64xf32, #tpu.memory_space<hbm>>) target(%dma_start3A_120 : memref<128x64xf32, #tpu.memory_space<vmem>>) offsets(%dma_start3A_123 : memref<128xi32, #tpu.memory_space<vmem>>) semaphore(%dma_start3A_128 : memref<!tpu.dma_semaphore, #tpu.memory_space<semaphore_mem>>)
      %mul3A_129 = arith.constant 4 : i32
      %mul3A_130 = arith.muli %add3A_88, %mul3A_129 : i32
      %add3A_131 = arith.constant 2 : i32
      %add3A_132 = arith.addi %mul3A_130, %add3A_131 : i32
      %dma_start3A_133 = arith.constant 1 : i32
      %dma_start3A_134 = arith.constant 2 : i32
      %dma_start3A_135 = arith.constant 1 : i32
      %dma_start3A_136 = arith.constant 2 : i32
      %dma_start3A_137 = arith.constant 0 : i32
      %dma_start3A_138 = arith.constant 0 : i32
      %dma_start3A_139 = tpu.memref_slice %arg9[%dma_start3A_133, %dma_start3A_134, %dma_start3A_137, %dma_start3A_138] : memref<2x4x128x64xf32, #tpu.memory_space<vmem>> -> memref<1x1x128x64xf32, #tpu.memory_space<vmem>>
      %dma_start3A_140 = tpu.memref_squeeze %dma_start3A_139 : memref<1x1x128x64xf32, #tpu.memory_space<vmem>> -> memref<128x64xf32, #tpu.memory_space<vmem>>
      %dma_start3A_141 = arith.constant 0 : i32
      %dma_start3A_142 = tpu.memref_slice %arg7[%add3A_132, %dma_start3A_141] : memref<80x128xi32, #tpu.memory_space<vmem>> -> memref<1x128xi32, #tpu.memory_space<vmem>>
      %dma_start3A_143 = tpu.memref_squeeze %dma_start3A_142 : memref<1x128xi32, #tpu.memory_space<vmem>> -> memref<128xi32, #tpu.memory_space<vmem>>
      %dma_start3A_144 = arith.constant 0 : i32
      %dma_start3A_145 = arith.constant 0 : i32
      %dma_start3A_146 = tpu.memref_slice %arg4[%dma_start3A_144, %dma_start3A_145] : memref<10112x64xf32, #tpu.memory_space<hbm>> -> memref<10112x64xf32, #tpu.memory_space<hbm>>
      %dma_start3A_147 = tpu.memref_slice %arg11[%dma_start3A_135, %dma_start3A_136] : memref<2x4x!tpu.dma_semaphore, #tpu.memory_space<semaphore_mem>> -> memref<1x1x!tpu.dma_semaphore, #tpu.memory_space<semaphore_mem>>
      %dma_start3A_148 = tpu.memref_squeeze %dma_start3A_147 : memref<1x1x!tpu.dma_semaphore, #tpu.memory_space<semaphore_mem>> -> memref<!tpu.dma_semaphore, #tpu.memory_space<semaphore_mem>>
      tpu.enqueue_indirect_dma source(%dma_start3A_146 : memref<10112x64xf32, #tpu.memory_space<hbm>>) target(%dma_start3A_140 : memref<128x64xf32, #tpu.memory_space<vmem>>) offsets(%dma_start3A_143 : memref<128xi32, #tpu.memory_space<vmem>>) semaphore(%dma_start3A_148 : memref<!tpu.dma_semaphore, #tpu.memory_space<semaphore_mem>>)
      %mul3A_149 = arith.constant 4 : i32
      %mul3A_150 = arith.muli %add3A_88, %mul3A_149 : i32
      %add3A_151 = arith.constant 3 : i32
      %add3A_152 = arith.addi %mul3A_150, %add3A_151 : i32
      %dma_start3A_153 = arith.constant 1 : i32
      %dma_start3A_154 = arith.constant 3 : i32
      %dma_start3A_155 = arith.constant 1 : i32
      %dma_start3A_156 = arith.constant 3 : i32
      %dma_start3A_157 = arith.constant 0 : i32
      %dma_start3A_158 = arith.constant 0 : i32
      %dma_start3A_159 = tpu.memref_slice %arg9[%dma_start3A_153, %dma_start3A_154, %dma_start3A_157, %dma_start3A_158] : memref<2x4x128x64xf32, #tpu.memory_space<vmem>> -> memref<1x1x128x64xf32, #tpu.memory_space<vmem>>
      %dma_start3A_160 = tpu.memref_squeeze %dma_start3A_159 : memref<1x1x128x64xf32, #tpu.memory_space<vmem>> -> memref<128x64xf32, #tpu.memory_space<vmem>>
      %dma_start3A_161 = arith.constant 0 : i32
      %dma_start3A_162 = tpu.memref_slice %arg7[%add3A_152, %dma_start3A_161] : memref<80x128xi32, #tpu.memory_space<vmem>> -> memref<1x128xi32, #tpu.memory_space<vmem>>
      %dma_start3A_163 = tpu.memref_squeeze %dma_start3A_162 : memref<1x128xi32, #tpu.memory_space<vmem>> -> memref<128xi32, #tpu.memory_space<vmem>>
      %dma_start3A_164 = arith.constant 0 : i32
      %dma_start3A_165 = arith.constant 0 : i32
      %dma_start3A_166 = tpu.memref_slice %arg4[%dma_start3A_164, %dma_start3A_165] : memref<10112x64xf32, #tpu.memory_space<hbm>> -> memref<10112x64xf32, #tpu.memory_space<hbm>>
      %dma_start3A_167 = tpu.memref_slice %arg11[%dma_start3A_155, %dma_start3A_156] : memref<2x4x!tpu.dma_semaphore, #tpu.memory_space<semaphore_mem>> -> memref<1x1x!tpu.dma_semaphore, #tpu.memory_space<semaphore_mem>>
      %dma_start3A_168 = tpu.memref_squeeze %dma_start3A_167 : memref<1x1x!tpu.dma_semaphore, #tpu.memory_space<semaphore_mem>> -> memref<!tpu.dma_semaphore, #tpu.memory_space<semaphore_mem>>
      tpu.enqueue_indirect_dma source(%dma_start3A_166 : memref<10112x64xf32, #tpu.memory_space<hbm>>) target(%dma_start3A_160 : memref<128x64xf32, #tpu.memory_space<vmem>>) offsets(%dma_start3A_163 : memref<128xi32, #tpu.memory_space<vmem>>) semaphore(%dma_start3A_168 : memref<!tpu.dma_semaphore, #tpu.memory_space<semaphore_mem>>)
      %mul3A_169 = arith.constant 2 : i32
      %mul3A_170 = arith.muli %mul3A_169, %scan3A_84 : i32
      %mul3A_171 = arith.constant 4 : i32
      %mul3A_172 = arith.muli %mul3A_170, %mul3A_171 : i32
      %add3A_173 = arith.constant 0 : i32
      %add3A_174 = arith.addi %mul3A_172, %add3A_173 : i32
      %dma_wait3A = arith.constant 0 : i32
      %dma_wait3A_175 = arith.constant 0 : i32
      %dma_wait3A_176 = arith.constant 0 : i32
      %dma_wait3A_177 = arith.constant 0 : i32
      %dma_wait3A_178 = arith.constant 0 : i32
      %dma_wait3A_179 = arith.constant 0 : i32
      %dma_wait3A_180 = tpu.memref_slice %arg9[%dma_wait3A, %dma_wait3A_175, %dma_wait3A_178, %dma_wait3A_179] : memref<2x4x128x64xf32, #tpu.memory_space<vmem>> -> memref<1x1x128x64xf32, #tpu.memory_space<vmem>>
      %dma_wait3A_181 = tpu.memref_squeeze %dma_wait3A_180 : memref<1x1x128x64xf32, #tpu.memory_space<vmem>> -> memref<128x64xf32, #tpu.memory_space<vmem>>
      %dma_wait3A_182 = arith.constant 0 : i32
      %dma_wait3A_183 = tpu.memref_slice %arg7[%add3A_174, %dma_wait3A_182] : memref<80x128xi32, #tpu.memory_space<vmem>> -> memref<1x128xi32, #tpu.memory_space<vmem>>
      %dma_wait3A_184 = tpu.memref_squeeze %dma_wait3A_183 : memref<1x128xi32, #tpu.memory_space<vmem>> -> memref<128xi32, #tpu.memory_space<vmem>>
      %dma_wait3A_185 = arith.constant 0 : i32
      %dma_wait3A_186 = arith.constant 0 : i32
      %dma_wait3A_187 = tpu.memref_slice %arg4[%dma_wait3A_185, %dma_wait3A_186] : memref<10112x64xf32, #tpu.memory_space<hbm>> -> memref<10112x64xf32, #tpu.memory_space<hbm>>
      %dma_wait3A_188 = tpu.memref_slice %arg11[%dma_wait3A_176, %dma_wait3A_177] : memref<2x4x!tpu.dma_semaphore, #tpu.memory_space<semaphore_mem>> -> memref<1x1x!tpu.dma_semaphore, #tpu.memory_space<semaphore_mem>>
      %dma_wait3A_189 = tpu.memref_squeeze %dma_wait3A_188 : memref<1x1x!tpu.dma_semaphore, #tpu.memory_space<semaphore_mem>> -> memref<!tpu.dma_semaphore, #tpu.memory_space<semaphore_mem>>
      tpu.wait_indirect_dma semaphore(%dma_wait3A_189 : memref<!tpu.dma_semaphore, #tpu.memory_space<semaphore_mem>>) src(%dma_wait3A_187 : memref<10112x64xf32, #tpu.memory_space<hbm>>) dst(%dma_wait3A_181 : memref<128x64xf32, #tpu.memory_space<vmem>>)
      %run_scoped3A = arith.constant 0 : i32
      %run_scoped3A_190 = arith.constant 0 : i32
      "tpu.region"() ({
        %run_scoped3A_353 = tpu.sem_alloc : memref<!tpu.dma_semaphore, #tpu.memory_space<semaphore_mem>>
        %dma_start3A_354 = arith.constant 0 : i32
        %dma_start3A_355 = arith.constant 0 : i32
        %dma_start3A_356 = tpu.memref_slice %arg9[%run_scoped3A, %run_scoped3A_190, %dma_start3A_354, %dma_start3A_355] : memref<2x4x128x64xf32, #tpu.memory_space<vmem>> -> memref<1x1x128x64xf32, #tpu.memory_space<vmem>>
        %dma_start3A_357 = tpu.memref_squeeze %dma_start3A_356 : memref<1x1x128x64xf32, #tpu.memory_space<vmem>> -> memref<128x64xf32, #tpu.memory_space<vmem>>
        %dma_start3A_358 = arith.constant 0 : i32
        %dma_start3A_359 = tpu.memref_slice %arg8[%add3A_174, %dma_start3A_358] : memref<80x128xi32, #tpu.memory_space<vmem>> -> memref<1x128xi32, #tpu.memory_space<vmem>>
        %dma_start3A_360 = tpu.memref_squeeze %dma_start3A_359 : memref<1x128xi32, #tpu.memory_space<vmem>> -> memref<128xi32, #tpu.memory_space<vmem>>
        %dma_start3A_361 = arith.constant 0 : i32
        %dma_start3A_362 = arith.constant 0 : i32
        %dma_start3A_363 = tpu.memref_slice %arg10[%dma_start3A_361, %dma_start3A_362] : memref<10112x64xf32, #tpu.memory_space<vmem_shared>> -> memref<10112x64xf32, #tpu.memory_space<vmem_shared>>
        tpu.enqueue_indirect_dma source(%dma_start3A_357 : memref<128x64xf32, #tpu.memory_space<vmem>>) target(%dma_start3A_363 : memref<10112x64xf32, #tpu.memory_space<vmem_shared>>) offsets(%dma_start3A_360 : memref<128xi32, #tpu.memory_space<vmem>>) semaphore(%run_scoped3A_353 : memref<!tpu.dma_semaphore, #tpu.memory_space<semaphore_mem>>) {add = true}
        %dma_wait3A_364 = arith.constant 0 : i32
        %dma_wait3A_365 = arith.constant 0 : i32
        %dma_wait3A_366 = tpu.memref_slice %arg9[%run_scoped3A, %run_scoped3A_190, %dma_wait3A_364, %dma_wait3A_365] : memref<2x4x128x64xf32, #tpu.memory_space<vmem>> -> memref<1x1x128x64xf32, #tpu.memory_space<vmem>>
        %dma_wait3A_367 = tpu.memref_squeeze %dma_wait3A_366 : memref<1x1x128x64xf32, #tpu.memory_space<vmem>> -> memref<128x64xf32, #tpu.memory_space<vmem>>
        %dma_wait3A_368 = arith.constant 0 : i32
        %dma_wait3A_369 = tpu.memref_slice %arg8[%add3A_174, %dma_wait3A_368] : memref<80x128xi32, #tpu.memory_space<vmem>> -> memref<1x128xi32, #tpu.memory_space<vmem>>
        %dma_wait3A_370 = tpu.memref_squeeze %dma_wait3A_369 : memref<1x128xi32, #tpu.memory_space<vmem>> -> memref<128xi32, #tpu.memory_space<vmem>>
        %dma_wait3A_371 = arith.constant 0 : i32
        %dma_wait3A_372 = arith.constant 0 : i32
        %dma_wait3A_373 = tpu.memref_slice %arg10[%dma_wait3A_371, %dma_wait3A_372] : memref<10112x64xf32, #tpu.memory_space<vmem_shared>> -> memref<10112x64xf32, #tpu.memory_space<vmem_shared>>
        tpu.wait_indirect_dma semaphore(%run_scoped3A_353 : memref<!tpu.dma_semaphore, #tpu.memory_space<semaphore_mem>>) src(%dma_wait3A_367 : memref<128x64xf32, #tpu.memory_space<vmem>>) dst(%dma_wait3A_373 : memref<10112x64xf32, #tpu.memory_space<vmem_shared>>)
        tpu.yield
      }) : () -> ()
      %mul3A_191 = arith.constant 4 : i32
      %mul3A_192 = arith.muli %mul3A_170, %mul3A_191 : i32
      %add3A_193 = arith.constant 1 : i32
      %add3A_194 = arith.addi %mul3A_192, %add3A_193 : i32
      %dma_wait3A_195 = arith.constant 0 : i32
      %dma_wait3A_196 = arith.constant 1 : i32
      %dma_wait3A_197 = arith.constant 0 : i32
      %dma_wait3A_198 = arith.constant 1 : i32
      %dma_wait3A_199 = arith.constant 0 : i32
      %dma_wait3A_200 = arith.constant 0 : i32
      %dma_wait3A_201 = tpu.memref_slice %arg9[%dma_wait3A_195, %dma_wait3A_196, %dma_wait3A_199, %dma_wait3A_200] : memref<2x4x128x64xf32, #tpu.memory_space<vmem>> -> memref<1x1x128x64xf32, #tpu.memory_space<vmem>>
      %dma_wait3A_202 = tpu.memref_squeeze %dma_wait3A_201 : memref<1x1x128x64xf32, #tpu.memory_space<vmem>> -> memref<128x64xf32, #tpu.memory_space<vmem>>
      %dma_wait3A_203 = arith.constant 0 : i32
      %dma_wait3A_204 = tpu.memref_slice %arg7[%add3A_194, %dma_wait3A_203] : memref<80x128xi32, #tpu.memory_space<vmem>> -> memref<1x128xi32, #tpu.memory_space<vmem>>
      %dma_wait3A_205 = tpu.memref_squeeze %dma_wait3A_204 : memref<1x128xi32, #tpu.memory_space<vmem>> -> memref<128xi32, #tpu.memory_space<vmem>>
      %dma_wait3A_206 = arith.constant 0 : i32
      %dma_wait3A_207 = arith.constant 0 : i32
      %dma_wait3A_208 = tpu.memref_slice %arg4[%dma_wait3A_206, %dma_wait3A_207] : memref<10112x64xf32, #tpu.memory_space<hbm>> -> memref<10112x64xf32, #tpu.memory_space<hbm>>
      %dma_wait3A_209 = tpu.memref_slice %arg11[%dma_wait3A_197, %dma_wait3A_198] : memref<2x4x!tpu.dma_semaphore, #tpu.memory_space<semaphore_mem>> -> memref<1x1x!tpu.dma_semaphore, #tpu.memory_space<semaphore_mem>>
      %dma_wait3A_210 = tpu.memref_squeeze %dma_wait3A_209 : memref<1x1x!tpu.dma_semaphore, #tpu.memory_space<semaphore_mem>> -> memref<!tpu.dma_semaphore, #tpu.memory_space<semaphore_mem>>
      tpu.wait_indirect_dma semaphore(%dma_wait3A_210 : memref<!tpu.dma_semaphore, #tpu.memory_space<semaphore_mem>>) src(%dma_wait3A_208 : memref<10112x64xf32, #tpu.memory_space<hbm>>) dst(%dma_wait3A_202 : memref<128x64xf32, #tpu.memory_space<vmem>>)
      %run_scoped3A_211 = arith.constant 0 : i32
      %run_scoped3A_212 = arith.constant 1 : i32
      "tpu.region"() ({
        %run_scoped3A_353 = tpu.sem_alloc : memref<!tpu.dma_semaphore, #tpu.memory_space<semaphore_mem>>
        %dma_start3A_354 = arith.constant 0 : i32
        %dma_start3A_355 = arith.constant 0 : i32
        %dma_start3A_356 = tpu.memref_slice %arg9[%run_scoped3A_211, %run_scoped3A_212, %dma_start3A_354, %dma_start3A_355] : memref<2x4x128x64xf32, #tpu.memory_space<vmem>> -> memref<1x1x128x64xf32, #tpu.memory_space<vmem>>
        %dma_start3A_357 = tpu.memref_squeeze %dma_start3A_356 : memref<1x1x128x64xf32, #tpu.memory_space<vmem>> -> memref<128x64xf32, #tpu.memory_space<vmem>>
        %dma_start3A_358 = arith.constant 0 : i32
        %dma_start3A_359 = tpu.memref_slice %arg8[%add3A_194, %dma_start3A_358] : memref<80x128xi32, #tpu.memory_space<vmem>> -> memref<1x128xi32, #tpu.memory_space<vmem>>
        %dma_start3A_360 = tpu.memref_squeeze %dma_start3A_359 : memref<1x128xi32, #tpu.memory_space<vmem>> -> memref<128xi32, #tpu.memory_space<vmem>>
        %dma_start3A_361 = arith.constant 0 : i32
        %dma_start3A_362 = arith.constant 0 : i32
        %dma_start3A_363 = tpu.memref_slice %arg10[%dma_start3A_361, %dma_start3A_362] : memref<10112x64xf32, #tpu.memory_space<vmem_shared>> -> memref<10112x64xf32, #tpu.memory_space<vmem_shared>>
        tpu.enqueue_indirect_dma source(%dma_start3A_357 : memref<128x64xf32, #tpu.memory_space<vmem>>) target(%dma_start3A_363 : memref<10112x64xf32, #tpu.memory_space<vmem_shared>>) offsets(%dma_start3A_360 : memref<128xi32, #tpu.memory_space<vmem>>) semaphore(%run_scoped3A_353 : memref<!tpu.dma_semaphore, #tpu.memory_space<semaphore_mem>>) {add = true}
        %dma_wait3A_364 = arith.constant 0 : i32
        %dma_wait3A_365 = arith.constant 0 : i32
        %dma_wait3A_366 = tpu.memref_slice %arg9[%run_scoped3A_211, %run_scoped3A_212, %dma_wait3A_364, %dma_wait3A_365] : memref<2x4x128x64xf32, #tpu.memory_space<vmem>> -> memref<1x1x128x64xf32, #tpu.memory_space<vmem>>
        %dma_wait3A_367 = tpu.memref_squeeze %dma_wait3A_366 : memref<1x1x128x64xf32, #tpu.memory_space<vmem>> -> memref<128x64xf32, #tpu.memory_space<vmem>>
        %dma_wait3A_368 = arith.constant 0 : i32
        %dma_wait3A_369 = tpu.memref_slice %arg8[%add3A_194, %dma_wait3A_368] : memref<80x128xi32, #tpu.memory_space<vmem>> -> memref<1x128xi32, #tpu.memory_space<vmem>>
        %dma_wait3A_370 = tpu.memref_squeeze %dma_wait3A_369 : memref<1x128xi32, #tpu.memory_space<vmem>> -> memref<128xi32, #tpu.memory_space<vmem>>
        %dma_wait3A_371 = arith.constant 0 : i32
        %dma_wait3A_372 = arith.constant 0 : i32
        %dma_wait3A_373 = tpu.memref_slice %arg10[%dma_wait3A_371, %dma_wait3A_372] : memref<10112x64xf32, #tpu.memory_space<vmem_shared>> -> memref<10112x64xf32, #tpu.memory_space<vmem_shared>>
        tpu.wait_indirect_dma semaphore(%run_scoped3A_353 : memref<!tpu.dma_semaphore, #tpu.memory_space<semaphore_mem>>) src(%dma_wait3A_367 : memref<128x64xf32, #tpu.memory_space<vmem>>) dst(%dma_wait3A_373 : memref<10112x64xf32, #tpu.memory_space<vmem_shared>>)
        tpu.yield
      }) : () -> ()
      %mul3A_213 = arith.constant 4 : i32
      %mul3A_214 = arith.muli %mul3A_170, %mul3A_213 : i32
      %add3A_215 = arith.constant 2 : i32
      %add3A_216 = arith.addi %mul3A_214, %add3A_215 : i32
      %dma_wait3A_217 = arith.constant 0 : i32
      %dma_wait3A_218 = arith.constant 2 : i32
      %dma_wait3A_219 = arith.constant 0 : i32
      %dma_wait3A_220 = arith.constant 2 : i32
      %dma_wait3A_221 = arith.constant 0 : i32
      %dma_wait3A_222 = arith.constant 0 : i32
      %dma_wait3A_223 = tpu.memref_slice %arg9[%dma_wait3A_217, %dma_wait3A_218, %dma_wait3A_221, %dma_wait3A_222] : memref<2x4x128x64xf32, #tpu.memory_space<vmem>> -> memref<1x1x128x64xf32, #tpu.memory_space<vmem>>
      %dma_wait3A_224 = tpu.memref_squeeze %dma_wait3A_223 : memref<1x1x128x64xf32, #tpu.memory_space<vmem>> -> memref<128x64xf32, #tpu.memory_space<vmem>>
      %dma_wait3A_225 = arith.constant 0 : i32
      %dma_wait3A_226 = tpu.memref_slice %arg7[%add3A_216, %dma_wait3A_225] : memref<80x128xi32, #tpu.memory_space<vmem>> -> memref<1x128xi32, #tpu.memory_space<vmem>>
      %dma_wait3A_227 = tpu.memref_squeeze %dma_wait3A_226 : memref<1x128xi32, #tpu.memory_space<vmem>> -> memref<128xi32, #tpu.memory_space<vmem>>
      %dma_wait3A_228 = arith.constant 0 : i32
      %dma_wait3A_229 = arith.constant 0 : i32
      %dma_wait3A_230 = tpu.memref_slice %arg4[%dma_wait3A_228, %dma_wait3A_229] : memref<10112x64xf32, #tpu.memory_space<hbm>> -> memref<10112x64xf32, #tpu.memory_space<hbm>>
      %dma_wait3A_231 = tpu.memref_slice %arg11[%dma_wait3A_219, %dma_wait3A_220] : memref<2x4x!tpu.dma_semaphore, #tpu.memory_space<semaphore_mem>> -> memref<1x1x!tpu.dma_semaphore, #tpu.memory_space<semaphore_mem>>
      %dma_wait3A_232 = tpu.memref_squeeze %dma_wait3A_231 : memref<1x1x!tpu.dma_semaphore, #tpu.memory_space<semaphore_mem>> -> memref<!tpu.dma_semaphore, #tpu.memory_space<semaphore_mem>>
      tpu.wait_indirect_dma semaphore(%dma_wait3A_232 : memref<!tpu.dma_semaphore, #tpu.memory_space<semaphore_mem>>) src(%dma_wait3A_230 : memref<10112x64xf32, #tpu.memory_space<hbm>>) dst(%dma_wait3A_224 : memref<128x64xf32, #tpu.memory_space<vmem>>)
      %run_scoped3A_233 = arith.constant 0 : i32
      %run_scoped3A_234 = arith.constant 2 : i32
      "tpu.region"() ({
        %run_scoped3A_353 = tpu.sem_alloc : memref<!tpu.dma_semaphore, #tpu.memory_space<semaphore_mem>>
        %dma_start3A_354 = arith.constant 0 : i32
        %dma_start3A_355 = arith.constant 0 : i32
        %dma_start3A_356 = tpu.memref_slice %arg9[%run_scoped3A_233, %run_scoped3A_234, %dma_start3A_354, %dma_start3A_355] : memref<2x4x128x64xf32, #tpu.memory_space<vmem>> -> memref<1x1x128x64xf32, #tpu.memory_space<vmem>>
        %dma_start3A_357 = tpu.memref_squeeze %dma_start3A_356 : memref<1x1x128x64xf32, #tpu.memory_space<vmem>> -> memref<128x64xf32, #tpu.memory_space<vmem>>
        %dma_start3A_358 = arith.constant 0 : i32
        %dma_start3A_359 = tpu.memref_slice %arg8[%add3A_216, %dma_start3A_358] : memref<80x128xi32, #tpu.memory_space<vmem>> -> memref<1x128xi32, #tpu.memory_space<vmem>>
        %dma_start3A_360 = tpu.memref_squeeze %dma_start3A_359 : memref<1x128xi32, #tpu.memory_space<vmem>> -> memref<128xi32, #tpu.memory_space<vmem>>
        %dma_start3A_361 = arith.constant 0 : i32
        %dma_start3A_362 = arith.constant 0 : i32
        %dma_start3A_363 = tpu.memref_slice %arg10[%dma_start3A_361, %dma_start3A_362] : memref<10112x64xf32, #tpu.memory_space<vmem_shared>> -> memref<10112x64xf32, #tpu.memory_space<vmem_shared>>
        tpu.enqueue_indirect_dma source(%dma_start3A_357 : memref<128x64xf32, #tpu.memory_space<vmem>>) target(%dma_start3A_363 : memref<10112x64xf32, #tpu.memory_space<vmem_shared>>) offsets(%dma_start3A_360 : memref<128xi32, #tpu.memory_space<vmem>>) semaphore(%run_scoped3A_353 : memref<!tpu.dma_semaphore, #tpu.memory_space<semaphore_mem>>) {add = true}
        %dma_wait3A_364 = arith.constant 0 : i32
        %dma_wait3A_365 = arith.constant 0 : i32
        %dma_wait3A_366 = tpu.memref_slice %arg9[%run_scoped3A_233, %run_scoped3A_234, %dma_wait3A_364, %dma_wait3A_365] : memref<2x4x128x64xf32, #tpu.memory_space<vmem>> -> memref<1x1x128x64xf32, #tpu.memory_space<vmem>>
        %dma_wait3A_367 = tpu.memref_squeeze %dma_wait3A_366 : memref<1x1x128x64xf32, #tpu.memory_space<vmem>> -> memref<128x64xf32, #tpu.memory_space<vmem>>
        %dma_wait3A_368 = arith.constant 0 : i32
        %dma_wait3A_369 = tpu.memref_slice %arg8[%add3A_216, %dma_wait3A_368] : memref<80x128xi32, #tpu.memory_space<vmem>> -> memref<1x128xi32, #tpu.memory_space<vmem>>
        %dma_wait3A_370 = tpu.memref_squeeze %dma_wait3A_369 : memref<1x128xi32, #tpu.memory_space<vmem>> -> memref<128xi32, #tpu.memory_space<vmem>>
        %dma_wait3A_371 = arith.constant 0 : i32
        %dma_wait3A_372 = arith.constant 0 : i32
        %dma_wait3A_373 = tpu.memref_slice %arg10[%dma_wait3A_371, %dma_wait3A_372] : memref<10112x64xf32, #tpu.memory_space<vmem_shared>> -> memref<10112x64xf32, #tpu.memory_space<vmem_shared>>
        tpu.wait_indirect_dma semaphore(%run_scoped3A_353 : memref<!tpu.dma_semaphore, #tpu.memory_space<semaphore_mem>>) src(%dma_wait3A_367 : memref<128x64xf32, #tpu.memory_space<vmem>>) dst(%dma_wait3A_373 : memref<10112x64xf32, #tpu.memory_space<vmem_shared>>)
        tpu.yield
      }) : () -> ()
      %mul3A_235 = arith.constant 4 : i32
      %mul3A_236 = arith.muli %mul3A_170, %mul3A_235 : i32
      %add3A_237 = arith.constant 3 : i32
      %add3A_238 = arith.addi %mul3A_236, %add3A_237 : i32
      %dma_wait3A_239 = arith.constant 0 : i32
      %dma_wait3A_240 = arith.constant 3 : i32
      %dma_wait3A_241 = arith.constant 0 : i32
      %dma_wait3A_242 = arith.constant 3 : i32
      %dma_wait3A_243 = arith.constant 0 : i32
      %dma_wait3A_244 = arith.constant 0 : i32
      %dma_wait3A_245 = tpu.memref_slice %arg9[%dma_wait3A_239, %dma_wait3A_240, %dma_wait3A_243, %dma_wait3A_244] : memref<2x4x128x64xf32, #tpu.memory_space<vmem>> -> memref<1x1x128x64xf32, #tpu.memory_space<vmem>>
      %dma_wait3A_246 = tpu.memref_squeeze %dma_wait3A_245 : memref<1x1x128x64xf32, #tpu.memory_space<vmem>> -> memref<128x64xf32, #tpu.memory_space<vmem>>
      %dma_wait3A_247 = arith.constant 0 : i32
      %dma_wait3A_248 = tpu.memref_slice %arg7[%add3A_238, %dma_wait3A_247] : memref<80x128xi32, #tpu.memory_space<vmem>> -> memref<1x128xi32, #tpu.memory_space<vmem>>
      %dma_wait3A_249 = tpu.memref_squeeze %dma_wait3A_248 : memref<1x128xi32, #tpu.memory_space<vmem>> -> memref<128xi32, #tpu.memory_space<vmem>>
      %dma_wait3A_250 = arith.constant 0 : i32
      %dma_wait3A_251 = arith.constant 0 : i32
      %dma_wait3A_252 = tpu.memref_slice %arg4[%dma_wait3A_250, %dma_wait3A_251] : memref<10112x64xf32, #tpu.memory_space<hbm>> -> memref<10112x64xf32, #tpu.memory_space<hbm>>
      %dma_wait3A_253 = tpu.memref_slice %arg11[%dma_wait3A_241, %dma_wait3A_242] : memref<2x4x!tpu.dma_semaphore, #tpu.memory_space<semaphore_mem>> -> memref<1x1x!tpu.dma_semaphore, #tpu.memory_space<semaphore_mem>>
      %dma_wait3A_254 = tpu.memref_squeeze %dma_wait3A_253 : memref<1x1x!tpu.dma_semaphore, #tpu.memory_space<semaphore_mem>> -> memref<!tpu.dma_semaphore, #tpu.memory_space<semaphore_mem>>
      tpu.wait_indirect_dma semaphore(%dma_wait3A_254 : memref<!tpu.dma_semaphore, #tpu.memory_space<semaphore_mem>>) src(%dma_wait3A_252 : memref<10112x64xf32, #tpu.memory_space<hbm>>) dst(%dma_wait3A_246 : memref<128x64xf32, #tpu.memory_space<vmem>>)
      %run_scoped3A_255 = arith.constant 0 : i32
      %run_scoped3A_256 = arith.constant 3 : i32
      "tpu.region"() ({
        %run_scoped3A_353 = tpu.sem_alloc : memref<!tpu.dma_semaphore, #tpu.memory_space<semaphore_mem>>
        %dma_start3A_354 = arith.constant 0 : i32
        %dma_start3A_355 = arith.constant 0 : i32
        %dma_start3A_356 = tpu.memref_slice %arg9[%run_scoped3A_255, %run_scoped3A_256, %dma_start3A_354, %dma_start3A_355] : memref<2x4x128x64xf32, #tpu.memory_space<vmem>> -> memref<1x1x128x64xf32, #tpu.memory_space<vmem>>
        %dma_start3A_357 = tpu.memref_squeeze %dma_start3A_356 : memref<1x1x128x64xf32, #tpu.memory_space<vmem>> -> memref<128x64xf32, #tpu.memory_space<vmem>>
        %dma_start3A_358 = arith.constant 0 : i32
        %dma_start3A_359 = tpu.memref_slice %arg8[%add3A_238, %dma_start3A_358] : memref<80x128xi32, #tpu.memory_space<vmem>> -> memref<1x128xi32, #tpu.memory_space<vmem>>
        %dma_start3A_360 = tpu.memref_squeeze %dma_start3A_359 : memref<1x128xi32, #tpu.memory_space<vmem>> -> memref<128xi32, #tpu.memory_space<vmem>>
        %dma_start3A_361 = arith.constant 0 : i32
        %dma_start3A_362 = arith.constant 0 : i32
        %dma_start3A_363 = tpu.memref_slice %arg10[%dma_start3A_361, %dma_start3A_362] : memref<10112x64xf32, #tpu.memory_space<vmem_shared>> -> memref<10112x64xf32, #tpu.memory_space<vmem_shared>>
        tpu.enqueue_indirect_dma source(%dma_start3A_357 : memref<128x64xf32, #tpu.memory_space<vmem>>) target(%dma_start3A_363 : memref<10112x64xf32, #tpu.memory_space<vmem_shared>>) offsets(%dma_start3A_360 : memref<128xi32, #tpu.memory_space<vmem>>) semaphore(%run_scoped3A_353 : memref<!tpu.dma_semaphore, #tpu.memory_space<semaphore_mem>>) {add = true}
        %dma_wait3A_364 = arith.constant 0 : i32
        %dma_wait3A_365 = arith.constant 0 : i32
        %dma_wait3A_366 = tpu.memref_slice %arg9[%run_scoped3A_255, %run_scoped3A_256, %dma_wait3A_364, %dma_wait3A_365] : memref<2x4x128x64xf32, #tpu.memory_space<vmem>> -> memref<1x1x128x64xf32, #tpu.memory_space<vmem>>
        %dma_wait3A_367 = tpu.memref_squeeze %dma_wait3A_366 : memref<1x1x128x64xf32, #tpu.memory_space<vmem>> -> memref<128x64xf32, #tpu.memory_space<vmem>>
        %dma_wait3A_368 = arith.constant 0 : i32
        %dma_wait3A_369 = tpu.memref_slice %arg8[%add3A_238, %dma_wait3A_368] : memref<80x128xi32, #tpu.memory_space<vmem>> -> memref<1x128xi32, #tpu.memory_space<vmem>>
        %dma_wait3A_370 = tpu.memref_squeeze %dma_wait3A_369 : memref<1x128xi32, #tpu.memory_space<vmem>> -> memref<128xi32, #tpu.memory_space<vmem>>
        %dma_wait3A_371 = arith.constant 0 : i32
        %dma_wait3A_372 = arith.constant 0 : i32
        %dma_wait3A_373 = tpu.memref_slice %arg10[%dma_wait3A_371, %dma_wait3A_372] : memref<10112x64xf32, #tpu.memory_space<vmem_shared>> -> memref<10112x64xf32, #tpu.memory_space<vmem_shared>>
        tpu.wait_indirect_dma semaphore(%run_scoped3A_353 : memref<!tpu.dma_semaphore, #tpu.memory_space<semaphore_mem>>) src(%dma_wait3A_367 : memref<128x64xf32, #tpu.memory_space<vmem>>) dst(%dma_wait3A_373 : memref<10112x64xf32, #tpu.memory_space<vmem_shared>>)
        tpu.yield
      }) : () -> ()
      %add3A_257 = arith.constant 1 : i32
      %add3A_258 = arith.addi %scan3A_84, %add3A_257 : i32
      %lt3A = arith.constant 10 : i32
      %lt3A_259 = arith.cmpi slt, %add3A_258, %lt3A : i32
      %convert_element_type3A = arith.extui %lt3A_259 : i1 to i32
      %cond3A = arith.constant 0 : i32
      %cond3A_260 = arith.cmpi ne, %convert_element_type3A, %cond3A : i32
      scf.if %cond3A_260 {
        %mul3A_353 = arith.constant 2 : i32
        %mul3A_354 = arith.muli %mul3A_353, %scan3A_84 : i32
        %add3A_355 = arith.constant 2 : i32
        %add3A_356 = arith.addi %mul3A_354, %add3A_355 : i32
        %mul3A_357 = arith.constant 4 : i32
        %mul3A_358 = arith.muli %add3A_356, %mul3A_357 : i32
        %add3A_359 = arith.constant 0 : i32
        %add3A_360 = arith.addi %mul3A_358, %add3A_359 : i32
        %dma_start3A_361 = arith.constant 0 : i32
        %dma_start3A_362 = arith.constant 0 : i32
        %dma_start3A_363 = arith.constant 0 : i32
        %dma_start3A_364 = arith.constant 0 : i32
        %dma_start3A_365 = arith.constant 0 : i32
        %dma_start3A_366 = arith.constant 0 : i32
        %dma_start3A_367 = tpu.memref_slice %arg9[%dma_start3A_361, %dma_start3A_362, %dma_start3A_365, %dma_start3A_366] : memref<2x4x128x64xf32, #tpu.memory_space<vmem>> -> memref<1x1x128x64xf32, #tpu.memory_space<vmem>>
        %dma_start3A_368 = tpu.memref_squeeze %dma_start3A_367 : memref<1x1x128x64xf32, #tpu.memory_space<vmem>> -> memref<128x64xf32, #tpu.memory_space<vmem>>
        %dma_start3A_369 = arith.constant 0 : i32
        %dma_start3A_370 = tpu.memref_slice %arg7[%add3A_360, %dma_start3A_369] : memref<80x128xi32, #tpu.memory_space<vmem>> -> memref<1x128xi32, #tpu.memory_space<vmem>>
        %dma_start3A_371 = tpu.memref_squeeze %dma_start3A_370 : memref<1x128xi32, #tpu.memory_space<vmem>> -> memref<128xi32, #tpu.memory_space<vmem>>
        %dma_start3A_372 = arith.constant 0 : i32
        %dma_start3A_373 = arith.constant 0 : i32
        %dma_start3A_374 = tpu.memref_slice %arg4[%dma_start3A_372, %dma_start3A_373] : memref<10112x64xf32, #tpu.memory_space<hbm>> -> memref<10112x64xf32, #tpu.memory_space<hbm>>
        %dma_start3A_375 = tpu.memref_slice %arg11[%dma_start3A_363, %dma_start3A_364] : memref<2x4x!tpu.dma_semaphore, #tpu.memory_space<semaphore_mem>> -> memref<1x1x!tpu.dma_semaphore, #tpu.memory_space<semaphore_mem>>
        %dma_start3A_376 = tpu.memref_squeeze %dma_start3A_375 : memref<1x1x!tpu.dma_semaphore, #tpu.memory_space<semaphore_mem>> -> memref<!tpu.dma_semaphore, #tpu.memory_space<semaphore_mem>>
        tpu.enqueue_indirect_dma source(%dma_start3A_374 : memref<10112x64xf32, #tpu.memory_space<hbm>>) target(%dma_start3A_368 : memref<128x64xf32, #tpu.memory_space<vmem>>) offsets(%dma_start3A_371 : memref<128xi32, #tpu.memory_space<vmem>>) semaphore(%dma_start3A_376 : memref<!tpu.dma_semaphore, #tpu.memory_space<semaphore_mem>>)
        %mul3A_377 = arith.constant 4 : i32
        %mul3A_378 = arith.muli %add3A_356, %mul3A_377 : i32
        %add3A_379 = arith.constant 1 : i32
        %add3A_380 = arith.addi %mul3A_378, %add3A_379 : i32
        %dma_start3A_381 = arith.constant 0 : i32
        %dma_start3A_382 = arith.constant 1 : i32
        %dma_start3A_383 = arith.constant 0 : i32
        %dma_start3A_384 = arith.constant 1 : i32
        %dma_start3A_385 = arith.constant 0 : i32
        %dma_start3A_386 = arith.constant 0 : i32
        %dma_start3A_387 = tpu.memref_slice %arg9[%dma_start3A_381, %dma_start3A_382, %dma_start3A_385, %dma_start3A_386] : memref<2x4x128x64xf32, #tpu.memory_space<vmem>> -> memref<1x1x128x64xf32, #tpu.memory_space<vmem>>
        %dma_start3A_388 = tpu.memref_squeeze %dma_start3A_387 : memref<1x1x128x64xf32, #tpu.memory_space<vmem>> -> memref<128x64xf32, #tpu.memory_space<vmem>>
        %dma_start3A_389 = arith.constant 0 : i32
        %dma_start3A_390 = tpu.memref_slice %arg7[%add3A_380, %dma_start3A_389] : memref<80x128xi32, #tpu.memory_space<vmem>> -> memref<1x128xi32, #tpu.memory_space<vmem>>
        %dma_start3A_391 = tpu.memref_squeeze %dma_start3A_390 : memref<1x128xi32, #tpu.memory_space<vmem>> -> memref<128xi32, #tpu.memory_space<vmem>>
        %dma_start3A_392 = arith.constant 0 : i32
        %dma_start3A_393 = arith.constant 0 : i32
        %dma_start3A_394 = tpu.memref_slice %arg4[%dma_start3A_392, %dma_start3A_393] : memref<10112x64xf32, #tpu.memory_space<hbm>> -> memref<10112x64xf32, #tpu.memory_space<hbm>>
        %dma_start3A_395 = tpu.memref_slice %arg11[%dma_start3A_383, %dma_start3A_384] : memref<2x4x!tpu.dma_semaphore, #tpu.memory_space<semaphore_mem>> -> memref<1x1x!tpu.dma_semaphore, #tpu.memory_space<semaphore_mem>>
        %dma_start3A_396 = tpu.memref_squeeze %dma_start3A_395 : memref<1x1x!tpu.dma_semaphore, #tpu.memory_space<semaphore_mem>> -> memref<!tpu.dma_semaphore, #tpu.memory_space<semaphore_mem>>
        tpu.enqueue_indirect_dma source(%dma_start3A_394 : memref<10112x64xf32, #tpu.memory_space<hbm>>) target(%dma_start3A_388 : memref<128x64xf32, #tpu.memory_space<vmem>>) offsets(%dma_start3A_391 : memref<128xi32, #tpu.memory_space<vmem>>) semaphore(%dma_start3A_396 : memref<!tpu.dma_semaphore, #tpu.memory_space<semaphore_mem>>)
        %mul3A_397 = arith.constant 4 : i32
        %mul3A_398 = arith.muli %add3A_356, %mul3A_397 : i32
        %add3A_399 = arith.constant 2 : i32
        %add3A_400 = arith.addi %mul3A_398, %add3A_399 : i32
        %dma_start3A_401 = arith.constant 0 : i32
        %dma_start3A_402 = arith.constant 2 : i32
        %dma_start3A_403 = arith.constant 0 : i32
        %dma_start3A_404 = arith.constant 2 : i32
        %dma_start3A_405 = arith.constant 0 : i32
        %dma_start3A_406 = arith.constant 0 : i32
        %dma_start3A_407 = tpu.memref_slice %arg9[%dma_start3A_401, %dma_start3A_402, %dma_start3A_405, %dma_start3A_406] : memref<2x4x128x64xf32, #tpu.memory_space<vmem>> -> memref<1x1x128x64xf32, #tpu.memory_space<vmem>>
        %dma_start3A_408 = tpu.memref_squeeze %dma_start3A_407 : memref<1x1x128x64xf32, #tpu.memory_space<vmem>> -> memref<128x64xf32, #tpu.memory_space<vmem>>
        %dma_start3A_409 = arith.constant 0 : i32
        %dma_start3A_410 = tpu.memref_slice %arg7[%add3A_400, %dma_start3A_409] : memref<80x128xi32, #tpu.memory_space<vmem>> -> memref<1x128xi32, #tpu.memory_space<vmem>>
        %dma_start3A_411 = tpu.memref_squeeze %dma_start3A_410 : memref<1x128xi32, #tpu.memory_space<vmem>> -> memref<128xi32, #tpu.memory_space<vmem>>
        %dma_start3A_412 = arith.constant 0 : i32
        %dma_start3A_413 = arith.constant 0 : i32
        %dma_start3A_414 = tpu.memref_slice %arg4[%dma_start3A_412, %dma_start3A_413] : memref<10112x64xf32, #tpu.memory_space<hbm>> -> memref<10112x64xf32, #tpu.memory_space<hbm>>
        %dma_start3A_415 = tpu.memref_slice %arg11[%dma_start3A_403, %dma_start3A_404] : memref<2x4x!tpu.dma_semaphore, #tpu.memory_space<semaphore_mem>> -> memref<1x1x!tpu.dma_semaphore, #tpu.memory_space<semaphore_mem>>
        %dma_start3A_416 = tpu.memref_squeeze %dma_start3A_415 : memref<1x1x!tpu.dma_semaphore, #tpu.memory_space<semaphore_mem>> -> memref<!tpu.dma_semaphore, #tpu.memory_space<semaphore_mem>>
        tpu.enqueue_indirect_dma source(%dma_start3A_414 : memref<10112x64xf32, #tpu.memory_space<hbm>>) target(%dma_start3A_408 : memref<128x64xf32, #tpu.memory_space<vmem>>) offsets(%dma_start3A_411 : memref<128xi32, #tpu.memory_space<vmem>>) semaphore(%dma_start3A_416 : memref<!tpu.dma_semaphore, #tpu.memory_space<semaphore_mem>>)
        %mul3A_417 = arith.constant 4 : i32
        %mul3A_418 = arith.muli %add3A_356, %mul3A_417 : i32
        %add3A_419 = arith.constant 3 : i32
        %add3A_420 = arith.addi %mul3A_418, %add3A_419 : i32
        %dma_start3A_421 = arith.constant 0 : i32
        %dma_start3A_422 = arith.constant 3 : i32
        %dma_start3A_423 = arith.constant 0 : i32
        %dma_start3A_424 = arith.constant 3 : i32
        %dma_start3A_425 = arith.constant 0 : i32
        %dma_start3A_426 = arith.constant 0 : i32
        %dma_start3A_427 = tpu.memref_slice %arg9[%dma_start3A_421, %dma_start3A_422, %dma_start3A_425, %dma_start3A_426] : memref<2x4x128x64xf32, #tpu.memory_space<vmem>> -> memref<1x1x128x64xf32, #tpu.memory_space<vmem>>
        %dma_start3A_428 = tpu.memref_squeeze %dma_start3A_427 : memref<1x1x128x64xf32, #tpu.memory_space<vmem>> -> memref<128x64xf32, #tpu.memory_space<vmem>>
        %dma_start3A_429 = arith.constant 0 : i32
        %dma_start3A_430 = tpu.memref_slice %arg7[%add3A_420, %dma_start3A_429] : memref<80x128xi32, #tpu.memory_space<vmem>> -> memref<1x128xi32, #tpu.memory_space<vmem>>
        %dma_start3A_431 = tpu.memref_squeeze %dma_start3A_430 : memref<1x128xi32, #tpu.memory_space<vmem>> -> memref<128xi32, #tpu.memory_space<vmem>>
        %dma_start3A_432 = arith.constant 0 : i32
        %dma_start3A_433 = arith.constant 0 : i32
        %dma_start3A_434 = tpu.memref_slice %arg4[%dma_start3A_432, %dma_start3A_433] : memref<10112x64xf32, #tpu.memory_space<hbm>> -> memref<10112x64xf32, #tpu.memory_space<hbm>>
        %dma_start3A_435 = tpu.memref_slice %arg11[%dma_start3A_423, %dma_start3A_424] : memref<2x4x!tpu.dma_semaphore, #tpu.memory_space<semaphore_mem>> -> memref<1x1x!tpu.dma_semaphore, #tpu.memory_space<semaphore_mem>>
        %dma_start3A_436 = tpu.memref_squeeze %dma_start3A_435 : memref<1x1x!tpu.dma_semaphore, #tpu.memory_space<semaphore_mem>> -> memref<!tpu.dma_semaphore, #tpu.memory_space<semaphore_mem>>
        tpu.enqueue_indirect_dma source(%dma_start3A_434 : memref<10112x64xf32, #tpu.memory_space<hbm>>) target(%dma_start3A_428 : memref<128x64xf32, #tpu.memory_space<vmem>>) offsets(%dma_start3A_431 : memref<128xi32, #tpu.memory_space<vmem>>) semaphore(%dma_start3A_436 : memref<!tpu.dma_semaphore, #tpu.memory_space<semaphore_mem>>)
      } else {
      }
      %mul3A_261 = arith.constant 2 : i32
      %mul3A_262 = arith.muli %mul3A_261, %scan3A_84 : i32
      %add3A_263 = arith.constant 1 : i32
      %add3A_264 = arith.addi %mul3A_262, %add3A_263 : i32
      %mul3A_265 = arith.constant 4 : i32
      %mul3A_266 = arith.muli %add3A_264, %mul3A_265 : i32
      %add3A_267 = arith.constant 0 : i32
      %add3A_268 = arith.addi %mul3A_266, %add3A_267 : i32
      %dma_wait3A_269 = arith.constant 1 : i32
      %dma_wait3A_270 = arith.constant 0 : i32
      %dma_wait3A_271 = arith.constant 1 : i32
      %dma_wait3A_272 = arith.constant 0 : i32
      %dma_wait3A_273 = arith.constant 0 : i32
      %dma_wait3A_274 = arith.constant 0 : i32
      %dma_wait3A_275 = tpu.memref_slice %arg9[%dma_wait3A_269, %dma_wait3A_270, %dma_wait3A_273, %dma_wait3A_274] : memref<2x4x128x64xf32, #tpu.memory_space<vmem>> -> memref<1x1x128x64xf32, #tpu.memory_space<vmem>>
      %dma_wait3A_276 = tpu.memref_squeeze %dma_wait3A_275 : memref<1x1x128x64xf32, #tpu.memory_space<vmem>> -> memref<128x64xf32, #tpu.memory_space<vmem>>
      %dma_wait3A_277 = arith.constant 0 : i32
      %dma_wait3A_278 = tpu.memref_slice %arg7[%add3A_268, %dma_wait3A_277] : memref<80x128xi32, #tpu.memory_space<vmem>> -> memref<1x128xi32, #tpu.memory_space<vmem>>
      %dma_wait3A_279 = tpu.memref_squeeze %dma_wait3A_278 : memref<1x128xi32, #tpu.memory_space<vmem>> -> memref<128xi32, #tpu.memory_space<vmem>>
      %dma_wait3A_280 = arith.constant 0 : i32
      %dma_wait3A_281 = arith.constant 0 : i32
      %dma_wait3A_282 = tpu.memref_slice %arg4[%dma_wait3A_280, %dma_wait3A_281] : memref<10112x64xf32, #tpu.memory_space<hbm>> -> memref<10112x64xf32, #tpu.memory_space<hbm>>
      %dma_wait3A_283 = tpu.memref_slice %arg11[%dma_wait3A_271, %dma_wait3A_272] : memref<2x4x!tpu.dma_semaphore, #tpu.memory_space<semaphore_mem>> -> memref<1x1x!tpu.dma_semaphore, #tpu.memory_space<semaphore_mem>>
      %dma_wait3A_284 = tpu.memref_squeeze %dma_wait3A_283 : memref<1x1x!tpu.dma_semaphore, #tpu.memory_space<semaphore_mem>> -> memref<!tpu.dma_semaphore, #tpu.memory_space<semaphore_mem>>
      tpu.wait_indirect_dma semaphore(%dma_wait3A_284 : memref<!tpu.dma_semaphore, #tpu.memory_space<semaphore_mem>>) src(%dma_wait3A_282 : memref<10112x64xf32, #tpu.memory_space<hbm>>) dst(%dma_wait3A_276 : memref<128x64xf32, #tpu.memory_space<vmem>>)
      %run_scoped3A_285 = arith.constant 1 : i32
      %run_scoped3A_286 = arith.constant 0 : i32
      "tpu.region"() ({
        %run_scoped3A_353 = tpu.sem_alloc : memref<!tpu.dma_semaphore, #tpu.memory_space<semaphore_mem>>
        %dma_start3A_354 = arith.constant 0 : i32
        %dma_start3A_355 = arith.constant 0 : i32
        %dma_start3A_356 = tpu.memref_slice %arg9[%run_scoped3A_285, %run_scoped3A_286, %dma_start3A_354, %dma_start3A_355] : memref<2x4x128x64xf32, #tpu.memory_space<vmem>> -> memref<1x1x128x64xf32, #tpu.memory_space<vmem>>
        %dma_start3A_357 = tpu.memref_squeeze %dma_start3A_356 : memref<1x1x128x64xf32, #tpu.memory_space<vmem>> -> memref<128x64xf32, #tpu.memory_space<vmem>>
        %dma_start3A_358 = arith.constant 0 : i32
        %dma_start3A_359 = tpu.memref_slice %arg8[%add3A_268, %dma_start3A_358] : memref<80x128xi32, #tpu.memory_space<vmem>> -> memref<1x128xi32, #tpu.memory_space<vmem>>
        %dma_start3A_360 = tpu.memref_squeeze %dma_start3A_359 : memref<1x128xi32, #tpu.memory_space<vmem>> -> memref<128xi32, #tpu.memory_space<vmem>>
        %dma_start3A_361 = arith.constant 0 : i32
        %dma_start3A_362 = arith.constant 0 : i32
        %dma_start3A_363 = tpu.memref_slice %arg10[%dma_start3A_361, %dma_start3A_362] : memref<10112x64xf32, #tpu.memory_space<vmem_shared>> -> memref<10112x64xf32, #tpu.memory_space<vmem_shared>>
        tpu.enqueue_indirect_dma source(%dma_start3A_357 : memref<128x64xf32, #tpu.memory_space<vmem>>) target(%dma_start3A_363 : memref<10112x64xf32, #tpu.memory_space<vmem_shared>>) offsets(%dma_start3A_360 : memref<128xi32, #tpu.memory_space<vmem>>) semaphore(%run_scoped3A_353 : memref<!tpu.dma_semaphore, #tpu.memory_space<semaphore_mem>>) {add = true}
        %dma_wait3A_364 = arith.constant 0 : i32
        %dma_wait3A_365 = arith.constant 0 : i32
        %dma_wait3A_366 = tpu.memref_slice %arg9[%run_scoped3A_285, %run_scoped3A_286, %dma_wait3A_364, %dma_wait3A_365] : memref<2x4x128x64xf32, #tpu.memory_space<vmem>> -> memref<1x1x128x64xf32, #tpu.memory_space<vmem>>
        %dma_wait3A_367 = tpu.memref_squeeze %dma_wait3A_366 : memref<1x1x128x64xf32, #tpu.memory_space<vmem>> -> memref<128x64xf32, #tpu.memory_space<vmem>>
        %dma_wait3A_368 = arith.constant 0 : i32
        %dma_wait3A_369 = tpu.memref_slice %arg8[%add3A_268, %dma_wait3A_368] : memref<80x128xi32, #tpu.memory_space<vmem>> -> memref<1x128xi32, #tpu.memory_space<vmem>>
        %dma_wait3A_370 = tpu.memref_squeeze %dma_wait3A_369 : memref<1x128xi32, #tpu.memory_space<vmem>> -> memref<128xi32, #tpu.memory_space<vmem>>
        %dma_wait3A_371 = arith.constant 0 : i32
        %dma_wait3A_372 = arith.constant 0 : i32
        %dma_wait3A_373 = tpu.memref_slice %arg10[%dma_wait3A_371, %dma_wait3A_372] : memref<10112x64xf32, #tpu.memory_space<vmem_shared>> -> memref<10112x64xf32, #tpu.memory_space<vmem_shared>>
        tpu.wait_indirect_dma semaphore(%run_scoped3A_353 : memref<!tpu.dma_semaphore, #tpu.memory_space<semaphore_mem>>) src(%dma_wait3A_367 : memref<128x64xf32, #tpu.memory_space<vmem>>) dst(%dma_wait3A_373 : memref<10112x64xf32, #tpu.memory_space<vmem_shared>>)
        tpu.yield
      }) : () -> ()
      %mul3A_287 = arith.constant 4 : i32
      %mul3A_288 = arith.muli %add3A_264, %mul3A_287 : i32
      %add3A_289 = arith.constant 1 : i32
      %add3A_290 = arith.addi %mul3A_288, %add3A_289 : i32
      %dma_wait3A_291 = arith.constant 1 : i32
      %dma_wait3A_292 = arith.constant 1 : i32
      %dma_wait3A_293 = arith.constant 1 : i32
      %dma_wait3A_294 = arith.constant 1 : i32
      %dma_wait3A_295 = arith.constant 0 : i32
      %dma_wait3A_296 = arith.constant 0 : i32
      %dma_wait3A_297 = tpu.memref_slice %arg9[%dma_wait3A_291, %dma_wait3A_292, %dma_wait3A_295, %dma_wait3A_296] : memref<2x4x128x64xf32, #tpu.memory_space<vmem>> -> memref<1x1x128x64xf32, #tpu.memory_space<vmem>>
      %dma_wait3A_298 = tpu.memref_squeeze %dma_wait3A_297 : memref<1x1x128x64xf32, #tpu.memory_space<vmem>> -> memref<128x64xf32, #tpu.memory_space<vmem>>
      %dma_wait3A_299 = arith.constant 0 : i32
      %dma_wait3A_300 = tpu.memref_slice %arg7[%add3A_290, %dma_wait3A_299] : memref<80x128xi32, #tpu.memory_space<vmem>> -> memref<1x128xi32, #tpu.memory_space<vmem>>
      %dma_wait3A_301 = tpu.memref_squeeze %dma_wait3A_300 : memref<1x128xi32, #tpu.memory_space<vmem>> -> memref<128xi32, #tpu.memory_space<vmem>>
      %dma_wait3A_302 = arith.constant 0 : i32
      %dma_wait3A_303 = arith.constant 0 : i32
      %dma_wait3A_304 = tpu.memref_slice %arg4[%dma_wait3A_302, %dma_wait3A_303] : memref<10112x64xf32, #tpu.memory_space<hbm>> -> memref<10112x64xf32, #tpu.memory_space<hbm>>
      %dma_wait3A_305 = tpu.memref_slice %arg11[%dma_wait3A_293, %dma_wait3A_294] : memref<2x4x!tpu.dma_semaphore, #tpu.memory_space<semaphore_mem>> -> memref<1x1x!tpu.dma_semaphore, #tpu.memory_space<semaphore_mem>>
      %dma_wait3A_306 = tpu.memref_squeeze %dma_wait3A_305 : memref<1x1x!tpu.dma_semaphore, #tpu.memory_space<semaphore_mem>> -> memref<!tpu.dma_semaphore, #tpu.memory_space<semaphore_mem>>
      tpu.wait_indirect_dma semaphore(%dma_wait3A_306 : memref<!tpu.dma_semaphore, #tpu.memory_space<semaphore_mem>>) src(%dma_wait3A_304 : memref<10112x64xf32, #tpu.memory_space<hbm>>) dst(%dma_wait3A_298 : memref<128x64xf32, #tpu.memory_space<vmem>>)
      %run_scoped3A_307 = arith.constant 1 : i32
      %run_scoped3A_308 = arith.constant 1 : i32
      "tpu.region"() ({
        %run_scoped3A_353 = tpu.sem_alloc : memref<!tpu.dma_semaphore, #tpu.memory_space<semaphore_mem>>
        %dma_start3A_354 = arith.constant 0 : i32
        %dma_start3A_355 = arith.constant 0 : i32
        %dma_start3A_356 = tpu.memref_slice %arg9[%run_scoped3A_307, %run_scoped3A_308, %dma_start3A_354, %dma_start3A_355] : memref<2x4x128x64xf32, #tpu.memory_space<vmem>> -> memref<1x1x128x64xf32, #tpu.memory_space<vmem>>
        %dma_start3A_357 = tpu.memref_squeeze %dma_start3A_356 : memref<1x1x128x64xf32, #tpu.memory_space<vmem>> -> memref<128x64xf32, #tpu.memory_space<vmem>>
        %dma_start3A_358 = arith.constant 0 : i32
        %dma_start3A_359 = tpu.memref_slice %arg8[%add3A_290, %dma_start3A_358] : memref<80x128xi32, #tpu.memory_space<vmem>> -> memref<1x128xi32, #tpu.memory_space<vmem>>
        %dma_start3A_360 = tpu.memref_squeeze %dma_start3A_359 : memref<1x128xi32, #tpu.memory_space<vmem>> -> memref<128xi32, #tpu.memory_space<vmem>>
        %dma_start3A_361 = arith.constant 0 : i32
        %dma_start3A_362 = arith.constant 0 : i32
        %dma_start3A_363 = tpu.memref_slice %arg10[%dma_start3A_361, %dma_start3A_362] : memref<10112x64xf32, #tpu.memory_space<vmem_shared>> -> memref<10112x64xf32, #tpu.memory_space<vmem_shared>>
        tpu.enqueue_indirect_dma source(%dma_start3A_357 : memref<128x64xf32, #tpu.memory_space<vmem>>) target(%dma_start3A_363 : memref<10112x64xf32, #tpu.memory_space<vmem_shared>>) offsets(%dma_start3A_360 : memref<128xi32, #tpu.memory_space<vmem>>) semaphore(%run_scoped3A_353 : memref<!tpu.dma_semaphore, #tpu.memory_space<semaphore_mem>>) {add = true}
        %dma_wait3A_364 = arith.constant 0 : i32
        %dma_wait3A_365 = arith.constant 0 : i32
        %dma_wait3A_366 = tpu.memref_slice %arg9[%run_scoped3A_307, %run_scoped3A_308, %dma_wait3A_364, %dma_wait3A_365] : memref<2x4x128x64xf32, #tpu.memory_space<vmem>> -> memref<1x1x128x64xf32, #tpu.memory_space<vmem>>
        %dma_wait3A_367 = tpu.memref_squeeze %dma_wait3A_366 : memref<1x1x128x64xf32, #tpu.memory_space<vmem>> -> memref<128x64xf32, #tpu.memory_space<vmem>>
        %dma_wait3A_368 = arith.constant 0 : i32
        %dma_wait3A_369 = tpu.memref_slice %arg8[%add3A_290, %dma_wait3A_368] : memref<80x128xi32, #tpu.memory_space<vmem>> -> memref<1x128xi32, #tpu.memory_space<vmem>>
        %dma_wait3A_370 = tpu.memref_squeeze %dma_wait3A_369 : memref<1x128xi32, #tpu.memory_space<vmem>> -> memref<128xi32, #tpu.memory_space<vmem>>
        %dma_wait3A_371 = arith.constant 0 : i32
        %dma_wait3A_372 = arith.constant 0 : i32
        %dma_wait3A_373 = tpu.memref_slice %arg10[%dma_wait3A_371, %dma_wait3A_372] : memref<10112x64xf32, #tpu.memory_space<vmem_shared>> -> memref<10112x64xf32, #tpu.memory_space<vmem_shared>>
        tpu.wait_indirect_dma semaphore(%run_scoped3A_353 : memref<!tpu.dma_semaphore, #tpu.memory_space<semaphore_mem>>) src(%dma_wait3A_367 : memref<128x64xf32, #tpu.memory_space<vmem>>) dst(%dma_wait3A_373 : memref<10112x64xf32, #tpu.memory_space<vmem_shared>>)
        tpu.yield
      }) : () -> ()
      %mul3A_309 = arith.constant 4 : i32
      %mul3A_310 = arith.muli %add3A_264, %mul3A_309 : i32
      %add3A_311 = arith.constant 2 : i32
      %add3A_312 = arith.addi %mul3A_310, %add3A_311 : i32
      %dma_wait3A_313 = arith.constant 1 : i32
      %dma_wait3A_314 = arith.constant 2 : i32
      %dma_wait3A_315 = arith.constant 1 : i32
      %dma_wait3A_316 = arith.constant 2 : i32
      %dma_wait3A_317 = arith.constant 0 : i32
      %dma_wait3A_318 = arith.constant 0 : i32
      %dma_wait3A_319 = tpu.memref_slice %arg9[%dma_wait3A_313, %dma_wait3A_314, %dma_wait3A_317, %dma_wait3A_318] : memref<2x4x128x64xf32, #tpu.memory_space<vmem>> -> memref<1x1x128x64xf32, #tpu.memory_space<vmem>>
      %dma_wait3A_320 = tpu.memref_squeeze %dma_wait3A_319 : memref<1x1x128x64xf32, #tpu.memory_space<vmem>> -> memref<128x64xf32, #tpu.memory_space<vmem>>
      %dma_wait3A_321 = arith.constant 0 : i32
      %dma_wait3A_322 = tpu.memref_slice %arg7[%add3A_312, %dma_wait3A_321] : memref<80x128xi32, #tpu.memory_space<vmem>> -> memref<1x128xi32, #tpu.memory_space<vmem>>
      %dma_wait3A_323 = tpu.memref_squeeze %dma_wait3A_322 : memref<1x128xi32, #tpu.memory_space<vmem>> -> memref<128xi32, #tpu.memory_space<vmem>>
      %dma_wait3A_324 = arith.constant 0 : i32
      %dma_wait3A_325 = arith.constant 0 : i32
      %dma_wait3A_326 = tpu.memref_slice %arg4[%dma_wait3A_324, %dma_wait3A_325] : memref<10112x64xf32, #tpu.memory_space<hbm>> -> memref<10112x64xf32, #tpu.memory_space<hbm>>
      %dma_wait3A_327 = tpu.memref_slice %arg11[%dma_wait3A_315, %dma_wait3A_316] : memref<2x4x!tpu.dma_semaphore, #tpu.memory_space<semaphore_mem>> -> memref<1x1x!tpu.dma_semaphore, #tpu.memory_space<semaphore_mem>>
      %dma_wait3A_328 = tpu.memref_squeeze %dma_wait3A_327 : memref<1x1x!tpu.dma_semaphore, #tpu.memory_space<semaphore_mem>> -> memref<!tpu.dma_semaphore, #tpu.memory_space<semaphore_mem>>
      tpu.wait_indirect_dma semaphore(%dma_wait3A_328 : memref<!tpu.dma_semaphore, #tpu.memory_space<semaphore_mem>>) src(%dma_wait3A_326 : memref<10112x64xf32, #tpu.memory_space<hbm>>) dst(%dma_wait3A_320 : memref<128x64xf32, #tpu.memory_space<vmem>>)
      %run_scoped3A_329 = arith.constant 1 : i32
      %run_scoped3A_330 = arith.constant 2 : i32
      "tpu.region"() ({
        %run_scoped3A_353 = tpu.sem_alloc : memref<!tpu.dma_semaphore, #tpu.memory_space<semaphore_mem>>
        %dma_start3A_354 = arith.constant 0 : i32
        %dma_start3A_355 = arith.constant 0 : i32
        %dma_start3A_356 = tpu.memref_slice %arg9[%run_scoped3A_329, %run_scoped3A_330, %dma_start3A_354, %dma_start3A_355] : memref<2x4x128x64xf32, #tpu.memory_space<vmem>> -> memref<1x1x128x64xf32, #tpu.memory_space<vmem>>
        %dma_start3A_357 = tpu.memref_squeeze %dma_start3A_356 : memref<1x1x128x64xf32, #tpu.memory_space<vmem>> -> memref<128x64xf32, #tpu.memory_space<vmem>>
        %dma_start3A_358 = arith.constant 0 : i32
        %dma_start3A_359 = tpu.memref_slice %arg8[%add3A_312, %dma_start3A_358] : memref<80x128xi32, #tpu.memory_space<vmem>> -> memref<1x128xi32, #tpu.memory_space<vmem>>
        %dma_start3A_360 = tpu.memref_squeeze %dma_start3A_359 : memref<1x128xi32, #tpu.memory_space<vmem>> -> memref<128xi32, #tpu.memory_space<vmem>>
        %dma_start3A_361 = arith.constant 0 : i32
        %dma_start3A_362 = arith.constant 0 : i32
        %dma_start3A_363 = tpu.memref_slice %arg10[%dma_start3A_361, %dma_start3A_362] : memref<10112x64xf32, #tpu.memory_space<vmem_shared>> -> memref<10112x64xf32, #tpu.memory_space<vmem_shared>>
        tpu.enqueue_indirect_dma source(%dma_start3A_357 : memref<128x64xf32, #tpu.memory_space<vmem>>) target(%dma_start3A_363 : memref<10112x64xf32, #tpu.memory_space<vmem_shared>>) offsets(%dma_start3A_360 : memref<128xi32, #tpu.memory_space<vmem>>) semaphore(%run_scoped3A_353 : memref<!tpu.dma_semaphore, #tpu.memory_space<semaphore_mem>>) {add = true}
        %dma_wait3A_364 = arith.constant 0 : i32
        %dma_wait3A_365 = arith.constant 0 : i32
        %dma_wait3A_366 = tpu.memref_slice %arg9[%run_scoped3A_329, %run_scoped3A_330, %dma_wait3A_364, %dma_wait3A_365] : memref<2x4x128x64xf32, #tpu.memory_space<vmem>> -> memref<1x1x128x64xf32, #tpu.memory_space<vmem>>
        %dma_wait3A_367 = tpu.memref_squeeze %dma_wait3A_366 : memref<1x1x128x64xf32, #tpu.memory_space<vmem>> -> memref<128x64xf32, #tpu.memory_space<vmem>>
        %dma_wait3A_368 = arith.constant 0 : i32
        %dma_wait3A_369 = tpu.memref_slice %arg8[%add3A_312, %dma_wait3A_368] : memref<80x128xi32, #tpu.memory_space<vmem>> -> memref<1x128xi32, #tpu.memory_space<vmem>>
        %dma_wait3A_370 = tpu.memref_squeeze %dma_wait3A_369 : memref<1x128xi32, #tpu.memory_space<vmem>> -> memref<128xi32, #tpu.memory_space<vmem>>
        %dma_wait3A_371 = arith.constant 0 : i32
        %dma_wait3A_372 = arith.constant 0 : i32
        %dma_wait3A_373 = tpu.memref_slice %arg10[%dma_wait3A_371, %dma_wait3A_372] : memref<10112x64xf32, #tpu.memory_space<vmem_shared>> -> memref<10112x64xf32, #tpu.memory_space<vmem_shared>>
        tpu.wait_indirect_dma semaphore(%run_scoped3A_353 : memref<!tpu.dma_semaphore, #tpu.memory_space<semaphore_mem>>) src(%dma_wait3A_367 : memref<128x64xf32, #tpu.memory_space<vmem>>) dst(%dma_wait3A_373 : memref<10112x64xf32, #tpu.memory_space<vmem_shared>>)
        tpu.yield
      }) : () -> ()
      %mul3A_331 = arith.constant 4 : i32
      %mul3A_332 = arith.muli %add3A_264, %mul3A_331 : i32
      %add3A_333 = arith.constant 3 : i32
      %add3A_334 = arith.addi %mul3A_332, %add3A_333 : i32
      %dma_wait3A_335 = arith.constant 1 : i32
      %dma_wait3A_336 = arith.constant 3 : i32
      %dma_wait3A_337 = arith.constant 1 : i32
      %dma_wait3A_338 = arith.constant 3 : i32
      %dma_wait3A_339 = arith.constant 0 : i32
      %dma_wait3A_340 = arith.constant 0 : i32
      %dma_wait3A_341 = tpu.memref_slice %arg9[%dma_wait3A_335, %dma_wait3A_336, %dma_wait3A_339, %dma_wait3A_340] : memref<2x4x128x64xf32, #tpu.memory_space<vmem>> -> memref<1x1x128x64xf32, #tpu.memory_space<vmem>>
      %dma_wait3A_342 = tpu.memref_squeeze %dma_wait3A_341 : memref<1x1x128x64xf32, #tpu.memory_space<vmem>> -> memref<128x64xf32, #tpu.memory_space<vmem>>
      %dma_wait3A_343 = arith.constant 0 : i32
      %dma_wait3A_344 = tpu.memref_slice %arg7[%add3A_334, %dma_wait3A_343] : memref<80x128xi32, #tpu.memory_space<vmem>> -> memref<1x128xi32, #tpu.memory_space<vmem>>
      %dma_wait3A_345 = tpu.memref_squeeze %dma_wait3A_344 : memref<1x128xi32, #tpu.memory_space<vmem>> -> memref<128xi32, #tpu.memory_space<vmem>>
      %dma_wait3A_346 = arith.constant 0 : i32
      %dma_wait3A_347 = arith.constant 0 : i32
      %dma_wait3A_348 = tpu.memref_slice %arg4[%dma_wait3A_346, %dma_wait3A_347] : memref<10112x64xf32, #tpu.memory_space<hbm>> -> memref<10112x64xf32, #tpu.memory_space<hbm>>
      %dma_wait3A_349 = tpu.memref_slice %arg11[%dma_wait3A_337, %dma_wait3A_338] : memref<2x4x!tpu.dma_semaphore, #tpu.memory_space<semaphore_mem>> -> memref<1x1x!tpu.dma_semaphore, #tpu.memory_space<semaphore_mem>>
      %dma_wait3A_350 = tpu.memref_squeeze %dma_wait3A_349 : memref<1x1x!tpu.dma_semaphore, #tpu.memory_space<semaphore_mem>> -> memref<!tpu.dma_semaphore, #tpu.memory_space<semaphore_mem>>
      tpu.wait_indirect_dma semaphore(%dma_wait3A_350 : memref<!tpu.dma_semaphore, #tpu.memory_space<semaphore_mem>>) src(%dma_wait3A_348 : memref<10112x64xf32, #tpu.memory_space<hbm>>) dst(%dma_wait3A_342 : memref<128x64xf32, #tpu.memory_space<vmem>>)
      %run_scoped3A_351 = arith.constant 1 : i32
      %run_scoped3A_352 = arith.constant 3 : i32
      "tpu.region"() ({
        %run_scoped3A_353 = tpu.sem_alloc : memref<!tpu.dma_semaphore, #tpu.memory_space<semaphore_mem>>
        %dma_start3A_354 = arith.constant 0 : i32
        %dma_start3A_355 = arith.constant 0 : i32
        %dma_start3A_356 = tpu.memref_slice %arg9[%run_scoped3A_351, %run_scoped3A_352, %dma_start3A_354, %dma_start3A_355] : memref<2x4x128x64xf32, #tpu.memory_space<vmem>> -> memref<1x1x128x64xf32, #tpu.memory_space<vmem>>
        %dma_start3A_357 = tpu.memref_squeeze %dma_start3A_356 : memref<1x1x128x64xf32, #tpu.memory_space<vmem>> -> memref<128x64xf32, #tpu.memory_space<vmem>>
        %dma_start3A_358 = arith.constant 0 : i32
        %dma_start3A_359 = tpu.memref_slice %arg8[%add3A_334, %dma_start3A_358] : memref<80x128xi32, #tpu.memory_space<vmem>> -> memref<1x128xi32, #tpu.memory_space<vmem>>
        %dma_start3A_360 = tpu.memref_squeeze %dma_start3A_359 : memref<1x128xi32, #tpu.memory_space<vmem>> -> memref<128xi32, #tpu.memory_space<vmem>>
        %dma_start3A_361 = arith.constant 0 : i32
        %dma_start3A_362 = arith.constant 0 : i32
        %dma_start3A_363 = tpu.memref_slice %arg10[%dma_start3A_361, %dma_start3A_362] : memref<10112x64xf32, #tpu.memory_space<vmem_shared>> -> memref<10112x64xf32, #tpu.memory_space<vmem_shared>>
        tpu.enqueue_indirect_dma source(%dma_start3A_357 : memref<128x64xf32, #tpu.memory_space<vmem>>) target(%dma_start3A_363 : memref<10112x64xf32, #tpu.memory_space<vmem_shared>>) offsets(%dma_start3A_360 : memref<128xi32, #tpu.memory_space<vmem>>) semaphore(%run_scoped3A_353 : memref<!tpu.dma_semaphore, #tpu.memory_space<semaphore_mem>>) {add = true}
        %dma_wait3A_364 = arith.constant 0 : i32
        %dma_wait3A_365 = arith.constant 0 : i32
        %dma_wait3A_366 = tpu.memref_slice %arg9[%run_scoped3A_351, %run_scoped3A_352, %dma_wait3A_364, %dma_wait3A_365] : memref<2x4x128x64xf32, #tpu.memory_space<vmem>> -> memref<1x1x128x64xf32, #tpu.memory_space<vmem>>
        %dma_wait3A_367 = tpu.memref_squeeze %dma_wait3A_366 : memref<1x1x128x64xf32, #tpu.memory_space<vmem>> -> memref<128x64xf32, #tpu.memory_space<vmem>>
        %dma_wait3A_368 = arith.constant 0 : i32
        %dma_wait3A_369 = tpu.memref_slice %arg8[%add3A_334, %dma_wait3A_368] : memref<80x128xi32, #tpu.memory_space<vmem>> -> memref<1x128xi32, #tpu.memory_space<vmem>>
        %dma_wait3A_370 = tpu.memref_squeeze %dma_wait3A_369 : memref<1x128xi32, #tpu.memory_space<vmem>> -> memref<128xi32, #tpu.memory_space<vmem>>
        %dma_wait3A_371 = arith.constant 0 : i32
        %dma_wait3A_372 = arith.constant 0 : i32
        %dma_wait3A_373 = tpu.memref_slice %arg10[%dma_wait3A_371, %dma_wait3A_372] : memref<10112x64xf32, #tpu.memory_space<vmem_shared>> -> memref<10112x64xf32, #tpu.memory_space<vmem_shared>>
        tpu.wait_indirect_dma semaphore(%run_scoped3A_353 : memref<!tpu.dma_semaphore, #tpu.memory_space<semaphore_mem>>) src(%dma_wait3A_367 : memref<128x64xf32, #tpu.memory_space<vmem>>) dst(%dma_wait3A_373 : memref<10112x64xf32, #tpu.memory_space<vmem_shared>>)
        tpu.yield
      }) : () -> ()
    }
    %scan3A_78 = arith.constant 10 : i32
    %barrier3A_79 = arith.constant 0 : index
    tpu.barrier barrier_id(%barrier3A_79)
    %mul3A_80 = arith.constant 632 : i32
    %mul3A_81 = arith.muli %arg1, %mul3A_80 : i32
    %mul3A_82 = arith.constant 632 : i32
    %mul3A_83 = arith.muli %arg1, %mul3A_82 : i32
    "tpu.region"() ({
      %run_scoped3A = tpu.sem_alloc : memref<!tpu.dma_semaphore, #tpu.memory_space<semaphore_mem>>
      %dma_start3A_84 = arith.constant 0 : i32
      %dma_start3A_85 = tpu.memref_slice %arg6[%arg0, %mul3A_83, %dma_start3A_84] : memref<2x10112x64xf32, #tpu.memory_space<hbm>> -> memref<1x632x64xf32, #tpu.memory_space<hbm>>
      %dma_start3A_86 = tpu.memref_squeeze %dma_start3A_85 : memref<1x632x64xf32, #tpu.memory_space<hbm>> -> memref<632x64xf32, #tpu.memory_space<hbm>>
      %dma_start3A_87 = arith.constant 0 : i32
      %dma_start3A_88 = tpu.memref_slice %arg10[%mul3A_81, %dma_start3A_87] : memref<10112x64xf32, #tpu.memory_space<vmem_shared>> -> memref<632x64xf32, #tpu.memory_space<vmem_shared>>
      tpu.enqueue_dma source(%dma_start3A_88 : memref<632x64xf32, #tpu.memory_space<vmem_shared>>) target(%dma_start3A_86 : memref<632x64xf32, #tpu.memory_space<hbm>>) target_semaphore(%run_scoped3A : memref<!tpu.dma_semaphore, #tpu.memory_space<semaphore_mem>>)
      %dma_wait3A = arith.constant 0 : i32
      %dma_wait3A_89 = tpu.memref_slice %arg6[%arg0, %mul3A_83, %dma_wait3A] : memref<2x10112x64xf32, #tpu.memory_space<hbm>> -> memref<1x632x64xf32, #tpu.memory_space<hbm>>
      %dma_wait3A_90 = tpu.memref_squeeze %dma_wait3A_89 : memref<1x632x64xf32, #tpu.memory_space<hbm>> -> memref<632x64xf32, #tpu.memory_space<hbm>>
      %dma_wait3A_91 = arith.constant 0 : i32
      %dma_wait3A_92 = tpu.memref_slice %arg10[%mul3A_81, %dma_wait3A_91] : memref<10112x64xf32, #tpu.memory_space<vmem_shared>> -> memref<632x64xf32, #tpu.memory_space<vmem_shared>>
      tpu.wait_dma2 semaphore(%run_scoped3A : memref<!tpu.dma_semaphore, #tpu.memory_space<semaphore_mem>>) src(%dma_wait3A_92 : memref<632x64xf32, #tpu.memory_space<vmem_shared>>) dst(%dma_wait3A_90 : memref<632x64xf32, #tpu.memory_space<hbm>>)
      tpu.yield
    }) : () -> ()
    return
  }
}

module attributes {stable_mosaic.version = 14 : i64} {
  func.func @_tc_pre_body(%arg0: memref<2x10112xf32, #tpu.memory_space<vmem>>, %arg1: memref<10000x128xf32, #tpu.memory_space<vmem>>, %arg2: memref<128x64xf32, #tpu.memory_space<vmem>>, %arg3: memref<10000x64xf32, #tpu.memory_space<vmem>>, %arg4: memref<10000x1xf32, #tpu.memory_space<vmem>>) attributes {dimension_semantics = [], scalar_prefetch = 0 : i64, scratch_operands = 0 : i64, tpu.core_type = #tpu.core_type<tc>} {
    %get3A = arith.constant 0 : index
    %get3A_0 = arith.constant 0 : index
    %get3A_1 = vector.load %arg0[%get3A, %get3A_0] : memref<2x10112xf32, #tpu.memory_space<vmem>>, vector<1x10000xf32>
    %get3A_2 = arith.constant 1 : index
    %get3A_3 = arith.constant 0 : index
    %get3A_4 = vector.load %arg0[%get3A_2, %get3A_3] : memref<2x10112xf32, #tpu.memory_space<vmem>>, vector<1x10000xf32>
    %add3A = arith.addf %get3A_1, %get3A_4 : vector<1x10000xf32>
    %add3A_5 = arith.constant 1.000000e+00 : f32
    %add3A_6 = vector.broadcast %add3A_5 : f32 to vector<1x10000xf32>
    %add3A_7 = arith.addf %add3A, %add3A_6 : vector<1x10000xf32>
    %reshape3A = vector.shape_cast %add3A_7 : vector<1x10000xf32> to vector<10000x1xf32>
    %rsqrt3A = math.rsqrt %reshape3A : vector<10000x1xf32>
    %get3A_8 = arith.constant 0 : index
    %get3A_9 = arith.constant 0 : index
    %get3A_10 = vector.load %arg1[%get3A_8, %get3A_9] : memref<10000x128xf32, #tpu.memory_space<vmem>>, vector<10000x128xf32>
    %get3A_11 = arith.constant 0 : index
    %get3A_12 = arith.constant 0 : index
    %get3A_13 = vector.load %arg2[%get3A_11, %get3A_12] : memref<128x64xf32, #tpu.memory_space<vmem>>, vector<128x64xf32>
    %dot_general3A = arith.constant dense<0.000000e+00> : vector<10000x64xf32>
    %dot_general3A_14 = tpu.matmul %get3A_10, %get3A_13, %dot_general3A {dimension_numbers = #tpu.dot_dimension_numbers<[1], [0], [0], [1], [0, 0, 1, 1], [], []>, transpose_lhs_hint = false} : vector<10000x128xf32>, vector<128x64xf32>, vector<10000x64xf32> -> vector<10000x64xf32>
    %mul3A = vector.broadcast %rsqrt3A : vector<10000x1xf32> to vector<10000x64xf32>
    %mul3A_15 = arith.mulf %dot_general3A_14, %mul3A : vector<10000x64xf32>
    %swap3A = arith.constant 0 : index
    %swap3A_16 = arith.constant 0 : index
    %swap3A_17 = vector.load %arg3[%swap3A, %swap3A_16] : memref<10000x64xf32, #tpu.memory_space<vmem>>, vector<10000x64xf32>
    tpu.vector_store %arg3[%swap3A, %swap3A_16], %mul3A_15 {strides = array<i32>} : memref<10000x64xf32, #tpu.memory_space<vmem>>, vector<10000x64xf32>,
    %swap3A_18 = arith.constant 0 : index
    %swap3A_19 = arith.constant 0 : index
    %swap3A_20 = vector.load %arg4[%swap3A_18, %swap3A_19] : memref<10000x1xf32, #tpu.memory_space<vmem>>, vector<10000x1xf32>
    tpu.vector_store %arg4[%swap3A_18, %swap3A_19], %rsqrt3A {strides = array<i32>} : memref<10000x1xf32, #tpu.memory_space<vmem>>, vector<10000x1xf32>,
    return
  }
}

module attributes {stable_mosaic.version = 14 : i64} {
  func.func @_tc_mid_body(%arg0: memref<2x10112x64xf32, #tpu.memory_space<vmem>>, %arg1: memref<10000x64xf32, #tpu.memory_space<vmem>>, %arg2: memref<10000x1xf32, #tpu.memory_space<vmem>>, %arg3: memref<64x32xf32, #tpu.memory_space<vmem>>, %arg4: memref<1x64xf32, #tpu.memory_space<vmem>>, %arg5: memref<10000x32xf32, #tpu.memory_space<vmem>>) attributes {dimension_semantics = [], scalar_prefetch = 0 : i64, scratch_operands = 0 : i64, tpu.core_type = #tpu.core_type<tc>} {
    %get3A = arith.constant 0 : index
    %get3A_0 = arith.constant 0 : index
    %get3A_1 = vector.load %arg2[%get3A, %get3A_0] : memref<10000x1xf32, #tpu.memory_space<vmem>>, vector<10000x1xf32>
    %get3A_2 = arith.constant 0 : index
    %get3A_3 = arith.constant 0 : index
    %get3A_4 = arith.constant 0 : index
    %get3A_5 = vector.load %arg0[%get3A_2, %get3A_3, %get3A_4] : memref<2x10112x64xf32, #tpu.memory_space<vmem>>, vector<1x10000x64xf32>
    %get3A_6 = vector.shape_cast %get3A_5 : vector<1x10000x64xf32> to vector<10000x64xf32>
    %get3A_7 = arith.constant 1 : index
    %get3A_8 = arith.constant 0 : index
    %get3A_9 = arith.constant 0 : index
    %get3A_10 = vector.load %arg0[%get3A_7, %get3A_8, %get3A_9] : memref<2x10112x64xf32, #tpu.memory_space<vmem>>, vector<1x10000x64xf32>
    %get3A_11 = vector.shape_cast %get3A_10 : vector<1x10000x64xf32> to vector<10000x64xf32>
    %add3A = arith.addf %get3A_6, %get3A_11 : vector<10000x64xf32>
    %get3A_12 = arith.constant 0 : index
    %get3A_13 = arith.constant 0 : index
    %get3A_14 = vector.load %arg1[%get3A_12, %get3A_13] : memref<10000x64xf32, #tpu.memory_space<vmem>>, vector<10000x64xf32>
    %add3A_15 = arith.addf %add3A, %get3A_14 : vector<10000x64xf32>
    %mul3A = vector.broadcast %get3A_1 : vector<10000x1xf32> to vector<10000x64xf32>
    %mul3A_16 = arith.mulf %add3A_15, %mul3A : vector<10000x64xf32>
    %get3A_17 = arith.constant 0 : index
    %get3A_18 = arith.constant 0 : index
    %get3A_19 = vector.load %arg4[%get3A_17, %get3A_18] : memref<1x64xf32, #tpu.memory_space<vmem>>, vector<1x64xf32>
    %add3A_20 = vector.broadcast %get3A_19 : vector<1x64xf32> to vector<10000x64xf32>
    %add3A_21 = arith.addf %mul3A_16, %add3A_20 : vector<10000x64xf32>
    %max3A = arith.constant 0.000000e+00 : f32
    %max3A_22 = vector.broadcast %max3A : f32 to vector<10000x64xf32>
    %max3A_23 = arith.maximumf %add3A_21, %max3A_22 : vector<10000x64xf32>
    %get3A_24 = arith.constant 0 : index
    %get3A_25 = arith.constant 0 : index
    %get3A_26 = vector.load %arg3[%get3A_24, %get3A_25] : memref<64x32xf32, #tpu.memory_space<vmem>>, vector<64x32xf32>
    %dot_general3A = arith.constant dense<0.000000e+00> : vector<10000x32xf32>
    %dot_general3A_27 = tpu.matmul %max3A_23, %get3A_26, %dot_general3A {dimension_numbers = #tpu.dot_dimension_numbers<[1], [0], [0], [1], [0, 0, 1, 1], [], []>, transpose_lhs_hint = false} : vector<10000x64xf32>, vector<64x32xf32>, vector<10000x32xf32> -> vector<10000x32xf32>
    %mul3A_28 = vector.broadcast %get3A_1 : vector<10000x1xf32> to vector<10000x32xf32>
    %mul3A_29 = arith.mulf %dot_general3A_27, %mul3A_28 : vector<10000x32xf32>
    %swap3A = arith.constant 0 : index
    %swap3A_30 = arith.constant 0 : index
    %swap3A_31 = vector.load %arg5[%swap3A, %swap3A_30] : memref<10000x32xf32, #tpu.memory_space<vmem>>, vector<10000x32xf32>
    tpu.vector_store %arg5[%swap3A, %swap3A_30], %mul3A_29 {strides = array<i32>} : memref<10000x32xf32, #tpu.memory_space<vmem>>, vector<10000x32xf32>,
    return
  }
}

module attributes {stable_mosaic.version = 14 : i64} {
  func.func @_tc_post_body(%arg0: memref<2x32x10112xf32, #tpu.memory_space<vmem>>, %arg1: memref<32x10000xf32, #tpu.memory_space<vmem>>, %arg2: memref<1x10000xf32, #tpu.memory_space<vmem>>, %arg3: memref<32x1xf32, #tpu.memory_space<vmem>>, %arg4: memref<1x10000xi32, #tpu.memory_space<vmem>>, %arg5: memref<32x32xf32, #tpu.memory_space<vmem>>, %arg6: memref<1x32xf32, #tpu.memory_space<vmem>>, %arg7: memref<16x32xf32, #tpu.memory_space<vmem>>) attributes {dimension_semantics = [], scalar_prefetch = 0 : i64, scratch_operands = 0 : i64, tpu.core_type = #tpu.core_type<tc>} {
    %get3A = arith.constant 0 : index
    %get3A_0 = arith.constant 0 : index
    %get3A_1 = arith.constant 0 : index
    %get3A_2 = vector.load %arg0[%get3A, %get3A_0, %get3A_1] : memref<2x32x10112xf32, #tpu.memory_space<vmem>>, vector<1x32x10000xf32>
    %get3A_3 = vector.shape_cast %get3A_2 : vector<1x32x10000xf32> to vector<32x10000xf32>
    %get3A_4 = arith.constant 1 : index
    %get3A_5 = arith.constant 0 : index
    %get3A_6 = arith.constant 0 : index
    %get3A_7 = vector.load %arg0[%get3A_4, %get3A_5, %get3A_6] : memref<2x32x10112xf32, #tpu.memory_space<vmem>>, vector<1x32x10000xf32>
    %get3A_8 = vector.shape_cast %get3A_7 : vector<1x32x10000xf32> to vector<32x10000xf32>
    %add3A = arith.addf %get3A_3, %get3A_8 : vector<32x10000xf32>
    %get3A_9 = arith.constant 0 : index
    %get3A_10 = arith.constant 0 : index
    %get3A_11 = vector.load %arg1[%get3A_9, %get3A_10] : memref<32x10000xf32, #tpu.memory_space<vmem>>, vector<32x10000xf32>
    %add3A_12 = arith.addf %add3A, %get3A_11 : vector<32x10000xf32>
    %get3A_13 = arith.constant 0 : index
    %get3A_14 = arith.constant 0 : index
    %get3A_15 = vector.load %arg2[%get3A_13, %get3A_14] : memref<1x10000xf32, #tpu.memory_space<vmem>>, vector<1x10000xf32>
    %mul3A = vector.broadcast %get3A_15 : vector<1x10000xf32> to vector<32x10000xf32>
    %mul3A_16 = arith.mulf %add3A_12, %mul3A : vector<32x10000xf32>
    %get3A_17 = arith.constant 0 : index
    %get3A_18 = arith.constant 0 : index
    %get3A_19 = vector.load %arg3[%get3A_17, %get3A_18] : memref<32x1xf32, #tpu.memory_space<vmem>>, vector<32x1xf32>
    %add3A_20 = vector.broadcast %get3A_19 : vector<32x1xf32> to vector<32x10000xf32>
    %add3A_21 = arith.addf %mul3A_16, %add3A_20 : vector<32x10000xf32>
    %max3A = arith.constant 0.000000e+00 : f32
    %max3A_22 = vector.broadcast %max3A : f32 to vector<32x10000xf32>
    %max3A_23 = arith.maximumf %add3A_21, %max3A_22 : vector<32x10000xf32>
    %get3A_24 = arith.constant 0 : index
    %get3A_25 = arith.constant 0 : index
    %get3A_26 = vector.load %arg4[%get3A_24, %get3A_25] : memref<1x10000xi32, #tpu.memory_space<vmem>>, vector<1x10000xi32>
    %eq3A = arith.constant 0 : i32
    %eq3A_27 = vector.broadcast %eq3A : i32 to vector<1x10000xi32>
    %eq3A_28 = arith.cmpi eq, %get3A_26, %eq3A_27 : vector<1x10000xi32>
    %jit3A = arith.constant 0xFF800000 : f32
    %broadcast_in_dim3A = vector.shape_cast %eq3A_28 : vector<1x10000xi1> to vector<1x10000xi1>
    %broadcast_in_dim3A_29 = vector.broadcast %broadcast_in_dim3A : vector<1x10000xi1> to vector<32x10000xi1>
    %broadcast_in_dim3A_30 = vector.broadcast %jit3A : f32 to vector<32x10000xf32>
    %select_n3A = arith.select %broadcast_in_dim3A_29, %max3A_23, %broadcast_in_dim3A_30 : vector<32x10000xi1>, vector<32x10000xf32>
    %reduce_max3A = arith.constant dense<0xFF800000> : vector<32xf32>
    %reduce_max3A_31 = vector.multi_reduction <maximumf>, %select_n3A, %reduce_max3A [1] : vector<32x10000xf32> to vector<32xf32>
    %eq3A_32 = arith.constant 1 : i32
    %eq3A_33 = vector.broadcast %eq3A_32 : i32 to vector<1x10000xi32>
    %eq3A_34 = arith.cmpi eq, %get3A_26, %eq3A_33 : vector<1x10000xi32>
    %jit3A_35 = arith.constant 0xFF800000 : f32
    %broadcast_in_dim3A_36 = vector.shape_cast %eq3A_34 : vector<1x10000xi1> to vector<1x10000xi1>
    %broadcast_in_dim3A_37 = vector.broadcast %broadcast_in_dim3A_36 : vector<1x10000xi1> to vector<32x10000xi1>
    %broadcast_in_dim3A_38 = vector.broadcast %jit3A_35 : f32 to vector<32x10000xf32>
    %select_n3A_39 = arith.select %broadcast_in_dim3A_37, %max3A_23, %broadcast_in_dim3A_38 : vector<32x10000xi1>, vector<32x10000xf32>
    %reduce_max3A_40 = arith.constant dense<0xFF800000> : vector<32xf32>
    %reduce_max3A_41 = vector.multi_reduction <maximumf>, %select_n3A_39, %reduce_max3A_40 [1] : vector<32x10000xf32> to vector<32xf32>
    %eq3A_42 = arith.constant 2 : i32
    %eq3A_43 = vector.broadcast %eq3A_42 : i32 to vector<1x10000xi32>
    %eq3A_44 = arith.cmpi eq, %get3A_26, %eq3A_43 : vector<1x10000xi32>
    %jit3A_45 = arith.constant 0xFF800000 : f32
    %broadcast_in_dim3A_46 = vector.shape_cast %eq3A_44 : vector<1x10000xi1> to vector<1x10000xi1>
    %broadcast_in_dim3A_47 = vector.broadcast %broadcast_in_dim3A_46 : vector<1x10000xi1> to vector<32x10000xi1>
    %broadcast_in_dim3A_48 = vector.broadcast %jit3A_45 : f32 to vector<32x10000xf32>
    %select_n3A_49 = arith.select %broadcast_in_dim3A_47, %max3A_23, %broadcast_in_dim3A_48 : vector<32x10000xi1>, vector<32x10000xf32>
    %reduce_max3A_50 = arith.constant dense<0xFF800000> : vector<32xf32>
    %reduce_max3A_51 = vector.multi_reduction <maximumf>, %select_n3A_49, %reduce_max3A_50 [1] : vector<32x10000xf32> to vector<32xf32>
    %eq3A_52 = arith.constant 3 : i32
    %eq3A_53 = vector.broadcast %eq3A_52 : i32 to vector<1x10000xi32>
    %eq3A_54 = arith.cmpi eq, %get3A_26, %eq3A_53 : vector<1x10000xi32>
    %jit3A_55 = arith.constant 0xFF800000 : f32
    %broadcast_in_dim3A_56 = vector.shape_cast %eq3A_54 : vector<1x10000xi1> to vector<1x10000xi1>
    %broadcast_in_dim3A_57 = vector.broadcast %broadcast_in_dim3A_56 : vector<1x10000xi1> to vector<32x10000xi1>
    %broadcast_in_dim3A_58 = vector.broadcast %jit3A_55 : f32 to vector<32x10000xf32>
    %select_n3A_59 = arith.select %broadcast_in_dim3A_57, %max3A_23, %broadcast_in_dim3A_58 : vector<32x10000xi1>, vector<32x10000xf32>
    %reduce_max3A_60 = arith.constant dense<0xFF800000> : vector<32xf32>
    %reduce_max3A_61 = vector.multi_reduction <maximumf>, %select_n3A_59, %reduce_max3A_60 [1] : vector<32x10000xf32> to vector<32xf32>
    %eq3A_62 = arith.constant 4 : i32
    %eq3A_63 = vector.broadcast %eq3A_62 : i32 to vector<1x10000xi32>
    %eq3A_64 = arith.cmpi eq, %get3A_26, %eq3A_63 : vector<1x10000xi32>
    %jit3A_65 = arith.constant 0xFF800000 : f32
    %broadcast_in_dim3A_66 = vector.shape_cast %eq3A_64 : vector<1x10000xi1> to vector<1x10000xi1>
    %broadcast_in_dim3A_67 = vector.broadcast %broadcast_in_dim3A_66 : vector<1x10000xi1> to vector<32x10000xi1>
    %broadcast_in_dim3A_68 = vector.broadcast %jit3A_65 : f32 to vector<32x10000xf32>
    %select_n3A_69 = arith.select %broadcast_in_dim3A_67, %max3A_23, %broadcast_in_dim3A_68 : vector<32x10000xi1>, vector<32x10000xf32>
    %reduce_max3A_70 = arith.constant dense<0xFF800000> : vector<32xf32>
    %reduce_max3A_71 = vector.multi_reduction <maximumf>, %select_n3A_69, %reduce_max3A_70 [1] : vector<32x10000xf32> to vector<32xf32>
    %eq3A_72 = arith.constant 5 : i32
    %eq3A_73 = vector.broadcast %eq3A_72 : i32 to vector<1x10000xi32>
    %eq3A_74 = arith.cmpi eq, %get3A_26, %eq3A_73 : vector<1x10000xi32>
    %jit3A_75 = arith.constant 0xFF800000 : f32
    %broadcast_in_dim3A_76 = vector.shape_cast %eq3A_74 : vector<1x10000xi1> to vector<1x10000xi1>
    %broadcast_in_dim3A_77 = vector.broadcast %broadcast_in_dim3A_76 : vector<1x10000xi1> to vector<32x10000xi1>
    %broadcast_in_dim3A_78 = vector.broadcast %jit3A_75 : f32 to vector<32x10000xf32>
    %select_n3A_79 = arith.select %broadcast_in_dim3A_77, %max3A_23, %broadcast_in_dim3A_78 : vector<32x10000xi1>, vector<32x10000xf32>
    %reduce_max3A_80 = arith.constant dense<0xFF800000> : vector<32xf32>
    %reduce_max3A_81 = vector.multi_reduction <maximumf>, %select_n3A_79, %reduce_max3A_80 [1] : vector<32x10000xf32> to vector<32xf32>
    %eq3A_82 = arith.constant 6 : i32
    %eq3A_83 = vector.broadcast %eq3A_82 : i32 to vector<1x10000xi32>
    %eq3A_84 = arith.cmpi eq, %get3A_26, %eq3A_83 : vector<1x10000xi32>
    %jit3A_85 = arith.constant 0xFF800000 : f32
    %broadcast_in_dim3A_86 = vector.shape_cast %eq3A_84 : vector<1x10000xi1> to vector<1x10000xi1>
    %broadcast_in_dim3A_87 = vector.broadcast %broadcast_in_dim3A_86 : vector<1x10000xi1> to vector<32x10000xi1>
    %broadcast_in_dim3A_88 = vector.broadcast %jit3A_85 : f32 to vector<32x10000xf32>
    %select_n3A_89 = arith.select %broadcast_in_dim3A_87, %max3A_23, %broadcast_in_dim3A_88 : vector<32x10000xi1>, vector<32x10000xf32>
    %reduce_max3A_90 = arith.constant dense<0xFF800000> : vector<32xf32>
    %reduce_max3A_91 = vector.multi_reduction <maximumf>, %select_n3A_89, %reduce_max3A_90 [1] : vector<32x10000xf32> to vector<32xf32>
    %eq3A_92 = arith.constant 7 : i32
    %eq3A_93 = vector.broadcast %eq3A_92 : i32 to vector<1x10000xi32>
    %eq3A_94 = arith.cmpi eq, %get3A_26, %eq3A_93 : vector<1x10000xi32>
    %jit3A_95 = arith.constant 0xFF800000 : f32
    %broadcast_in_dim3A_96 = vector.shape_cast %eq3A_94 : vector<1x10000xi1> to vector<1x10000xi1>
    %broadcast_in_dim3A_97 = vector.broadcast %broadcast_in_dim3A_96 : vector<1x10000xi1> to vector<32x10000xi1>
    %broadcast_in_dim3A_98 = vector.broadcast %jit3A_95 : f32 to vector<32x10000xf32>
    %select_n3A_99 = arith.select %broadcast_in_dim3A_97, %max3A_23, %broadcast_in_dim3A_98 : vector<32x10000xi1>, vector<32x10000xf32>
    %reduce_max3A_100 = arith.constant dense<0xFF800000> : vector<32xf32>
    %reduce_max3A_101 = vector.multi_reduction <maximumf>, %select_n3A_99, %reduce_max3A_100 [1] : vector<32x10000xf32> to vector<32xf32>
    %eq3A_102 = arith.constant 8 : i32
    %eq3A_103 = vector.broadcast %eq3A_102 : i32 to vector<1x10000xi32>
    %eq3A_104 = arith.cmpi eq, %get3A_26, %eq3A_103 : vector<1x10000xi32>
    %jit3A_105 = arith.constant 0xFF800000 : f32
    %broadcast_in_dim3A_106 = vector.shape_cast %eq3A_104 : vector<1x10000xi1> to vector<1x10000xi1>
    %broadcast_in_dim3A_107 = vector.broadcast %broadcast_in_dim3A_106 : vector<1x10000xi1> to vector<32x10000xi1>
    %broadcast_in_dim3A_108 = vector.broadcast %jit3A_105 : f32 to vector<32x10000xf32>
    %select_n3A_109 = arith.select %broadcast_in_dim3A_107, %max3A_23, %broadcast_in_dim3A_108 : vector<32x10000xi1>, vector<32x10000xf32>
    %reduce_max3A_110 = arith.constant dense<0xFF800000> : vector<32xf32>
    %reduce_max3A_111 = vector.multi_reduction <maximumf>, %select_n3A_109, %reduce_max3A_110 [1] : vector<32x10000xf32> to vector<32xf32>
    %eq3A_112 = arith.constant 9 : i32
    %eq3A_113 = vector.broadcast %eq3A_112 : i32 to vector<1x10000xi32>
    %eq3A_114 = arith.cmpi eq, %get3A_26, %eq3A_113 : vector<1x10000xi32>
    %jit3A_115 = arith.constant 0xFF800000 : f32
    %broadcast_in_dim3A_116 = vector.shape_cast %eq3A_114 : vector<1x10000xi1> to vector<1x10000xi1>
    %broadcast_in_dim3A_117 = vector.broadcast %broadcast_in_dim3A_116 : vector<1x10000xi1> to vector<32x10000xi1>
    %broadcast_in_dim3A_118 = vector.broadcast %jit3A_115 : f32 to vector<32x10000xf32>
    %select_n3A_119 = arith.select %broadcast_in_dim3A_117, %max3A_23, %broadcast_in_dim3A_118 : vector<32x10000xi1>, vector<32x10000xf32>
    %reduce_max3A_120 = arith.constant dense<0xFF800000> : vector<32xf32>
    %reduce_max3A_121 = vector.multi_reduction <maximumf>, %select_n3A_119, %reduce_max3A_120 [1] : vector<32x10000xf32> to vector<32xf32>
    %eq3A_122 = arith.constant 10 : i32
    %eq3A_123 = vector.broadcast %eq3A_122 : i32 to vector<1x10000xi32>
    %eq3A_124 = arith.cmpi eq, %get3A_26, %eq3A_123 : vector<1x10000xi32>
    %jit3A_125 = arith.constant 0xFF800000 : f32
    %broadcast_in_dim3A_126 = vector.shape_cast %eq3A_124 : vector<1x10000xi1> to vector<1x10000xi1>
    %broadcast_in_dim3A_127 = vector.broadcast %broadcast_in_dim3A_126 : vector<1x10000xi1> to vector<32x10000xi1>
    %broadcast_in_dim3A_128 = vector.broadcast %jit3A_125 : f32 to vector<32x10000xf32>
    %select_n3A_129 = arith.select %broadcast_in_dim3A_127, %max3A_23, %broadcast_in_dim3A_128 : vector<32x10000xi1>, vector<32x10000xf32>
    %reduce_max3A_130 = arith.constant dense<0xFF800000> : vector<32xf32>
    %reduce_max3A_131 = vector.multi_reduction <maximumf>, %select_n3A_129, %reduce_max3A_130 [1] : vector<32x10000xf32> to vector<32xf32>
    %eq3A_132 = arith.constant 11 : i32
    %eq3A_133 = vector.broadcast %eq3A_132 : i32 to vector<1x10000xi32>
    %eq3A_134 = arith.cmpi eq, %get3A_26, %eq3A_133 : vector<1x10000xi32>
    %jit3A_135 = arith.constant 0xFF800000 : f32
    %broadcast_in_dim3A_136 = vector.shape_cast %eq3A_134 : vector<1x10000xi1> to vector<1x10000xi1>
    %broadcast_in_dim3A_137 = vector.broadcast %broadcast_in_dim3A_136 : vector<1x10000xi1> to vector<32x10000xi1>
    %broadcast_in_dim3A_138 = vector.broadcast %jit3A_135 : f32 to vector<32x10000xf32>
    %select_n3A_139 = arith.select %broadcast_in_dim3A_137, %max3A_23, %broadcast_in_dim3A_138 : vector<32x10000xi1>, vector<32x10000xf32>
    %reduce_max3A_140 = arith.constant dense<0xFF800000> : vector<32xf32>
    %reduce_max3A_141 = vector.multi_reduction <maximumf>, %select_n3A_139, %reduce_max3A_140 [1] : vector<32x10000xf32> to vector<32xf32>
    %eq3A_142 = arith.constant 12 : i32
    %eq3A_143 = vector.broadcast %eq3A_142 : i32 to vector<1x10000xi32>
    %eq3A_144 = arith.cmpi eq, %get3A_26, %eq3A_143 : vector<1x10000xi32>
    %jit3A_145 = arith.constant 0xFF800000 : f32
    %broadcast_in_dim3A_146 = vector.shape_cast %eq3A_144 : vector<1x10000xi1> to vector<1x10000xi1>
    %broadcast_in_dim3A_147 = vector.broadcast %broadcast_in_dim3A_146 : vector<1x10000xi1> to vector<32x10000xi1>
    %broadcast_in_dim3A_148 = vector.broadcast %jit3A_145 : f32 to vector<32x10000xf32>
    %select_n3A_149 = arith.select %broadcast_in_dim3A_147, %max3A_23, %broadcast_in_dim3A_148 : vector<32x10000xi1>, vector<32x10000xf32>
    %reduce_max3A_150 = arith.constant dense<0xFF800000> : vector<32xf32>
    %reduce_max3A_151 = vector.multi_reduction <maximumf>, %select_n3A_149, %reduce_max3A_150 [1] : vector<32x10000xf32> to vector<32xf32>
    %eq3A_152 = arith.constant 13 : i32
    %eq3A_153 = vector.broadcast %eq3A_152 : i32 to vector<1x10000xi32>
    %eq3A_154 = arith.cmpi eq, %get3A_26, %eq3A_153 : vector<1x10000xi32>
    %jit3A_155 = arith.constant 0xFF800000 : f32
    %broadcast_in_dim3A_156 = vector.shape_cast %eq3A_154 : vector<1x10000xi1> to vector<1x10000xi1>
    %broadcast_in_dim3A_157 = vector.broadcast %broadcast_in_dim3A_156 : vector<1x10000xi1> to vector<32x10000xi1>
    %broadcast_in_dim3A_158 = vector.broadcast %jit3A_155 : f32 to vector<32x10000xf32>
    %select_n3A_159 = arith.select %broadcast_in_dim3A_157, %max3A_23, %broadcast_in_dim3A_158 : vector<32x10000xi1>, vector<32x10000xf32>
    %reduce_max3A_160 = arith.constant dense<0xFF800000> : vector<32xf32>
    %reduce_max3A_161 = vector.multi_reduction <maximumf>, %select_n3A_159, %reduce_max3A_160 [1] : vector<32x10000xf32> to vector<32xf32>
    %eq3A_162 = arith.constant 14 : i32
    %eq3A_163 = vector.broadcast %eq3A_162 : i32 to vector<1x10000xi32>
    %eq3A_164 = arith.cmpi eq, %get3A_26, %eq3A_163 : vector<1x10000xi32>
    %jit3A_165 = arith.constant 0xFF800000 : f32
    %broadcast_in_dim3A_166 = vector.shape_cast %eq3A_164 : vector<1x10000xi1> to vector<1x10000xi1>
    %broadcast_in_dim3A_167 = vector.broadcast %broadcast_in_dim3A_166 : vector<1x10000xi1> to vector<32x10000xi1>
    %broadcast_in_dim3A_168 = vector.broadcast %jit3A_165 : f32 to vector<32x10000xf32>
    %select_n3A_169 = arith.select %broadcast_in_dim3A_167, %max3A_23, %broadcast_in_dim3A_168 : vector<32x10000xi1>, vector<32x10000xf32>
    %reduce_max3A_170 = arith.constant dense<0xFF800000> : vector<32xf32>
    %reduce_max3A_171 = vector.multi_reduction <maximumf>, %select_n3A_169, %reduce_max3A_170 [1] : vector<32x10000xf32> to vector<32xf32>
    %eq3A_172 = arith.constant 15 : i32
    %eq3A_173 = vector.broadcast %eq3A_172 : i32 to vector<1x10000xi32>
    %eq3A_174 = arith.cmpi eq, %get3A_26, %eq3A_173 : vector<1x10000xi32>
    %jit3A_175 = arith.constant 0xFF800000 : f32
    %broadcast_in_dim3A_176 = vector.shape_cast %eq3A_174 : vector<1x10000xi1> to vector<1x10000xi1>
    %broadcast_in_dim3A_177 = vector.broadcast %broadcast_in_dim3A_176 : vector<1x10000xi1> to vector<32x10000xi1>
    %broadcast_in_dim3A_178 = vector.broadcast %jit3A_175 : f32 to vector<32x10000xf32>
    %select_n3A_179 = arith.select %broadcast_in_dim3A_177, %max3A_23, %broadcast_in_dim3A_178 : vector<32x10000xi1>, vector<32x10000xf32>
    %reduce_max3A_180 = arith.constant dense<0xFF800000> : vector<32xf32>
    %reduce_max3A_181 = vector.multi_reduction <maximumf>, %select_n3A_179, %reduce_max3A_180 [1] : vector<32x10000xf32> to vector<32xf32>
    %stack3A = vector.shape_cast %reduce_max3A_31 : vector<32xf32> to vector<1x32xf32>
    %stack3A_182 = vector.shape_cast %reduce_max3A_41 : vector<32xf32> to vector<1x32xf32>
    %stack3A_183 = vector.shape_cast %reduce_max3A_51 : vector<32xf32> to vector<1x32xf32>
    %stack3A_184 = vector.shape_cast %reduce_max3A_61 : vector<32xf32> to vector<1x32xf32>
    %stack3A_185 = vector.shape_cast %reduce_max3A_71 : vector<32xf32> to vector<1x32xf32>
    %stack3A_186 = vector.shape_cast %reduce_max3A_81 : vector<32xf32> to vector<1x32xf32>
    %stack3A_187 = vector.shape_cast %reduce_max3A_91 : vector<32xf32> to vector<1x32xf32>
    %stack3A_188 = vector.shape_cast %reduce_max3A_101 : vector<32xf32> to vector<1x32xf32>
    %stack3A_189 = vector.shape_cast %reduce_max3A_111 : vector<32xf32> to vector<1x32xf32>
    %stack3A_190 = vector.shape_cast %reduce_max3A_121 : vector<32xf32> to vector<1x32xf32>
    %stack3A_191 = vector.shape_cast %reduce_max3A_131 : vector<32xf32> to vector<1x32xf32>
    %stack3A_192 = vector.shape_cast %reduce_max3A_141 : vector<32xf32> to vector<1x32xf32>
    %stack3A_193 = vector.shape_cast %reduce_max3A_151 : vector<32xf32> to vector<1x32xf32>
    %stack3A_194 = vector.shape_cast %reduce_max3A_161 : vector<32xf32> to vector<1x32xf32>
    %stack3A_195 = vector.shape_cast %reduce_max3A_171 : vector<32xf32> to vector<1x32xf32>
    %stack3A_196 = vector.shape_cast %reduce_max3A_181 : vector<32xf32> to vector<1x32xf32>
    %stack3A_197 = tpu.concatenate %stack3A, %stack3A_182, %stack3A_183, %stack3A_184, %stack3A_185, %stack3A_186, %stack3A_187, %stack3A_188, %stack3A_189, %stack3A_190, %stack3A_191, %stack3A_192, %stack3A_193, %stack3A_194, %stack3A_195, %stack3A_196 in 0 : vector<1x32xf32>, vector<1x32xf32>, vector<1x32xf32>, vector<1x32xf32>, vector<1x32xf32>, vector<1x32xf32>, vector<1x32xf32>, vector<1x32xf32>, vector<1x32xf32>, vector<1x32xf32>, vector<1x32xf32>, vector<1x32xf32>, vector<1x32xf32>, vector<1x32xf32>, vector<1x32xf32>, vector<1x32xf32> -> vector<16x32xf32>
    %get3A_198 = arith.constant 0 : index
    %get3A_199 = arith.constant 0 : index
    %get3A_200 = vector.load %arg5[%get3A_198, %get3A_199] : memref<32x32xf32, #tpu.memory_space<vmem>>, vector<32x32xf32>
    %dot_general3A = arith.constant dense<0.000000e+00> : vector<16x32xf32>
    %dot_general3A_201 = tpu.matmul %stack3A_197, %get3A_200, %dot_general3A {dimension_numbers = #tpu.dot_dimension_numbers<[1], [0], [0], [1], [0, 0, 1, 1], [], []>, transpose_lhs_hint = false} : vector<16x32xf32>, vector<32x32xf32>, vector<16x32xf32> -> vector<16x32xf32>
    %get3A_202 = arith.constant 0 : index
    %get3A_203 = arith.constant 0 : index
    %get3A_204 = vector.load %arg6[%get3A_202, %get3A_203] : memref<1x32xf32, #tpu.memory_space<vmem>>, vector<1x32xf32>
    %add3A_205 = vector.broadcast %get3A_204 : vector<1x32xf32> to vector<16x32xf32>
    %add3A_206 = arith.addf %dot_general3A_201, %add3A_205 : vector<16x32xf32>
    %swap3A = arith.constant 0 : index
    %swap3A_207 = arith.constant 0 : index
    %swap3A_208 = vector.load %arg7[%swap3A, %swap3A_207] : memref<16x32xf32, #tpu.memory_space<vmem>>, vector<16x32xf32>
    tpu.vector_store %arg7[%swap3A, %swap3A_207], %add3A_206 {strides = array<i32>} : memref<16x32xf32, #tpu.memory_space<vmem>>, vector<16x32xf32>,
    return
  }
}

</mosaic_0001>

<sc_bundles>
// kernel: kernel.11.cloned.1.call-start
scs
__scs_entry_jumppad:
0x0: {  	(pc) =	sbr.rel $0x88, $3  }
0x1: {  	(tag) =	ssettag $0x0;
	lr =	simm.s32 $0x1  }
0x2: {  	[smem:$0x3F98] =	sst lr;
	_ =	strace $0xD0000000  }
0x3: {  	_ = 	snop  }
0x4: {  	_ = 	snop  }
0x5: {  	_ = 	snop  }
0x6: {  	_ = 	snop  }
0x7: {  	_ = 	snop  }
__scs_overlays_trampoline_lowered:
0x8: {  	[smem:$0x3FA7] =	sst s0  }
0x9: {  	[smem:$0x3FA8] =	sst s1  }
0xa: {  	[smem:$0x3FA9] =	sst s2  }
0xb: {  	[smem:$0x3FAA] =	sst s3  }
0xc: {  	[smem:$0x3FAB] =	sst s4  }
0xd: {  	[smem:$0x3FAC] =	sst s5  }
0xe: {  	[smem:$0x3FAD] =	sst s6  }
0xf: {  	[smem:$0x3FAE] =	sst s7  }
0x10: {  	[smem:$0x3FAF] =	sst s8  }
0x11: {  	[smem:$0x3FB0] =	sst s9;
	s0 =	simm.s32 @!p0 $0x0  }
0x12: {  	s1 =	sld [smem:$0x3F96];
	s0 =	simm.s32 @p0 $0x1  }
0x13: {  	[smem:$0x3FB1] =	sst s0;
	s0 =	simm.s32 @!p1 $0x0  }
0x14: {  	s2 =	sld [smem:$0x3F95];
	s0 =	simm.s32 @p1 $0x1  }
0x15: {  	[smem:$0x3FB2] =	sst s0;
	s0 =	simm.s32 @!p2 $0x0  }
0x16: {  	s3 =	sld [smem:$0x3FDB];
	s0 =	simm.s32 @p2 $0x1  }
0x17: {  	s4 =	simm.s32 $0x1BF5;
	[smem:$0x3FB4] =	sst s0  }
0x18: {  	s0 =	sld [smem:$0x3F97];
	_ =	swait.ge [sflag:s4], $0x0  }
0x19: {  	s7 =	sld [smem:$0x3F98]  }
0x1a: {  	s8 =	sadd.s32 $0xFFFFE003, lr  }
0x1b: {  	s9 =	sadd.s32 $0xFFFFFEF7, lr;
	s5 =	simm.s32 $0xFFFFFFFF;
	p2 =	slt.u32 s8, $0xFFFFF086  }
0x1c: {  	p1 =	slt.u32 s9, $0xF7A;
	s5 =	simm.s32 @!p2 $0x0  }
0x1d: {  	s5 =	simm.s32 @p1 $0x1;
	p0 =	seq.s32 s7, s2  }
0x1e: {  	s7 =	smul.u32 @!p0 $0xF7A, s2;
	p2 =	seq.s32 @!p0 s5, $0x0  }
0x1f: {  	s9 =	smul.u32 $0xF7A, s1;
	s8 =	simm.s32 @!p0 $0x1BF5;
	p2 =	por !p2, p0  }
0x20: {  	[sflag:s8] =	ssyncset.s32 @!p0 $0xFFFFF086;
	s6 =	sadd.s32 @!p0 s3, s7;
	s7 =	simm.s32 @!p0 $0x108  }
0x21: {  	s3 =	sadd.s32 s3, s9;
	s6 =	sadd.s32 @!p0 $0x88, s6;
	s7 =	simm.s32 @p2 $0x1082  }
0x22: {  	[simem:s7], [sflag:s8] =	dma.local @!p0 [hbm:s6], $0xF7A  }
0x23: {  	s9 =	sor.u32 $0xD0000000, s2;
	s6 =	simm.s32 $0x108;
	_ =	swait.ge @!p0 [sflag:s8], $0x0  }
0x24: {  	s3 =	sadd.s32 $0x88, s3;
	s6 =	simm.s32 @!p1 $0x1082;
	[sflag:s4] =	ssyncset.s32 $0xFFFFF086  }
0x25: {  	[simem:s6], [sflag:s4] =	dma.local [hbm:s3], $0xF7A  }
0x26: {  	[smem:$0x3F98] =	sst s1;
	(tag) =	ssettag s2;
	_ =	strace s9  }
0x27: {  	s1 =	sld [smem:$0x3FA8]  }
0x28: {  	s2 =	sld [smem:$0x3FA9]  }
0x29: {  	s4 =	sld [smem:$0x3FAB]  }
0x2a: {  	p0 =	seq.s32 s5, $0x0;
	s5 =	sld [smem:$0x3FAC]  }
0x2b: {  	s6 =	sld [smem:$0x3FAD]  }
0x2c: {  	s7 =	sld [smem:$0x3FAE]  }
0x2d: {  	s3 =	simm.s32 $0x108;
	s8 =	sld [smem:$0x3FAF]  }
0x2e: {  	s3 =	simm.s32 @!p0 $0x1082;
	s9 =	sld [smem:$0x3FB0]  }
0x2f: {  	lr =	sadd.s32 s0, s3;
	s0 =	sld [smem:$0x3FA7]  }
0x30: {  	s3 =	sld [smem:$0x3FAA]  }
0x31: {  	[smem:$0x3FB3] =	sst s10  }
0x32: {  	s10 =	sld [smem:$0x3FB1];
	_ =	sdelay $0x3  }
0x33: {  	p0 =	seq.s32 s10, $0x1;
	s10 =	sld [smem:$0x3FB3];
	_ =	sdelay $0x3  }
0x34: {  	[smem:$0x3FB3] =	sst s10  }
0x35: {  	s10 =	sld [smem:$0x3FB2];
	_ =	sdelay $0x3  }
0x36: {  	p1 =	seq.s32 s10, $0x1;
	s10 =	sld [smem:$0x3FB3];
	_ =	sdelay $0x3  }
0x37: {  	[smem:$0x3FB3] =	sst s10  }
0x38: {  	s10 =	sld [smem:$0x3FB4]  }
0x39: {  	_ = 	snop;
	(pc) =	sbr.ind lr, $3  }
0x3a: {  	_ = 	snop  }
0x3b: {  	_ = 	snop  }
0x3c: {  	p2 =	seq.s32 s10, $0x1;
	s10 =	sld [smem:$0x3FB3]  }
0x3d: {  	_ =	shalt  }
0x3e: {  	_ =	shalt  }
0x3f: {  	_ =	shalt  }
0x40: {  	_ =	shalt  }
0x41: {  	_ =	shalt  }
0x42: {  	_ =	shalt  }
0x43: {  	_ =	shalt  }
0x44: {  	_ =	shalt  }
0x45: {  	_ =	shalt  }
0x46: {  	_ =	shalt  }
0x47: {  	_ =	shalt  }
0x48: {  	_ =	shalt  }
0x49: {  	_ =	shalt  }
0x4a: {  	_ =	shalt  }
0x4b: {  	_ =	shalt  }
0x4c: {  	_ =	shalt  }
0x4d: {  	_ =	shalt  }
0x4e: {  	_ =	shalt  }
0x4f: {  	_ =	shalt  }
0x50: {  	_ =	shalt  }
0x51: {  	_ =	shalt  }
0x52: {  	_ =	shalt  }
0x53: {  	_ =	shalt  }
0x54: {  	_ =	shalt  }
0x55: {  	_ =	shalt  }
0x56: {  	_ =	shalt  }
0x57: {  	_ =	shalt  }
0x58: {  	_ =	shalt  }
0x59: {  	_ =	shalt  }
0x5a: {  	_ =	shalt  }
0x5b: {  	_ =	shalt  }
0x5c: {  	_ =	shalt  }
0x5d: {  	_ =	shalt  }
0x5e: {  	_ =	shalt  }
0x5f: {  	_ =	shalt  }
0x60: {  	_ =	shalt  }
0x61: {  	_ =	shalt  }
0x62: {  	_ =	shalt  }
0x63: {  	_ =	shalt  }
0x64: {  	_ =	shalt  }
0x65: {  	_ =	shalt  }
0x66: {  	_ =	shalt  }
0x67: {  	_ =	shalt  }
0x68: {  	_ =	shalt  }
0x69: {  	_ =	shalt  }
0x6a: {  	_ =	shalt  }
0x6b: {  	_ =	shalt  }
0x6c: {  	_ =	shalt  }
0x6d: {  	_ =	shalt  }
0x6e: {  	_ =	shalt  }
0x6f: {  	_ =	shalt  }
0x70: {  	_ =	shalt  }
0x71: {  	_ =	shalt  }
0x72: {  	_ =	shalt  }
0x73: {  	_ =	shalt  }
0x74: {  	_ =	shalt  }
0x75: {  	_ =	shalt  }
0x76: {  	_ =	shalt  }
0x77: {  	_ =	shalt  }
0x78: {  	_ =	shalt  }
0x79: {  	_ =	shalt  }
0x7a: {  	_ =	shalt  }
0x7b: {  	_ =	shalt  }
0x7c: {  	_ =	shalt  }
0x7d: {  	_ =	shalt  }
0x7e: {  	_ =	shalt  }
0x7f: {  	_ =	shalt  }
0x80: {  	_ =	shalt  }
0x81: {  	_ =	shalt  }
0x82: {  	_ =	shalt  }
0x83: {  	_ =	shalt  }
0x84: {  	_ =	shalt  }
0x85: {  	_ =	shalt  }
0x86: {  	_ =	shalt  }
0x87: {  	_ =	shalt  }
.Lfunc_end0:
.L_simem_size_0:
called_computation.1_lowered:
.L_overlay_start_0:
0x88: {  	s2 =	sld [smem:$0x3FD9]  }
0x89: {  	s3 =	sld [smem:$0x3FFE];
	_ =	sdelay $0x1  }
0x8a: {  	s1 =	srdreg.scid  }
0x8b: {  	s0 =	sand.u32 $0x1, s1  }
0x8c: {  	s16 =	sshll.u32 s0, $0xA;
	s2 =	sadd.s32 s3, s2  }
0x8d: {  	s2 =	sadd.s32 s2, s16  }
0x8e: {  	[smem:$0x3FBF] =	sst s2  }
0x8f: {  	_ = 	snop  }
0x90: {  	(tm) =	ssettm $0x1  }
0x91: {  	s17 =	sld [smem:$0x3FFB];
	_ =	sdelay $0x3  }
0x92: {  	_ =	strace s17  }
0x93: {  	s2 =	sld [smem:$0x3FFC];
	_ =	sdelay $0x3  }
0x94: {  	_ =	strace s2  }
0x95: {  	s2 =	sld [smem:$0x3FFD];
	_ =	sdelay $0x3  }
0x96: {  	_ =	strace s2  }
0x97: {  	_ =	strace $0x8FFFFFFF  }
0x98: {  	s18 =	sld [smem:$0x3FDB];
	_ =	sdelay $0x1  }
0x99: {  	s19 =	simm.s32 $_scs_section_size  }
0x9a: {  	s4 =	simm.s32 $_size__tile_overlayer_lowered;
	s5 =	simm.s32 $_tile_overlayer_lowered  }
0x9b: {  	s22 =	simm.s32 $0x1BFF;
	s21 =	sshll.u32 s5, $0x1;
	s2 =	sadd.s32 s19, s18  }
0x9c: {  	s6 =	simm.s32 $0x0;
	s20 =	sshll.u32 s4, $0x1;
	s4 =	sadd.s32 s21, s2  }
0x9d: {  	[timem:s6], [sflag:s22] =	dma.local [hbm:s4], s20  }
0x9e: {  	_ =	swait.ge [sflag:s22], s20  }
0x9f: {  	s3 =	ssub.s32 $0x0, s20;
	[sflag:s22] =	ssyncset.done $0x0  }
0xa0: {  	[sflag:s22] =	ssyncadd.s32 s3;
	_ =	sdelay $0x1  }
0xa1: {  	s23 =	simm.s32 $0x1B8B  }
0xa2: {  	_ =	swait.ge [sflag:s23], $0x1  }
0xa3: {  	[sflag:s23] =	ssyncset.done $0x0  }
0xa4: {  	s25 =	simm.s32 $0x1B8E;
	s24 =	sld [smem:$0x3FFE];
	[sflag:s23] =	ssyncadd.s32 $0xFFFFFFFF  }
0xa5: {  	s26 =	simm.s32 $execute0_lowered;
	[smem:$0x3FD2] =	sst s25  }
0xa6: {  	s4 =	sshll.u32 s26, $0x1;
	_ =	strace $0x80000049;
	[dreg:$0x1] =	wrdreg $0xFFFFFFFF  }
0xa7: {  	s28 =	simm.s32 $_size_execute0_lowered;
	s2 =	sadd.s32 s2, s4;
	[dreg:$0x0] =	wrdreg $0x0  }
0xa8: {  	s4 =	sshll.u32 s28, $0x1;
	[dreg:$0x2] =	wrdreg s2  }
0xa9: {  	[dreg:$0x3] =	wrdreg s4  }
0xaa: {  	[dreg:$0x4] =	wrdreg $0xC0  }
0xab: {  	_ =	task [dreg:s6], $0x5FFFF  }
0xac: {  	[dreg:$0x1] =	wrdreg $0xFFFFFFFF  }
0xad: {  	[dreg:$0x0] =	wrdreg $0x60  }
0xae: {  	[dreg:$0x2] =	wrdreg s24  }
0xaf: {  	[dreg:$0x3] =	wrdreg $0x150000  }
0xb0: {  	[dreg:$0x4] =	wrdreg $0x9  }
0xb1: {  	_ =	task.clear_ibuf [dreg:s6], $0x5FFFF;
	_ =	strace $0x90000049  }
0xb2: {  	s29 =	simm.s32 $0x9;
	_ =	strace $0x8000004B  }
0xb3: {  	_ =	swait.ge [sflag:s29], $0x1  }
0xb4: {  	[sflag:s29] =	ssyncadd.s32 $0xFFFFFFFF  }
0xb5: {  	_ =	strace $0x9000004B  }
0xb6: {  	_ =	sfence  }
0xb7: {  	s30 =	sld [smem:$0x0];
	_ =	sdelay $0x2  }
0xb8: {  	s31 =	sshll.u32 s1, $0xD;
	s1 =	sshrl.u32 s1, $0x2  }
0xb9: {  	s3 =	sand.u32 $0x4000, s31;
	s1 =	sadd.s32 s1, s30  }
0xba: {  	s0 =	sor.u32 s3, s0;
	s1 =	sshll.u32 s1, $0x11  }
0xbb: {  	s0 =	sor.u32 s1, s0  }
0xbc: {  	s0 =	sadd.s32 $0x8F2B, s0  }
0xbd: {  	[sflag:s0] =	ssyncadd.remote.s32 $0x1  }
0xbe: {  	_ =	sfence.sel $0xFFFF  }
0xbf: {  	[dreg:$0x0] =	wrdreg $0xFFFFFFFF;
	(pc) =	sbr.abs _section_cstart, $3  }
0xc0: {  	[dreg:$0x1] =	wrdreg $0xFFFFFFFF  }
0xc1: {  	_ =	task.clear_ibuf [dreg:s6], $0x2FFFF;
	_ =	strace $0x9FFFFFFF  }
0xc2: {  	(tm) =	ssettm $0x7FFFFFFF  }
0xc3: {  	_ =	shalt  }
tec
execute0_lowered:
.L_overlay_start_1:
0x0: {  	(tag) =	ssettag $0x1  }
0x1: {  	s0 =	srdreg.scid  }
0x2: {  	s3 =	stileid.u32;
	s5 =	rddreg [dreg:$0x0]  }
0x3: {  	s2 =	rddreg [dreg:$0x1];
	s4 =	simm.s32 $0x0;
	s12 =	simm.s32 $0x9  }
0x4: {  	s14 =	simm.s32 $0x80;
	s15 =	simm.s32 $0x5000;
	s16 =	simm.s32 $0x7000  }
0x5: {  	s18 =	simm.s32 $0x9000;
	s20 =	simm.s32 $0xB000;
	s21 =	simm.s32 $0xD000  }
0x6: {  	s28 =	simm.s32 $0x3;
	s29 =	simm.s32 $0x4;
	s30 =	simm.s32 $0x5  }
0x7: {  	s31 =	simm.s32 $0x6;
	s13 =	simm.s32 $0x0;
	s0 =	sand.u32 $0x1, s0  }
0x8: {  	s6 =	smul.u32 $0x9E00, s3;
	[smem:$0x7FF] =	sst s4;
	s4 =	sadd.s32 $0x20600, s5  }
0x9: {  	s8 =	sadd.s32 $0xC200, s5;
	s23 =	sshll.u32 s3, $0x6;
	s1 =	sshll.u32 s0, $0x4  }
0xa: {  	s7 =	smul.u32 $0x9E000, s0;
	_ =	strace $0x8000004A;
	s0 =	ssub.s32 $0x2, s0  }
0xb: {  	[dreg:$0x3] =	wrdreg s8;
	s1 =	sor.u32 s3, s1;
	s22 =	sshrl.u32 s0, $0x1  }
0xc: {  	s24 =	sadd.s32 s6, s2;
	s1 =	smul.u32 $0x500, s1;
	s7 =	sadd.s32 s6, s7  }
0xd: {  	s0 =	ssub.s32 s0, s22;
	s6 =	sor.u32 $0x1C09, s23;
	s11 =	sshrl.u32 s24, $0x3  }
0xe: {  	s22 =	simm.s32 $0xF000;
	s0 =	smax.u32 s0, $0x1;
	s1 =	sadd.s32 s1, s5  }
0xf: {  	s7 =	sshrl.u32 s7, $0x3;
	[dreg:$0x7] =	wrdreg s0;
	s25 =	sadd.s32 $0x16600, s1  }
0x10: {  	s5 =	sadd.s32 s7, s5;
	s1 =	sadd.s32 $0x2200, s1;
	[dreg:$0x4] =	wrdreg s25  }
0x11: {  	s23 =	simm.s32 $0x11000;
	s26 =	sadd.s32 $0x34200, s5;
	[dreg:$0x5] =	wrdreg s1  }
0x12: {  	s24 =	simm.s32 $0x13000;
	s0 =	simm.s32 $0x8;
	[dreg:$0x6] =	wrdreg s26  }
0x13: {  	s25 =	simm.s32 $0x1;
	s26 =	simm.s32 $0x2;
	s1 =	simm.s32 $0x7  }
.LBB2_1:
0x14: {  	s3 =	rddreg [dreg:$0x3]  }
0x15: {  	[spmem:s11], [sflag:s6] =	dma.local [hbm:s3], $0x13C0  }
0x16: {  	_ =	swait.ge [sflag:s12], $0x13C0  }
0x17: {  	[sflag:s12] =	ssyncset.done $0x0  }
0x18: {  	s17 =	simm.s32 $0x0;
	s5 =	rddreg [dreg:$0x4];
	[sflag:s12] =	ssyncadd.s32 $0xFFFFEC40  }
0x19: {  	[tilespmem:s17], [sflag:$0x9] =	stream.linear.gather [hbm4b:s5+s17], $0x2800, $0x38;
	[tilespmem:$0x1EE00] =	vst v63  }
0x1a: {  	_ =	swait.ge [sflag:s12], $0x2800  }
0x1b: {  	[sflag:s12] =	ssyncset.done $0x0  }
0x1c: {  	s7 =	simm.s32 $0x2800;
	s19 =	rddreg [dreg:$0x5];
	[sflag:s12] =	ssyncadd.s32 $0xFFFFD800  }
0x1d: {  	[tilespmem:s7], [sflag:$0x9] =	stream.linear.gather [hbm4b:s19+s17], $0x2800, $0x38;
	[tilespmem:$0x1EE00] =	vst v63  }
0x1e: {  	_ =	swait.ge [sflag:s12], $0x2800  }
0x1f: {  	[sflag:s12] =	ssyncset.done $0x0  }
0x20: {  	[sflag:s12] =	ssyncadd.s32 $0xFFFFD800  }
0x21: {  	[bflag:$0x0] =	sbarrier.arrive $0xFFFF  }
0x22: {  	[tilespmem:s15], [sflag:$0x1] =	stream.indirect.gather [hbm4b:s4+s14], $0x40, s17, s14, $0xb8;
	[tilespmem:$0x1EE00] =	vst v63  }
0x23: {  	_ = 	snop  }
0x24: {  	[tilespmem:s16], [sflag:$0x2] =	stream.indirect.gather [hbm4b:s4+s14], $0x40, s14, s14, $0xb8;
	[tilespmem:$0x1EE00] =	vst v63  }
0x25: {  	s5 =	simm.s32 $0x100  }
0x26: {  	[tilespmem:s18], [sflag:$0x3] =	stream.indirect.gather [hbm4b:s4+s14], $0x40, s5, s14, $0xb8;
	[tilespmem:$0x1EE00] =	vst v63  }
0x27: {  	s7 =	simm.s32 $0x180  }
0x28: {  	[tilespmem:s20], [sflag:$0x4] =	stream.indirect.gather [hbm4b:s4+s14], $0x40, s7, s14, $0xb8;
	[tilespmem:$0x1EE00] =	vst v63  }
0x29: {  	s8 =	simm.s32 $0x200  }
0x2a: {  	[tilespmem:s21], [sflag:$0x5] =	stream.indirect.gather [hbm4b:s4+s14], $0x40, s8, s14, $0xb8;
	[tilespmem:$0x1EE00] =	vst v63  }
0x2b: {  	s9 =	simm.s32 $0x280  }
0x2c: {  	[tilespmem:s22], [sflag:$0x6] =	stream.indirect.gather [hbm4b:s4+s14], $0x40, s9, s14, $0xb8;
	[tilespmem:$0x1EE00] =	vst v63  }
0x2d: {  	s10 =	simm.s32 $0x300  }
0x2e: {  	[tilespmem:s23], [sflag:$0x7] =	stream.indirect.gather [hbm4b:s4+s14], $0x40, s10, s14, $0xb8;
	[tilespmem:$0x1EE00] =	vst v63  }
0x2f: {  	s17 =	simm.s32 $0x380  }
0x30: {  	[tilespmem:s24], [sflag:$0x8] =	stream.indirect.gather [hbm4b:s4+s14], $0x40, s17, s14, $0xb8;
	[tilespmem:$0x1EE00] =	vst v63  }
0x31: {  	_ =	swait.ge [sflag:s25], $0x2000  }
0x32: {  	[sflag:s25] =	ssyncset.done $0x0  }
0x33: {  	s19 =	simm.s32 $0x2800;
	[sflag:s25] =	ssyncadd.s32 $0xFFFFE000  }
0x34: {  	[spmem:s2] =	stream.indirect.scatter.add.f32 [tilespmem:s15], [sflag:$0x9], $0x40, s19, s14, $0xb8;
	[tilespmem:$0x1EE00] =	vst v63  }
0x35: {  	_ =	swait.ge [sflag:s12], $0x2000  }
0x36: {  	[sflag:s12] =	ssyncset.done $0x0  }
0x37: {  	[sflag:s12] =	ssyncadd.s32 $0xFFFFE000  }
0x38: {  	_ =	swait.ge [sflag:s26], $0x2000  }
0x39: {  	[sflag:s26] =	ssyncset.done $0x0  }
0x3a: {  	s3 =	simm.s32 $0x2880;
	[sflag:s26] =	ssyncadd.s32 $0xFFFFE000  }
0x3b: {  	[spmem:s2] =	stream.indirect.scatter.add.f32 [tilespmem:s16], [sflag:$0x9], $0x40, s3, s14, $0xb8;
	[tilespmem:$0x1EE00] =	vst v63  }
0x3c: {  	_ =	swait.ge [sflag:s12], $0x2000  }
0x3d: {  	[sflag:s12] =	ssyncset.done $0x0  }
0x3e: {  	[sflag:s12] =	ssyncadd.s32 $0xFFFFE000  }
0x3f: {  	_ =	swait.ge [sflag:s28], $0x2000  }
0x40: {  	[sflag:s28] =	ssyncset.done $0x0  }
0x41: {  	s7 =	simm.s32 $0x2900;
	[sflag:s28] =	ssyncadd.s32 $0xFFFFE000  }
0x42: {  	[spmem:s2] =	stream.indirect.scatter.add.f32 [tilespmem:s18], [sflag:$0x9], $0x40, s7, s14, $0xb8;
	[tilespmem:$0x1EE00] =	vst v63  }
0x43: {  	_ =	swait.ge [sflag:s12], $0x2000  }
0x44: {  	[sflag:s12] =	ssyncset.done $0x0  }
0x45: {  	[sflag:s12] =	ssyncadd.s32 $0xFFFFE000  }
0x46: {  	_ =	swait.ge [sflag:s29], $0x2000  }
0x47: {  	[sflag:s29] =	ssyncset.done $0x0  }
0x48: {  	s8 =	simm.s32 $0x2980;
	[sflag:s29] =	ssyncadd.s32 $0xFFFFE000  }
0x49: {  	[spmem:s2] =	stream.indirect.scatter.add.f32 [tilespmem:s20], [sflag:$0x9], $0x40, s8, s14, $0xb8;
	[tilespmem:$0x1EE00] =	vst v63  }
0x4a: {  	p0 =	por $0x0, $0x0;
	_ =	swait.ge [sflag:s12], $0x2000  }
0x4b: {  	s5 =	simm.s32 @!p0 $0x5000;
	[sflag:s12] =	ssyncset.done $0x0  }
0x4c: {  	s17 =	simm.s32 @!p0 $0x80;
	s7 =	simm.s32 @!p0 $0x400;
	[sflag:s12] =	ssyncadd.s32 $0xFFFFE000  }
0x4d: {  	[tilespmem:s5], [sflag:$0x1] =	stream.indirect.gather @!p0 [hbm4b:s4+s17], $0x40, s7, s17, $0xb8;
	[tilespmem:$0x1EE00] =	vst v63  }
0x4e: {  	s5 =	simm.s32 @!p0 $0x480;
	s7 =	simm.s32 @!p0 $0x7000  }
0x4f: {  	[tilespmem:s7], [sflag:$0x2] =	stream.indirect.gather @!p0 [hbm4b:s4+s17], $0x40, s5, s17, $0xb8;
	[tilespmem:$0x1EE00] =	vst v63  }
0x50: {  	s5 =	simm.s32 @!p0 $0x500;
	s7 =	simm.s32 @!p0 $0x9000  }
0x51: {  	[tilespmem:s7], [sflag:$0x3] =	stream.indirect.gather @!p0 [hbm4b:s4+s17], $0x40, s5, s17, $0xb8;
	[tilespmem:$0x1EE00] =	vst v63  }
0x52: {  	s5 =	simm.s32 @!p0 $0x580;
	s7 =	simm.s32 @!p0 $0xB000  }
0x53: {  	[tilespmem:s7], [sflag:$0x4] =	stream.indirect.gather @!p0 [hbm4b:s4+s17], $0x40, s5, s17, $0xb8;
	[tilespmem:$0x1EE00] =	vst v63  }
0x54: {  	_ =	swait.ge [sflag:s30], $0x2000  }
0x55: {  	[sflag:s30] =	ssyncset.done $0x0  }
0x56: {  	s9 =	simm.s32 $0x2A00;
	[sflag:s30] =	ssyncadd.s32 $0xFFFFE000  }
0x57: {  	[spmem:s2] =	stream.indirect.scatter.add.f32 [tilespmem:s21], [sflag:$0x9], $0x40, s9, s14, $0xb8;
	[tilespmem:$0x1EE00] =	vst v63  }
0x58: {  	_ =	swait.ge [sflag:s12], $0x2000  }
0x59: {  	[sflag:s12] =	ssyncset.done $0x0  }
0x5a: {  	[sflag:s12] =	ssyncadd.s32 $0xFFFFE000  }
0x5b: {  	_ =	swait.ge [sflag:s31], $0x2000  }
0x5c: {  	[sflag:s31] =	ssyncset.done $0x0  }
0x5d: {  	s10 =	simm.s32 $0x2A80;
	[sflag:s31] =	ssyncadd.s32 $0xFFFFE000  }
0x5e: {  	[spmem:s2] =	stream.indirect.scatter.add.f32 [tilespmem:s22], [sflag:$0x9], $0x40, s10, s14, $0xb8;
	[tilespmem:$0x1EE00] =	vst v63  }
0x5f: {  	_ =	swait.ge [sflag:s12], $0x2000  }
0x60: {  	[sflag:s12] =	ssyncset.done $0x0  }
0x61: {  	[sflag:s12] =	ssyncadd.s32 $0xFFFFE000  }
0x62: {  	_ =	swait.ge [sflag:s1], $0x2000  }
0x63: {  	[sflag:s1] =	ssyncset.done $0x0  }
0x64: {  	s17 =	simm.s32 $0x2B00;
	[sflag:s1] =	ssyncadd.s32 $0xFFFFE000  }
0x65: {  	[spmem:s2] =	stream.indirect.scatter.add.f32 [tilespmem:s23], [sflag:$0x9], $0x40, s17, s14, $0xb8;
	[tilespmem:$0x1EE00] =	vst v63  }
0x66: {  	_ =	swait.ge [sflag:s12], $0x2000  }
0x67: {  	[sflag:s12] =	ssyncset.done $0x0  }
0x68: {  	[sflag:s12] =	ssyncadd.s32 $0xFFFFE000  }
0x69: {  	_ =	swait.ge [sflag:s0], $0x2000  }
0x6a: {  	[sflag:s0] =	ssyncset.done $0x0  }
0x6b: {  	s19 =	simm.s32 $0x2B80;
	[sflag:s0] =	ssyncadd.s32 $0xFFFFE000  }
0x6c: {  	[spmem:s2] =	stream.indirect.scatter.add.f32 [tilespmem:s24], [sflag:$0x9], $0x40, s19, s14, $0xb8;
	[tilespmem:$0x1EE00] =	vst v63  }
0x6d: {  	s5 =	simm.s32 $0x2000;
	_ =	swait.ge [sflag:s12], $0x2000  }
0x6e: {  	s17 =	simm.s32 $0x400;
	s19 =	simm.s32 $0x1000;
	[sflag:s12] =	ssyncset.done $0x0  }
.LBB2_2:
0x6f: {  	s8 =	sadd.s32 $0x200, s17  }
0x70: {  	[sflag:s12] =	ssyncadd.s32 $0xFFFFE000;
	s7 =	smov.u32 s5;
	s5 =	sadd.s32 $0x1000, s5  }
0x71: {  	[tilespmem:s21], [sflag:$0x5] =	stream.indirect.gather [hbm4b:s4+s14], $0x40, s8, s14, $0xb8;
	[tilespmem:$0x1EE00] =	vst v63  }
0x72: {  	p0 =	sne.s32 s5, $0xA000;
	s8 =	sadd.s32 $0x280, s17  }
0x73: {  	[tilespmem:s22], [sflag:$0x6] =	stream.indirect.gather [hbm4b:s4+s14], $0x40, s8, s14, $0xb8;
	[tilespmem:$0x1EE00] =	vst v63  }
0x74: {  	s8 =	sadd.s32 $0x300, s17  }
0x75: {  	[tilespmem:s23], [sflag:$0x7] =	stream.indirect.gather [hbm4b:s4+s14], $0x40, s8, s14, $0xb8;
	[tilespmem:$0x1EE00] =	vst v63  }
0x76: {  	s8 =	sadd.s32 $0x380, s17  }
0x77: {  	[tilespmem:s24], [sflag:$0x8] =	stream.indirect.gather [hbm4b:s4+s14], $0x40, s8, s14, $0xb8;
	[tilespmem:$0x1EE00] =	vst v63  }
0x78: {  	_ =	swait.ge [sflag:s25], $0x2000  }
0x79: {  	[sflag:s25] =	ssyncset.done $0x0  }
0x7a: {  	s8 =	sadd.s32 $0x2800, s17;
	[sflag:s25] =	ssyncadd.s32 $0xFFFFE000  }
0x7b: {  	[spmem:s2] =	stream.indirect.scatter.add.f32 [tilespmem:s15], [sflag:$0x9], $0x40, s8, s14, $0xb8;
	[tilespmem:$0x1EE00] =	vst v63  }
0x7c: {  	_ =	swait.ge [sflag:s12], $0x2000  }
0x7d: {  	[sflag:s12] =	ssyncset.done $0x0  }
0x7e: {  	[sflag:s12] =	ssyncadd.s32 $0xFFFFE000  }
0x7f: {  	_ =	swait.ge [sflag:s26], $0x2000  }
0x80: {  	[sflag:s26] =	ssyncset.done $0x0  }
0x81: {  	s8 =	sadd.s32 $0x2880, s17;
	[sflag:s26] =	ssyncadd.s32 $0xFFFFE000  }
0x82: {  	[spmem:s2] =	stream.indirect.scatter.add.f32 [tilespmem:s16], [sflag:$0x9], $0x40, s8, s14, $0xb8;
	[tilespmem:$0x1EE00] =	vst v63  }
0x83: {  	_ =	swait.ge [sflag:s12], $0x2000  }
0x84: {  	[sflag:s12] =	ssyncset.done $0x0  }
0x85: {  	[sflag:s12] =	ssyncadd.s32 $0xFFFFE000  }
0x86: {  	_ =	swait.ge [sflag:s28], $0x2000  }
0x87: {  	[sflag:s28] =	ssyncset.done $0x0  }
0x88: {  	s8 =	sadd.s32 $0x2900, s17;
	[sflag:s28] =	ssyncadd.s32 $0xFFFFE000  }
0x89: {  	[spmem:s2] =	stream.indirect.scatter.add.f32 [tilespmem:s18], [sflag:$0x9], $0x40, s8, s14, $0xb8;
	[tilespmem:$0x1EE00] =	vst v63  }
0x8a: {  	_ =	swait.ge [sflag:s12], $0x2000  }
0x8b: {  	[sflag:s12] =	ssyncset.done $0x0  }
0x8c: {  	[sflag:s12] =	ssyncadd.s32 $0xFFFFE000  }
0x8d: {  	_ =	swait.ge [sflag:s29], $0x2000  }
0x8e: {  	[sflag:s29] =	ssyncset.done $0x0  }
0x8f: {  	s8 =	sadd.s32 $0x2980, s17;
	[sflag:s29] =	ssyncadd.s32 $0xFFFFE000  }
0x90: {  	[spmem:s2] =	stream.indirect.scatter.add.f32 [tilespmem:s20], [sflag:$0x9], $0x40, s8, s14, $0xb8;
	[tilespmem:$0x1EE00] =	vst v63  }
0x91: {  	p1 =	seq.s32 s19, $0x9000;
	_ =	swait.ge [sflag:s12], $0x2000  }
0x92: {  	s8 =	sshra.s32 @!p1 s19, $0x2;
	s19 =	simm.s32 @!p1 $0x5000;
	[sflag:s12] =	ssyncset.done $0x0  }
0x93: {  	s10 =	simm.s32 @!p1 $0x80;
	s9 =	sadd.s32 @!p1 $0x400, s8;
	[sflag:s12] =	ssyncadd.s32 $0xFFFFE000  }
0x94: {  	[tilespmem:s19], [sflag:$0x1] =	stream.indirect.gather @!p1 [hbm4b:s4+s10], $0x40, s9, s10, $0xb8;
	[tilespmem:$0x1EE00] =	vst v63  }
0x95: {  	s3 =	sadd.s32 @!p1 $0x500, s8;
	s9 =	sadd.s32 @!p1 $0x480, s8;
	s19 =	simm.s32 @!p1 $0x7000  }
0x96: {  	[tilespmem:s19], [sflag:$0x2] =	stream.indirect.gather @!p1 [hbm4b:s4+s10], $0x40, s9, s10, $0xb8;
	[tilespmem:$0x1EE00] =	vst v63  }
0x97: {  	s8 =	sadd.s32 @!p1 $0x580, s8;
	s9 =	simm.s32 @!p1 $0x9000;
	s19 =	smov.u32 s7  }
0x98: {  	[tilespmem:s9], [sflag:$0x3] =	stream.indirect.gather @!p1 [hbm4b:s4+s10], $0x40, s3, s10, $0xb8;
	[tilespmem:$0x1EE00] =	vst v63  }
0x99: {  	s3 =	simm.s32 @!p1 $0xB000  }
0x9a: {  	[tilespmem:s3], [sflag:$0x4] =	stream.indirect.gather @!p1 [hbm4b:s4+s10], $0x40, s8, s10, $0xb8;
	[tilespmem:$0x1EE00] =	vst v63  }
0x9b: {  	_ =	swait.ge [sflag:s30], $0x2000  }
0x9c: {  	[sflag:s30] =	ssyncset.done $0x0  }
0x9d: {  	s3 =	sadd.s32 $0x2A00, s17;
	[sflag:s30] =	ssyncadd.s32 $0xFFFFE000  }
0x9e: {  	[spmem:s2] =	stream.indirect.scatter.add.f32 [tilespmem:s21], [sflag:$0x9], $0x40, s3, s14, $0xb8;
	[tilespmem:$0x1EE00] =	vst v63  }
0x9f: {  	_ =	swait.ge [sflag:s12], $0x2000  }
0xa0: {  	[sflag:s12] =	ssyncset.done $0x0  }
0xa1: {  	[sflag:s12] =	ssyncadd.s32 $0xFFFFE000  }
0xa2: {  	_ =	swait.ge [sflag:s31], $0x2000  }
0xa3: {  	[sflag:s31] =	ssyncset.done $0x0  }
0xa4: {  	s3 =	sadd.s32 $0x2A80, s17;
	[sflag:s31] =	ssyncadd.s32 $0xFFFFE000  }
0xa5: {  	[spmem:s2] =	stream.indirect.scatter.add.f32 [tilespmem:s22], [sflag:$0x9], $0x40, s3, s14, $0xb8;
	[tilespmem:$0x1EE00] =	vst v63  }
0xa6: {  	_ =	swait.ge [sflag:s12], $0x2000  }
0xa7: {  	[sflag:s12] =	ssyncset.done $0x0  }
0xa8: {  	[sflag:s12] =	ssyncadd.s32 $0xFFFFE000  }
0xa9: {  	_ =	swait.ge [sflag:s1], $0x2000  }
0xaa: {  	[sflag:s1] =	ssyncset.done $0x0  }
0xab: {  	s3 =	sadd.s32 $0x2B00, s17;
	[sflag:s1] =	ssyncadd.s32 $0xFFFFE000  }
0xac: {  	[spmem:s2] =	stream.indirect.scatter.add.f32 [tilespmem:s23], [sflag:$0x9], $0x40, s3, s14, $0xb8;
	[tilespmem:$0x1EE00] =	vst v63  }
0xad: {  	_ =	swait.ge [sflag:s12], $0x2000  }
0xae: {  	[sflag:s12] =	ssyncset.done $0x0  }
0xaf: {  	[sflag:s12] =	ssyncadd.s32 $0xFFFFE000  }
0xb0: {  	_ =	swait.ge [sflag:s0], $0x2000  }
.Ltmp0:
0xb1: {  	[sflag:s0] =	ssyncset.done $0x0;
	(pc) =	sbr.rel @p0 .LBB2_2-.Ltmp0, $4  }
0xb2: {  	s3 =	sadd.s32 $0x2B80, s17;
	[sflag:s0] =	ssyncadd.s32 $0xFFFFE000  }
0xb3: {  	[spmem:s2] =	stream.indirect.scatter.add.f32 [tilespmem:s24], [sflag:$0x9], $0x40, s3, s14, $0xb8;
	[tilespmem:$0x1EE00] =	vst v63  }
0xb4: {  	_ =	swait.ge [sflag:s12], $0x2000  }
0xb5: {  	s17 =	sshra.s32 s19, $0x2;
	[sflag:s12] =	ssyncset.done $0x0  }
0xb6: {  	s3 =	sadd.s32 $0x200, s17;
	[sflag:s12] =	ssyncadd.s32 $0xFFFFE000  }
0xb7: {  	[tilespmem:s21], [sflag:$0x5] =	stream.indirect.gather [hbm4b:s4+s14], $0x40, s3, s14, $0xb8;
	[tilespmem:$0x1EE00] =	vst v63  }
0xb8: {  	s10 =	sadd.s32 $0x280, s17  }
0xb9: {  	[tilespmem:s22], [sflag:$0x6] =	stream.indirect.gather [hbm4b:s4+s14], $0x40, s10, s14, $0xb8;
	[tilespmem:$0x1EE00] =	vst v63  }
0xba: {  	s5 =	sadd.s32 $0x300, s17  }
0xbb: {  	[tilespmem:s23], [sflag:$0x7] =	stream.indirect.gather [hbm4b:s4+s14], $0x40, s5, s14, $0xb8;
	[tilespmem:$0x1EE00] =	vst v63  }
0xbc: {  	s7 =	sadd.s32 $0x380, s17  }
0xbd: {  	[tilespmem:s24], [sflag:$0x8] =	stream.indirect.gather [hbm4b:s4+s14], $0x40, s7, s14, $0xb8;
	[tilespmem:$0x1EE00] =	vst v63  }
0xbe: {  	_ =	swait.ge [sflag:s25], $0x2000  }
0xbf: {  	[sflag:s25] =	ssyncset.done $0x0  }
0xc0: {  	s8 =	sadd.s32 $0x2800, s17;
	[sflag:s25] =	ssyncadd.s32 $0xFFFFE000  }
0xc1: {  	[spmem:s2] =	stream.indirect.scatter.add.f32 [tilespmem:s15], [sflag:$0x9], $0x40, s8, s14, $0xb8;
	[tilespmem:$0x1EE00] =	vst v63  }
0xc2: {  	_ =	swait.ge [sflag:s12], $0x2000  }
0xc3: {  	[sflag:s12] =	ssyncset.done $0x0  }
0xc4: {  	[sflag:s12] =	ssyncadd.s32 $0xFFFFE000  }
0xc5: {  	_ =	swait.ge [sflag:s26], $0x2000  }
0xc6: {  	[sflag:s26] =	ssyncset.done $0x0  }
0xc7: {  	s9 =	sadd.s32 $0x2880, s17;
	[sflag:s26] =	ssyncadd.s32 $0xFFFFE000  }
0xc8: {  	[spmem:s2] =	stream.indirect.scatter.add.f32 [tilespmem:s16], [sflag:$0x9], $0x40, s9, s14, $0xb8;
	[tilespmem:$0x1EE00] =	vst v63  }
0xc9: {  	_ =	swait.ge [sflag:s12], $0x2000  }
0xca: {  	[sflag:s12] =	ssyncset.done $0x0  }
0xcb: {  	[sflag:s12] =	ssyncadd.s32 $0xFFFFE000  }
0xcc: {  	_ =	swait.ge [sflag:s28], $0x2000  }
0xcd: {  	[sflag:s28] =	ssyncset.done $0x0  }
0xce: {  	s10 =	sadd.s32 $0x2900, s17;
	[sflag:s28] =	ssyncadd.s32 $0xFFFFE000  }
0xcf: {  	[spmem:s2] =	stream.indirect.scatter.add.f32 [tilespmem:s18], [sflag:$0x9], $0x40, s10, s14, $0xb8;
	[tilespmem:$0x1EE00] =	vst v63  }
0xd0: {  	_ =	swait.ge [sflag:s12], $0x2000  }
0xd1: {  	[sflag:s12] =	ssyncset.done $0x0  }
0xd2: {  	[sflag:s12] =	ssyncadd.s32 $0xFFFFE000  }
0xd3: {  	_ =	swait.ge [sflag:s29], $0x2000  }
0xd4: {  	[sflag:s29] =	ssyncset.done $0x0  }
0xd5: {  	p0 =	seq.s32 s19, $0x9000;
	s5 =	sadd.s32 $0x2980, s17;
	[sflag:s29] =	ssyncadd.s32 $0xFFFFE000  }
0xd6: {  	[spmem:s2] =	stream.indirect.scatter.add.f32 [tilespmem:s20], [sflag:$0x9], $0x40, s5, s14, $0xb8;
	[tilespmem:$0x1EE00] =	vst v63  }
0xd7: {  	s3 =	sshra.s32 @!p0 s19, $0x2;
	_ =	swait.ge [sflag:s12], $0x2000  }
0xd8: {  	s7 =	sadd.s32 @!p0 $0x400, s3;
	[sflag:s12] =	ssyncset.done $0x0  }
0xd9: {  	s8 =	simm.s32 @!p0 $0x80;
	s5 =	simm.s32 @!p0 $0x5000;
	[sflag:s12] =	ssyncadd.s32 $0xFFFFE000  }
0xda: {  	[tilespmem:s5], [sflag:$0x1] =	stream.indirect.gather @!p0 [hbm4b:s4+s8], $0x40, s7, s8, $0xb8;
	[tilespmem:$0x1EE00] =	vst v63  }
0xdb: {  	s5 =	sadd.s32 @!p0 $0x480, s3;
	s7 =	simm.s32 @!p0 $0x7000  }
0xdc: {  	[tilespmem:s7], [sflag:$0x2] =	stream.indirect.gather @!p0 [hbm4b:s4+s8], $0x40, s5, s8, $0xb8;
	[tilespmem:$0x1EE00] =	vst v63  }
0xdd: {  	s5 =	sadd.s32 @!p0 $0x500, s3;
	s7 =	simm.s32 @!p0 $0x9000  }
0xde: {  	[tilespmem:s7], [sflag:$0x3] =	stream.indirect.gather @!p0 [hbm4b:s4+s8], $0x40, s5, s8, $0xb8;
	[tilespmem:$0x1EE00] =	vst v63  }
0xdf: {  	s3 =	sadd.s32 @!p0 $0x580, s3;
	s5 =	simm.s32 @!p0 $0xB000  }
0xe0: {  	[tilespmem:s5], [sflag:$0x4] =	stream.indirect.gather @!p0 [hbm4b:s4+s8], $0x40, s3, s8, $0xb8;
	[tilespmem:$0x1EE00] =	vst v63  }
0xe1: {  	_ =	swait.ge [sflag:s30], $0x2000  }
0xe2: {  	[sflag:s30] =	ssyncset.done $0x0  }
0xe3: {  	s7 =	sadd.s32 $0x2A00, s17;
	[sflag:s30] =	ssyncadd.s32 $0xFFFFE000  }
0xe4: {  	[spmem:s2] =	stream.indirect.scatter.add.f32 [tilespmem:s21], [sflag:$0x9], $0x40, s7, s14, $0xb8;
	[tilespmem:$0x1EE00] =	vst v63  }
0xe5: {  	_ =	swait.ge [sflag:s12], $0x2000  }
0xe6: {  	[sflag:s12] =	ssyncset.done $0x0  }
0xe7: {  	[sflag:s12] =	ssyncadd.s32 $0xFFFFE000  }
0xe8: {  	_ =	swait.ge [sflag:s31], $0x2000  }
0xe9: {  	[sflag:s31] =	ssyncset.done $0x0  }
0xea: {  	s8 =	sadd.s32 $0x2A80, s17;
	[sflag:s31] =	ssyncadd.s32 $0xFFFFE000  }
0xeb: {  	[spmem:s2] =	stream.indirect.scatter.add.f32 [tilespmem:s22], [sflag:$0x9], $0x40, s8, s14, $0xb8;
	[tilespmem:$0x1EE00] =	vst v63  }
0xec: {  	_ =	swait.ge [sflag:s12], $0x2000  }
0xed: {  	[sflag:s12] =	ssyncset.done $0x0  }
0xee: {  	[sflag:s12] =	ssyncadd.s32 $0xFFFFE000  }
0xef: {  	_ =	swait.ge [sflag:s1], $0x2000  }
0xf0: {  	[sflag:s1] =	ssyncset.done $0x0  }
0xf1: {  	s9 =	sadd.s32 $0x2B00, s17;
	[sflag:s1] =	ssyncadd.s32 $0xFFFFE000  }
0xf2: {  	[spmem:s2] =	stream.indirect.scatter.add.f32 [tilespmem:s23], [sflag:$0x9], $0x40, s9, s14, $0xb8;
	[tilespmem:$0x1EE00] =	vst v63  }
0xf3: {  	_ =	swait.ge [sflag:s12], $0x2000  }
0xf4: {  	[sflag:s12] =	ssyncset.done $0x0  }
0xf5: {  	[sflag:s12] =	ssyncadd.s32 $0xFFFFE000  }
0xf6: {  	_ =	swait.ge [sflag:s0], $0x2000  }
0xf7: {  	[sflag:s0] =	ssyncset.done $0x0  }
0xf8: {  	s10 =	sadd.s32 $0x2B80, s17;
	[sflag:s0] =	ssyncadd.s32 $0xFFFFE000  }
0xf9: {  	[spmem:s2] =	stream.indirect.scatter.add.f32 [tilespmem:s24], [sflag:$0x9], $0x40, s10, s14, $0xb8;
	[tilespmem:$0x1EE00] =	vst v63  }
0xfa: {  	_ =	swait.ge [sflag:s12], $0x2000  }
0xfb: {  	[sflag:s12] =	ssyncset.done $0x0  }
0xfc: {  	[sflag:s12] =	ssyncadd.s32 $0xFFFFE000  }
0xfd: {  	[bflag:$0x0] =	sbarrier.arrive $0xFFFF  }
0xfe: {  	s17 =	rddreg [dreg:$0x6]  }
0xff: {  	[hbm:s17], [sflag:s6] =	dma.local [spmem:s11], $0x13C0  }
0x100: {  	_ =	swait.ge [sflag:s12], $0x13C0  }
0x101: {  	s13 =	sadd.s32 $0x1, s13;
	s19 =	rddreg [dreg:$0x7]  }
0x102: {  	p0 =	sne.s32 s13, s19  }
.Ltmp1:
0x103: {  	_ = 	snop;
	(pc) =	sbr.rel @p0 .LBB2_1-.Ltmp1, $3  }
0x104: {  	_ =	sdelay $0x1  }
0x105: {  	[sflag:s12] =	ssyncset.done $0x0  }
0x106: {  	[sflag:s12] =	ssyncadd.s32 $0xFFFFEC40  }
0x107: {  	_ =	sfence.sel $0x180000  }
0x108: {  	[bflag:$0x0] =	sbarrier.arrive $0xFFFF  }
0x109: {  	_ =	strace $0x9000004A  }
0x10a: {  	s0 =	stileid.u32;
	[bflag:$0x2] =	sbarrier.arrive $0xFFFF  }
0x10b: {  	p0 =	sne.s32 s0, $0x0;
	s0 =	rddreg [dreg:$0x2]  }
0x10c: {  	s0 =	sadd.s32 @!p0 $0x100000, s0  }
0x10d: {  	[sflag:s0] =	ssyncadd.tile.s32 @!p0 $0x1;
	_ =	shalt  }
.Lfunc_end2:
_tile_overlayer_lowered:
.L_overlay_start_2:
0x10e: {  	(tag) =	ssettag $0x2  }
0x10f: {  	s0 =	rddreg [dreg:$0x0];
	s2 =	stileid.u32  }
0x110: {  	s1 =	rddreg [dreg:$0x1];
	p0 =	sne.s32 s2, $0x0  }
0x111: {  	s3 =	rddreg [dreg:$0x2];
	[bflag:$0x3] =	sbarrier.arrive $0xFFFF;
	s2 =	simm.s32 @!p0 $0x1C09  }
0x112: {  	[timem:s3], [sflag:s2] =	dma.local @!p0 [hbm:s0], s1  }
0x113: {  	s0 =	simm.s32 @!p0 $0x9  }
0x114: {  	_ =	swait.ge @!p0 [sflag:s0], s1  }
0x115: {  	s1 =	ssub.s32 @!p0 $0x0, s1;
	[sflag:s0] =	ssyncset.done @!p0 $0x0  }
0x116: {  	[sflag:s0] =	ssyncadd.s32 @!p0 s1  }
0x117: {  	[bflag:$0x3] =	sbarrier.arrive $0xFFFF  }
0x118: {  	_ =	shalt  }

// kernel: kernel.14.cloned.1.call-start
scs
__scs_entry_jumppad:
0x0: {  	(pc) =	sbr.rel $0x88, $3  }
0x1: {  	(tag) =	ssettag $0x0;
	lr =	simm.s32 $0x1  }
0x2: {  	[smem:$0x3F98] =	sst lr;
	_ =	strace $0xD0000000  }
0x3: {  	_ = 	snop  }
0x4: {  	_ = 	snop  }
0x5: {  	_ = 	snop  }
0x6: {  	_ = 	snop  }
0x7: {  	_ = 	snop  }
__scs_overlays_trampoline_lowered:
0x8: {  	[smem:$0x3FA7] =	sst s0  }
0x9: {  	[smem:$0x3FA8] =	sst s1  }
0xa: {  	[smem:$0x3FA9] =	sst s2  }
0xb: {  	[smem:$0x3FAA] =	sst s3  }
0xc: {  	[smem:$0x3FAB] =	sst s4  }
0xd: {  	[smem:$0x3FAC] =	sst s5  }
0xe: {  	[smem:$0x3FAD] =	sst s6  }
0xf: {  	[smem:$0x3FAE] =	sst s7  }
0x10: {  	[smem:$0x3FAF] =	sst s8  }
0x11: {  	[smem:$0x3FB0] =	sst s9;
	s0 =	simm.s32 @!p0 $0x0  }
0x12: {  	s1 =	sld [smem:$0x3F96];
	s0 =	simm.s32 @p0 $0x1  }
0x13: {  	[smem:$0x3FB1] =	sst s0;
	s0 =	simm.s32 @!p1 $0x0  }
0x14: {  	s2 =	sld [smem:$0x3F95];
	s0 =	simm.s32 @p1 $0x1  }
0x15: {  	[smem:$0x3FB2] =	sst s0;
	s0 =	simm.s32 @!p2 $0x0  }
0x16: {  	s3 =	sld [smem:$0x3FDB];
	s0 =	simm.s32 @p2 $0x1  }
0x17: {  	s4 =	simm.s32 $0x1BF5;
	[smem:$0x3FB4] =	sst s0  }
0x18: {  	s0 =	sld [smem:$0x3F97];
	_ =	swait.ge [sflag:s4], $0x0  }
0x19: {  	s7 =	sld [smem:$0x3F98]  }
0x1a: {  	s8 =	sadd.s32 $0xFFFFE003, lr  }
0x1b: {  	s9 =	sadd.s32 $0xFFFFFEF7, lr;
	s5 =	simm.s32 $0xFFFFFFFF;
	p2 =	slt.u32 s8, $0xFFFFF086  }
0x1c: {  	p1 =	slt.u32 s9, $0xF7A;
	s5 =	simm.s32 @!p2 $0x0  }
0x1d: {  	s5 =	simm.s32 @p1 $0x1;
	p0 =	seq.s32 s7, s2  }
0x1e: {  	s7 =	smul.u32 @!p0 $0xF7A, s2;
	p2 =	seq.s32 @!p0 s5, $0x0  }
0x1f: {  	s9 =	smul.u32 $0xF7A, s1;
	s8 =	simm.s32 @!p0 $0x1BF5;
	p2 =	por !p2, p0  }
0x20: {  	[sflag:s8] =	ssyncset.s32 @!p0 $0xFFFFF086;
	s6 =	sadd.s32 @!p0 s3, s7;
	s7 =	simm.s32 @!p0 $0x108  }
0x21: {  	s3 =	sadd.s32 s3, s9;
	s6 =	sadd.s32 @!p0 $0x88, s6;
	s7 =	simm.s32 @p2 $0x1082  }
0x22: {  	[simem:s7], [sflag:s8] =	dma.local @!p0 [hbm:s6], $0xF7A  }
0x23: {  	s9 =	sor.u32 $0xD0000000, s2;
	s6 =	simm.s32 $0x108;
	_ =	swait.ge @!p0 [sflag:s8], $0x0  }
0x24: {  	s3 =	sadd.s32 $0x88, s3;
	s6 =	simm.s32 @!p1 $0x1082;
	[sflag:s4] =	ssyncset.s32 $0xFFFFF086  }
0x25: {  	[simem:s6], [sflag:s4] =	dma.local [hbm:s3], $0xF7A  }
0x26: {  	[smem:$0x3F98] =	sst s1;
	(tag) =	ssettag s2;
	_ =	strace s9  }
0x27: {  	s1 =	sld [smem:$0x3FA8]  }
0x28: {  	s2 =	sld [smem:$0x3FA9]  }
0x29: {  	s4 =	sld [smem:$0x3FAB]  }
0x2a: {  	p0 =	seq.s32 s5, $0x0;
	s5 =	sld [smem:$0x3FAC]  }
0x2b: {  	s6 =	sld [smem:$0x3FAD]  }
0x2c: {  	s7 =	sld [smem:$0x3FAE]  }
0x2d: {  	s3 =	simm.s32 $0x108;
	s8 =	sld [smem:$0x3FAF]  }
0x2e: {  	s3 =	simm.s32 @!p0 $0x1082;
	s9 =	sld [smem:$0x3FB0]  }
0x2f: {  	lr =	sadd.s32 s0, s3;
	s0 =	sld [smem:$0x3FA7]  }
0x30: {  	s3 =	sld [smem:$0x3FAA]  }
0x31: {  	[smem:$0x3FB3] =	sst s10  }
0x32: {  	s10 =	sld [smem:$0x3FB1];
	_ =	sdelay $0x3  }
0x33: {  	p0 =	seq.s32 s10, $0x1;
	s10 =	sld [smem:$0x3FB3];
	_ =	sdelay $0x3  }
0x34: {  	[smem:$0x3FB3] =	sst s10  }
0x35: {  	s10 =	sld [smem:$0x3FB2];
	_ =	sdelay $0x3  }
0x36: {  	p1 =	seq.s32 s10, $0x1;
	s10 =	sld [smem:$0x3FB3];
	_ =	sdelay $0x3  }
0x37: {  	[smem:$0x3FB3] =	sst s10  }
0x38: {  	s10 =	sld [smem:$0x3FB4]  }
0x39: {  	_ = 	snop;
	(pc) =	sbr.ind lr, $3  }
0x3a: {  	_ = 	snop  }
0x3b: {  	_ = 	snop  }
0x3c: {  	p2 =	seq.s32 s10, $0x1;
	s10 =	sld [smem:$0x3FB3]  }
0x3d: {  	_ =	shalt  }
0x3e: {  	_ =	shalt  }
0x3f: {  	_ =	shalt  }
0x40: {  	_ =	shalt  }
0x41: {  	_ =	shalt  }
0x42: {  	_ =	shalt  }
0x43: {  	_ =	shalt  }
0x44: {  	_ =	shalt  }
0x45: {  	_ =	shalt  }
0x46: {  	_ =	shalt  }
0x47: {  	_ =	shalt  }
0x48: {  	_ =	shalt  }
0x49: {  	_ =	shalt  }
0x4a: {  	_ =	shalt  }
0x4b: {  	_ =	shalt  }
0x4c: {  	_ =	shalt  }
0x4d: {  	_ =	shalt  }
0x4e: {  	_ =	shalt  }
0x4f: {  	_ =	shalt  }
0x50: {  	_ =	shalt  }
0x51: {  	_ =	shalt  }
0x52: {  	_ =	shalt  }
0x53: {  	_ =	shalt  }
0x54: {  	_ =	shalt  }
0x55: {  	_ =	shalt  }
0x56: {  	_ =	shalt  }
0x57: {  	_ =	shalt  }
0x58: {  	_ =	shalt  }
0x59: {  	_ =	shalt  }
0x5a: {  	_ =	shalt  }
0x5b: {  	_ =	shalt  }
0x5c: {  	_ =	shalt  }
0x5d: {  	_ =	shalt  }
0x5e: {  	_ =	shalt  }
0x5f: {  	_ =	shalt  }
0x60: {  	_ =	shalt  }
0x61: {  	_ =	shalt  }
0x62: {  	_ =	shalt  }
0x63: {  	_ =	shalt  }
0x64: {  	_ =	shalt  }
0x65: {  	_ =	shalt  }
0x66: {  	_ =	shalt  }
0x67: {  	_ =	shalt  }
0x68: {  	_ =	shalt  }
0x69: {  	_ =	shalt  }
0x6a: {  	_ =	shalt  }
0x6b: {  	_ =	shalt  }
0x6c: {  	_ =	shalt  }
0x6d: {  	_ =	shalt  }
0x6e: {  	_ =	shalt  }
0x6f: {  	_ =	shalt  }
0x70: {  	_ =	shalt  }
0x71: {  	_ =	shalt  }
0x72: {  	_ =	shalt  }
0x73: {  	_ =	shalt  }
0x74: {  	_ =	shalt  }
0x75: {  	_ =	shalt  }
0x76: {  	_ =	shalt  }
0x77: {  	_ =	shalt  }
0x78: {  	_ =	shalt  }
0x79: {  	_ =	shalt  }
0x7a: {  	_ =	shalt  }
0x7b: {  	_ =	shalt  }
0x7c: {  	_ =	shalt  }
0x7d: {  	_ =	shalt  }
0x7e: {  	_ =	shalt  }
0x7f: {  	_ =	shalt  }
0x80: {  	_ =	shalt  }
0x81: {  	_ =	shalt  }
0x82: {  	_ =	shalt  }
0x83: {  	_ =	shalt  }
0x84: {  	_ =	shalt  }
0x85: {  	_ =	shalt  }
0x86: {  	_ =	shalt  }
0x87: {  	_ =	shalt  }
.Lfunc_end0:
.L_simem_size_0:
called_computation.2_lowered:
.L_overlay_start_0:
0x88: {  	s2 =	sld [smem:$0x3FD9]  }
0x89: {  	s3 =	sld [smem:$0x3FFE];
	_ =	sdelay $0x1  }
0x8a: {  	s1 =	srdreg.scid  }
0x8b: {  	s0 =	sand.u32 $0x1, s1  }
0x8c: {  	s16 =	sshll.u32 s0, $0xA;
	s2 =	sadd.s32 s3, s2  }
0x8d: {  	s2 =	sadd.s32 s2, s16  }
0x8e: {  	[smem:$0x3FBF] =	sst s2  }
0x8f: {  	_ = 	snop  }
0x90: {  	(tm) =	ssettm $0x1  }
0x91: {  	s17 =	sld [smem:$0x3FFB];
	_ =	sdelay $0x3  }
0x92: {  	_ =	strace s17  }
0x93: {  	s2 =	sld [smem:$0x3FFC];
	_ =	sdelay $0x3  }
0x94: {  	_ =	strace s2  }
0x95: {  	s2 =	sld [smem:$0x3FFD];
	_ =	sdelay $0x3  }
0x96: {  	_ =	strace s2  }
0x97: {  	_ =	strace $0x8FFFFFFF  }
0x98: {  	s18 =	sld [smem:$0x3FDB];
	_ =	sdelay $0x1  }
0x99: {  	s19 =	simm.s32 $_scs_section_size  }
0x9a: {  	s4 =	simm.s32 $_size__tile_overlayer_lowered;
	s5 =	simm.s32 $_tile_overlayer_lowered  }
0x9b: {  	s22 =	simm.s32 $0x1BFF;
	s21 =	sshll.u32 s5, $0x1;
	s2 =	sadd.s32 s19, s18  }
0x9c: {  	s6 =	simm.s32 $0x0;
	s20 =	sshll.u32 s4, $0x1;
	s4 =	sadd.s32 s21, s2  }
0x9d: {  	[timem:s6], [sflag:s22] =	dma.local [hbm:s4], s20  }
0x9e: {  	_ =	swait.ge [sflag:s22], s20  }
0x9f: {  	s3 =	ssub.s32 $0x0, s20;
	[sflag:s22] =	ssyncset.done $0x0  }
0xa0: {  	[sflag:s22] =	ssyncadd.s32 s3;
	_ =	sdelay $0x1  }
0xa1: {  	s23 =	simm.s32 $0x1B8B  }
0xa2: {  	_ =	swait.ge [sflag:s23], $0x1  }
0xa3: {  	[sflag:s23] =	ssyncset.done $0x0  }
0xa4: {  	s25 =	simm.s32 $0x1B8E;
	s24 =	sld [smem:$0x3FFE];
	[sflag:s23] =	ssyncadd.s32 $0xFFFFFFFF  }
0xa5: {  	s26 =	simm.s32 $execute0_lowered;
	[smem:$0x3FD2] =	sst s25  }
0xa6: {  	s4 =	sshll.u32 s26, $0x1;
	_ =	strace $0x8000004C;
	[dreg:$0x1] =	wrdreg $0xFFFFFFFF  }
0xa7: {  	s28 =	simm.s32 $_size_execute0_lowered;
	s2 =	sadd.s32 s2, s4;
	[dreg:$0x0] =	wrdreg $0x0  }
0xa8: {  	s4 =	sshll.u32 s28, $0x1;
	[dreg:$0x2] =	wrdreg s2  }
0xa9: {  	[dreg:$0x3] =	wrdreg s4  }
0xaa: {  	[dreg:$0x4] =	wrdreg $0xC0  }
0xab: {  	_ =	task [dreg:s6], $0x5FFFF  }
0xac: {  	[dreg:$0x1] =	wrdreg $0xFFFFFFFF  }
0xad: {  	[dreg:$0x0] =	wrdreg $0x60  }
0xae: {  	[dreg:$0x2] =	wrdreg s24  }
0xaf: {  	[dreg:$0x3] =	wrdreg $0xD0000  }
0xb0: {  	[dreg:$0x4] =	wrdreg $0x9  }
0xb1: {  	_ =	task.clear_ibuf [dreg:s6], $0x5FFFF;
	_ =	strace $0x9000004C  }
0xb2: {  	s29 =	simm.s32 $0x9;
	_ =	strace $0x8000004E  }
0xb3: {  	_ =	swait.ge [sflag:s29], $0x1  }
0xb4: {  	[sflag:s29] =	ssyncadd.s32 $0xFFFFFFFF  }
0xb5: {  	_ =	strace $0x9000004E  }
0xb6: {  	_ =	sfence  }
0xb7: {  	s30 =	sld [smem:$0x0];
	_ =	sdelay $0x2  }
0xb8: {  	s31 =	sshll.u32 s1, $0xD;
	s1 =	sshrl.u32 s1, $0x2  }
0xb9: {  	s3 =	sand.u32 $0x4000, s31;
	s1 =	sadd.s32 s1, s30  }
0xba: {  	s0 =	sor.u32 s3, s0;
	s1 =	sshll.u32 s1, $0x11  }
0xbb: {  	s0 =	sor.u32 s1, s0  }
0xbc: {  	s0 =	sadd.s32 $0x8F2B, s0  }
0xbd: {  	[sflag:s0] =	ssyncadd.remote.s32 $0x1  }
0xbe: {  	_ =	sfence.sel $0xFFFF  }
0xbf: {  	[dreg:$0x0] =	wrdreg $0xFFFFFFFF;
	(pc) =	sbr.abs _section_cstart, $3  }
0xc0: {  	[dreg:$0x1] =	wrdreg $0xFFFFFFFF  }
0xc1: {  	_ =	task.clear_ibuf [dreg:s6], $0x2FFFF;
	_ =	strace $0x9FFFFFFF  }
0xc2: {  	(tm) =	ssettm $0x7FFFFFFF  }
0xc3: {  	_ =	shalt  }
tec
execute0_lowered:
.L_overlay_start_1:
0x0: {  	(tag) =	ssettag $0x1  }
0x1: {  	s0 =	srdreg.scid  }
0x2: {  	s3 =	stileid.u32;
	s5 =	rddreg [dreg:$0x0]  }
0x3: {  	s2 =	rddreg [dreg:$0x1];
	s4 =	simm.s32 $0x0;
	s12 =	simm.s32 $0x9  }
0x4: {  	s14 =	simm.s32 $0x80;
	s15 =	simm.s32 $0x5000;
	s16 =	simm.s32 $0x6000  }
0x5: {  	s18 =	simm.s32 $0x7000;
	s20 =	simm.s32 $0x8000;
	s21 =	simm.s32 $0x9000  }
0x6: {  	s28 =	simm.s32 $0x3;
	s29 =	simm.s32 $0x4;
	s30 =	simm.s32 $0x5  }
0x7: {  	s31 =	simm.s32 $0x6;
	s13 =	simm.s32 $0x0;
	s0 =	sand.u32 $0x1, s0  }
0x8: {  	s6 =	smul.u32 $0x4F00, s3;
	[smem:$0x7FF] =	sst s4;
	s4 =	sadd.s32 $0xC200, s5  }
0x9: {  	s8 =	sadd.s32 $0x20600, s5;
	s23 =	sshll.u32 s3, $0x6;
	s1 =	sshll.u32 s0, $0x4  }
0xa: {  	s7 =	smul.u32 $0x4F000, s0;
	_ =	strace $0x8000004D;
	s0 =	ssub.s32 $0x2, s0  }
0xb: {  	[dreg:$0x3] =	wrdreg s8;
	s1 =	sor.u32 s3, s1;
	s22 =	sshrl.u32 s0, $0x1  }
0xc: {  	s24 =	sadd.s32 s6, s2;
	s1 =	smul.u32 $0x500, s1;
	s7 =	sadd.s32 s6, s7  }
0xd: {  	s0 =	ssub.s32 s0, s22;
	s6 =	sor.u32 $0x1C09, s23;
	s11 =	sshrl.u32 s24, $0x3  }
0xe: {  	s22 =	simm.s32 $0xA000;
	s0 =	smax.u32 s0, $0x1;
	s1 =	sadd.s32 s1, s5  }
0xf: {  	s7 =	sshrl.u32 s7, $0x3;
	[dreg:$0x7] =	wrdreg s0;
	s25 =	sadd.s32 $0x16600, s1  }
0x10: {  	s5 =	sadd.s32 s7, s5;
	s1 =	sadd.s32 $0x2200, s1;
	[dreg:$0x4] =	wrdreg s25  }
0x11: {  	s23 =	simm.s32 $0xB000;
	s26 =	sadd.s32 $0x21000, s5;
	[dreg:$0x5] =	wrdreg s1  }
0x12: {  	s24 =	simm.s32 $0xC000;
	s0 =	simm.s32 $0x8;
	[dreg:$0x6] =	wrdreg s26  }
0x13: {  	s25 =	simm.s32 $0x1;
	s26 =	simm.s32 $0x2;
	s1 =	simm.s32 $0x7  }
.LBB2_1:
0x14: {  	s3 =	rddreg [dreg:$0x3]  }
0x15: {  	[spmem:s11], [sflag:s6] =	dma.local [hbm:s3], $0x9E0  }
0x16: {  	_ =	swait.ge [sflag:s12], $0x9E0  }
0x17: {  	[sflag:s12] =	ssyncset.done $0x0  }
0x18: {  	s17 =	simm.s32 $0x0;
	s5 =	rddreg [dreg:$0x4];
	[sflag:s12] =	ssyncadd.s32 $0xFFFFF620  }
0x19: {  	[tilespmem:s17], [sflag:$0x9] =	stream.linear.gather [hbm4b:s5+s17], $0x2800, $0x38;
	[tilespmem:$0x11F00] =	vst v63  }
0x1a: {  	_ =	swait.ge [sflag:s12], $0x2800  }
0x1b: {  	[sflag:s12] =	ssyncset.done $0x0  }
0x1c: {  	s7 =	simm.s32 $0x2800;
	s19 =	rddreg [dreg:$0x5];
	[sflag:s12] =	ssyncadd.s32 $0xFFFFD800  }
0x1d: {  	[tilespmem:s7], [sflag:$0x9] =	stream.linear.gather [hbm4b:s19+s17], $0x2800, $0x38;
	[tilespmem:$0x11F00] =	vst v63  }
0x1e: {  	_ =	swait.ge [sflag:s12], $0x2800  }
0x1f: {  	[sflag:s12] =	ssyncset.done $0x0  }
0x20: {  	[sflag:s12] =	ssyncadd.s32 $0xFFFFD800  }
0x21: {  	[bflag:$0x0] =	sbarrier.arrive $0xFFFF  }
0x22: {  	[tilespmem:s15], [sflag:$0x1] =	stream.indirect.gather [hbm4b:s4+s14], $0x20, s17, s14, $0xb8;
	[tilespmem:$0x11F00] =	vst v63  }
0x23: {  	_ = 	snop  }
0x24: {  	[tilespmem:s16], [sflag:$0x2] =	stream.indirect.gather [hbm4b:s4+s14], $0x20, s14, s14, $0xb8;
	[tilespmem:$0x11F00] =	vst v63  }
0x25: {  	s5 =	simm.s32 $0x100  }
0x26: {  	[tilespmem:s18], [sflag:$0x3] =	stream.indirect.gather [hbm4b:s4+s14], $0x20, s5, s14, $0xb8;
	[tilespmem:$0x11F00] =	vst v63  }
0x27: {  	s7 =	simm.s32 $0x180  }
0x28: {  	[tilespmem:s20], [sflag:$0x4] =	stream.indirect.gather [hbm4b:s4+s14], $0x20, s7, s14, $0xb8;
	[tilespmem:$0x11F00] =	vst v63  }
0x29: {  	s8 =	simm.s32 $0x200  }
0x2a: {  	[tilespmem:s21], [sflag:$0x5] =	stream.indirect.gather [hbm4b:s4+s14], $0x20, s8, s14, $0xb8;
	[tilespmem:$0x11F00] =	vst v63  }
0x2b: {  	s9 =	simm.s32 $0x280  }
0x2c: {  	[tilespmem:s22], [sflag:$0x6] =	stream.indirect.gather [hbm4b:s4+s14], $0x20, s9, s14, $0xb8;
	[tilespmem:$0x11F00] =	vst v63  }
0x2d: {  	s10 =	simm.s32 $0x300  }
0x2e: {  	[tilespmem:s23], [sflag:$0x7] =	stream.indirect.gather [hbm4b:s4+s14], $0x20, s10, s14, $0xb8;
	[tilespmem:$0x11F00] =	vst v63  }
0x2f: {  	s17 =	simm.s32 $0x380  }
0x30: {  	[tilespmem:s24], [sflag:$0x8] =	stream.indirect.gather [hbm4b:s4+s14], $0x20, s17, s14, $0xb8;
	[tilespmem:$0x11F00] =	vst v63  }
0x31: {  	_ =	swait.ge [sflag:s25], $0x1000  }
0x32: {  	[sflag:s25] =	ssyncset.done $0x0  }
0x33: {  	s19 =	simm.s32 $0x2800;
	[sflag:s25] =	ssyncadd.s32 $0xFFFFF000  }
0x34: {  	[spmem:s2] =	stream.indirect.scatter.add.f32 [tilespmem:s15], [sflag:$0x9], $0x20, s19, s14, $0xb8;
	[tilespmem:$0x11F00] =	vst v63  }
0x35: {  	_ =	swait.ge [sflag:s12], $0x1000  }
0x36: {  	[sflag:s12] =	ssyncset.done $0x0  }
0x37: {  	[sflag:s12] =	ssyncadd.s32 $0xFFFFF000  }
0x38: {  	_ =	swait.ge [sflag:s26], $0x1000  }
0x39: {  	[sflag:s26] =	ssyncset.done $0x0  }
0x3a: {  	s3 =	simm.s32 $0x2880;
	[sflag:s26] =	ssyncadd.s32 $0xFFFFF000  }
0x3b: {  	[spmem:s2] =	stream.indirect.scatter.add.f32 [tilespmem:s16], [sflag:$0x9], $0x20, s3, s14, $0xb8;
	[tilespmem:$0x11F00] =	vst v63  }
0x3c: {  	_ =	swait.ge [sflag:s12], $0x1000  }
0x3d: {  	[sflag:s12] =	ssyncset.done $0x0  }
0x3e: {  	[sflag:s12] =	ssyncadd.s32 $0xFFFFF000  }
0x3f: {  	_ =	swait.ge [sflag:s28], $0x1000  }
0x40: {  	[sflag:s28] =	ssyncset.done $0x0  }
0x41: {  	s7 =	simm.s32 $0x2900;
	[sflag:s28] =	ssyncadd.s32 $0xFFFFF000  }
0x42: {  	[spmem:s2] =	stream.indirect.scatter.add.f32 [tilespmem:s18], [sflag:$0x9], $0x20, s7, s14, $0xb8;
	[tilespmem:$0x11F00] =	vst v63  }
0x43: {  	_ =	swait.ge [sflag:s12], $0x1000  }
0x44: {  	[sflag:s12] =	ssyncset.done $0x0  }
0x45: {  	[sflag:s12] =	ssyncadd.s32 $0xFFFFF000  }
0x46: {  	_ =	swait.ge [sflag:s29], $0x1000  }
0x47: {  	[sflag:s29] =	ssyncset.done $0x0  }
0x48: {  	s8 =	simm.s32 $0x2980;
	[sflag:s29] =	ssyncadd.s32 $0xFFFFF000  }
0x49: {  	[spmem:s2] =	stream.indirect.scatter.add.f32 [tilespmem:s20], [sflag:$0x9], $0x20, s8, s14, $0xb8;
	[tilespmem:$0x11F00] =	vst v63  }
0x4a: {  	p0 =	por $0x0, $0x0;
	_ =	swait.ge [sflag:s12], $0x1000  }
0x4b: {  	s5 =	simm.s32 @!p0 $0x5000;
	[sflag:s12] =	ssyncset.done $0x0  }
0x4c: {  	s17 =	simm.s32 @!p0 $0x80;
	s7 =	simm.s32 @!p0 $0x400;
	[sflag:s12] =	ssyncadd.s32 $0xFFFFF000  }
0x4d: {  	[tilespmem:s5], [sflag:$0x1] =	stream.indirect.gather @!p0 [hbm4b:s4+s17], $0x20, s7, s17, $0xb8;
	[tilespmem:$0x11F00] =	vst v63  }
0x4e: {  	s5 =	simm.s32 @!p0 $0x480;
	s7 =	simm.s32 @!p0 $0x6000  }
0x4f: {  	[tilespmem:s7], [sflag:$0x2] =	stream.indirect.gather @!p0 [hbm4b:s4+s17], $0x20, s5, s17, $0xb8;
	[tilespmem:$0x11F00] =	vst v63  }
0x50: {  	s5 =	simm.s32 @!p0 $0x500;
	s7 =	simm.s32 @!p0 $0x7000  }
0x51: {  	[tilespmem:s7], [sflag:$0x3] =	stream.indirect.gather @!p0 [hbm4b:s4+s17], $0x20, s5, s17, $0xb8;
	[tilespmem:$0x11F00] =	vst v63  }
0x52: {  	s5 =	simm.s32 @!p0 $0x580;
	s7 =	simm.s32 @!p0 $0x8000  }
0x53: {  	[tilespmem:s7], [sflag:$0x4] =	stream.indirect.gather @!p0 [hbm4b:s4+s17], $0x20, s5, s17, $0xb8;
	[tilespmem:$0x11F00] =	vst v63  }
0x54: {  	_ =	swait.ge [sflag:s30], $0x1000  }
0x55: {  	[sflag:s30] =	ssyncset.done $0x0  }
0x56: {  	s9 =	simm.s32 $0x2A00;
	[sflag:s30] =	ssyncadd.s32 $0xFFFFF000  }
0x57: {  	[spmem:s2] =	stream.indirect.scatter.add.f32 [tilespmem:s21], [sflag:$0x9], $0x20, s9, s14, $0xb8;
	[tilespmem:$0x11F00] =	vst v63  }
0x58: {  	_ =	swait.ge [sflag:s12], $0x1000  }
0x59: {  	[sflag:s12] =	ssyncset.done $0x0  }
0x5a: {  	[sflag:s12] =	ssyncadd.s32 $0xFFFFF000  }
0x5b: {  	_ =	swait.ge [sflag:s31], $0x1000  }
0x5c: {  	[sflag:s31] =	ssyncset.done $0x0  }
0x5d: {  	s10 =	simm.s32 $0x2A80;
	[sflag:s31] =	ssyncadd.s32 $0xFFFFF000  }
0x5e: {  	[spmem:s2] =	stream.indirect.scatter.add.f32 [tilespmem:s22], [sflag:$0x9], $0x20, s10, s14, $0xb8;
	[tilespmem:$0x11F00] =	vst v63  }
0x5f: {  	_ =	swait.ge [sflag:s12], $0x1000  }
0x60: {  	[sflag:s12] =	ssyncset.done $0x0  }
0x61: {  	[sflag:s12] =	ssyncadd.s32 $0xFFFFF000  }
0x62: {  	_ =	swait.ge [sflag:s1], $0x1000  }
0x63: {  	[sflag:s1] =	ssyncset.done $0x0  }
0x64: {  	s17 =	simm.s32 $0x2B00;
	[sflag:s1] =	ssyncadd.s32 $0xFFFFF000  }
0x65: {  	[spmem:s2] =	stream.indirect.scatter.add.f32 [tilespmem:s23], [sflag:$0x9], $0x20, s17, s14, $0xb8;
	[tilespmem:$0x11F00] =	vst v63  }
0x66: {  	_ =	swait.ge [sflag:s12], $0x1000  }
0x67: {  	[sflag:s12] =	ssyncset.done $0x0  }
0x68: {  	[sflag:s12] =	ssyncadd.s32 $0xFFFFF000  }
0x69: {  	_ =	swait.ge [sflag:s0], $0x1000  }
0x6a: {  	[sflag:s0] =	ssyncset.done $0x0  }
0x6b: {  	s19 =	simm.s32 $0x2B80;
	[sflag:s0] =	ssyncadd.s32 $0xFFFFF000  }
0x6c: {  	[spmem:s2] =	stream.indirect.scatter.add.f32 [tilespmem:s24], [sflag:$0x9], $0x20, s19, s14, $0xb8;
	[tilespmem:$0x11F00] =	vst v63  }
0x6d: {  	s5 =	simm.s32 $0x2000;
	_ =	swait.ge [sflag:s12], $0x1000  }
0x6e: {  	s17 =	simm.s32 $0x400;
	s19 =	simm.s32 $0x1000;
	[sflag:s12] =	ssyncset.done $0x0  }
.LBB2_2:
0x6f: {  	s8 =	sadd.s32 $0x200, s17  }
0x70: {  	[sflag:s12] =	ssyncadd.s32 $0xFFFFF000;
	s7 =	smov.u32 s5;
	s5 =	sadd.s32 $0x1000, s5  }
0x71: {  	[tilespmem:s21], [sflag:$0x5] =	stream.indirect.gather [hbm4b:s4+s14], $0x20, s8, s14, $0xb8;
	[tilespmem:$0x11F00] =	vst v63  }
0x72: {  	p0 =	sne.s32 s5, $0xA000;
	s8 =	sadd.s32 $0x280, s17  }
0x73: {  	[tilespmem:s22], [sflag:$0x6] =	stream.indirect.gather [hbm4b:s4+s14], $0x20, s8, s14, $0xb8;
	[tilespmem:$0x11F00] =	vst v63  }
0x74: {  	s8 =	sadd.s32 $0x300, s17  }
0x75: {  	[tilespmem:s23], [sflag:$0x7] =	stream.indirect.gather [hbm4b:s4+s14], $0x20, s8, s14, $0xb8;
	[tilespmem:$0x11F00] =	vst v63  }
0x76: {  	s8 =	sadd.s32 $0x380, s17  }
0x77: {  	[tilespmem:s24], [sflag:$0x8] =	stream.indirect.gather [hbm4b:s4+s14], $0x20, s8, s14, $0xb8;
	[tilespmem:$0x11F00] =	vst v63  }
0x78: {  	_ =	swait.ge [sflag:s25], $0x1000  }
0x79: {  	[sflag:s25] =	ssyncset.done $0x0  }
0x7a: {  	s8 =	sadd.s32 $0x2800, s17;
	[sflag:s25] =	ssyncadd.s32 $0xFFFFF000  }
0x7b: {  	[spmem:s2] =	stream.indirect.scatter.add.f32 [tilespmem:s15], [sflag:$0x9], $0x20, s8, s14, $0xb8;
	[tilespmem:$0x11F00] =	vst v63  }
0x7c: {  	_ =	swait.ge [sflag:s12], $0x1000  }
0x7d: {  	[sflag:s12] =	ssyncset.done $0x0  }
0x7e: {  	[sflag:s12] =	ssyncadd.s32 $0xFFFFF000  }
0x7f: {  	_ =	swait.ge [sflag:s26], $0x1000  }
0x80: {  	[sflag:s26] =	ssyncset.done $0x0  }
0x81: {  	s8 =	sadd.s32 $0x2880, s17;
	[sflag:s26] =	ssyncadd.s32 $0xFFFFF000  }
0x82: {  	[spmem:s2] =	stream.indirect.scatter.add.f32 [tilespmem:s16], [sflag:$0x9], $0x20, s8, s14, $0xb8;
	[tilespmem:$0x11F00] =	vst v63  }
0x83: {  	_ =	swait.ge [sflag:s12], $0x1000  }
0x84: {  	[sflag:s12] =	ssyncset.done $0x0  }
0x85: {  	[sflag:s12] =	ssyncadd.s32 $0xFFFFF000  }
0x86: {  	_ =	swait.ge [sflag:s28], $0x1000  }
0x87: {  	[sflag:s28] =	ssyncset.done $0x0  }
0x88: {  	s8 =	sadd.s32 $0x2900, s17;
	[sflag:s28] =	ssyncadd.s32 $0xFFFFF000  }
0x89: {  	[spmem:s2] =	stream.indirect.scatter.add.f32 [tilespmem:s18], [sflag:$0x9], $0x20, s8, s14, $0xb8;
	[tilespmem:$0x11F00] =	vst v63  }
0x8a: {  	_ =	swait.ge [sflag:s12], $0x1000  }
0x8b: {  	[sflag:s12] =	ssyncset.done $0x0  }
0x8c: {  	[sflag:s12] =	ssyncadd.s32 $0xFFFFF000  }
0x8d: {  	_ =	swait.ge [sflag:s29], $0x1000  }
0x8e: {  	[sflag:s29] =	ssyncset.done $0x0  }
0x8f: {  	s8 =	sadd.s32 $0x2980, s17;
	[sflag:s29] =	ssyncadd.s32 $0xFFFFF000  }
0x90: {  	[spmem:s2] =	stream.indirect.scatter.add.f32 [tilespmem:s20], [sflag:$0x9], $0x20, s8, s14, $0xb8;
	[tilespmem:$0x11F00] =	vst v63  }
0x91: {  	p1 =	seq.s32 s19, $0x9000;
	_ =	swait.ge [sflag:s12], $0x1000  }
0x92: {  	s8 =	sshra.s32 @!p1 s19, $0x2;
	s19 =	simm.s32 @!p1 $0x5000;
	[sflag:s12] =	ssyncset.done $0x0  }
0x93: {  	s10 =	simm.s32 @!p1 $0x80;
	s9 =	sadd.s32 @!p1 $0x400, s8;
	[sflag:s12] =	ssyncadd.s32 $0xFFFFF000  }
0x94: {  	[tilespmem:s19], [sflag:$0x1] =	stream.indirect.gather @!p1 [hbm4b:s4+s10], $0x20, s9, s10, $0xb8;
	[tilespmem:$0x11F00] =	vst v63  }
0x95: {  	s3 =	sadd.s32 @!p1 $0x500, s8;
	s9 =	sadd.s32 @!p1 $0x480, s8;
	s19 =	simm.s32 @!p1 $0x6000  }
0x96: {  	[tilespmem:s19], [sflag:$0x2] =	stream.indirect.gather @!p1 [hbm4b:s4+s10], $0x20, s9, s10, $0xb8;
	[tilespmem:$0x11F00] =	vst v63  }
0x97: {  	s8 =	sadd.s32 @!p1 $0x580, s8;
	s9 =	simm.s32 @!p1 $0x7000;
	s19 =	smov.u32 s7  }
0x98: {  	[tilespmem:s9], [sflag:$0x3] =	stream.indirect.gather @!p1 [hbm4b:s4+s10], $0x20, s3, s10, $0xb8;
	[tilespmem:$0x11F00] =	vst v63  }
0x99: {  	s3 =	simm.s32 @!p1 $0x8000  }
0x9a: {  	[tilespmem:s3], [sflag:$0x4] =	stream.indirect.gather @!p1 [hbm4b:s4+s10], $0x20, s8, s10, $0xb8;
	[tilespmem:$0x11F00] =	vst v63  }
0x9b: {  	_ =	swait.ge [sflag:s30], $0x1000  }
0x9c: {  	[sflag:s30] =	ssyncset.done $0x0  }
0x9d: {  	s3 =	sadd.s32 $0x2A00, s17;
	[sflag:s30] =	ssyncadd.s32 $0xFFFFF000  }
0x9e: {  	[spmem:s2] =	stream.indirect.scatter.add.f32 [tilespmem:s21], [sflag:$0x9], $0x20, s3, s14, $0xb8;
	[tilespmem:$0x11F00] =	vst v63  }
0x9f: {  	_ =	swait.ge [sflag:s12], $0x1000  }
0xa0: {  	[sflag:s12] =	ssyncset.done $0x0  }
0xa1: {  	[sflag:s12] =	ssyncadd.s32 $0xFFFFF000  }
0xa2: {  	_ =	swait.ge [sflag:s31], $0x1000  }
0xa3: {  	[sflag:s31] =	ssyncset.done $0x0  }
0xa4: {  	s3 =	sadd.s32 $0x2A80, s17;
	[sflag:s31] =	ssyncadd.s32 $0xFFFFF000  }
0xa5: {  	[spmem:s2] =	stream.indirect.scatter.add.f32 [tilespmem:s22], [sflag:$0x9], $0x20, s3, s14, $0xb8;
	[tilespmem:$0x11F00] =	vst v63  }
0xa6: {  	_ =	swait.ge [sflag:s12], $0x1000  }
0xa7: {  	[sflag:s12] =	ssyncset.done $0x0  }
0xa8: {  	[sflag:s12] =	ssyncadd.s32 $0xFFFFF000  }
0xa9: {  	_ =	swait.ge [sflag:s1], $0x1000  }
0xaa: {  	[sflag:s1] =	ssyncset.done $0x0  }
0xab: {  	s3 =	sadd.s32 $0x2B00, s17;
	[sflag:s1] =	ssyncadd.s32 $0xFFFFF000  }
0xac: {  	[spmem:s2] =	stream.indirect.scatter.add.f32 [tilespmem:s23], [sflag:$0x9], $0x20, s3, s14, $0xb8;
	[tilespmem:$0x11F00] =	vst v63  }
0xad: {  	_ =	swait.ge [sflag:s12], $0x1000  }
0xae: {  	[sflag:s12] =	ssyncset.done $0x0  }
0xaf: {  	[sflag:s12] =	ssyncadd.s32 $0xFFFFF000  }
0xb0: {  	_ =	swait.ge [sflag:s0], $0x1000  }
.Ltmp0:
0xb1: {  	[sflag:s0] =	ssyncset.done $0x0;
	(pc) =	sbr.rel @p0 .LBB2_2-.Ltmp0, $4  }
0xb2: {  	s3 =	sadd.s32 $0x2B80, s17;
	[sflag:s0] =	ssyncadd.s32 $0xFFFFF000  }
0xb3: {  	[spmem:s2] =	stream.indirect.scatter.add.f32 [tilespmem:s24], [sflag:$0x9], $0x20, s3, s14, $0xb8;
	[tilespmem:$0x11F00] =	vst v63  }
0xb4: {  	_ =	swait.ge [sflag:s12], $0x1000  }
0xb5: {  	s17 =	sshra.s32 s19, $0x2;
	[sflag:s12] =	ssyncset.done $0x0  }
0xb6: {  	s3 =	sadd.s32 $0x200, s17;
	[sflag:s12] =	ssyncadd.s32 $0xFFFFF000  }
0xb7: {  	[tilespmem:s21], [sflag:$0x5] =	stream.indirect.gather [hbm4b:s4+s14], $0x20, s3, s14, $0xb8;
	[tilespmem:$0x11F00] =	vst v63  }
0xb8: {  	s10 =	sadd.s32 $0x280, s17  }
0xb9: {  	[tilespmem:s22], [sflag:$0x6] =	stream.indirect.gather [hbm4b:s4+s14], $0x20, s10, s14, $0xb8;
	[tilespmem:$0x11F00] =	vst v63  }
0xba: {  	s5 =	sadd.s32 $0x300, s17  }
0xbb: {  	[tilespmem:s23], [sflag:$0x7] =	stream.indirect.gather [hbm4b:s4+s14], $0x20, s5, s14, $0xb8;
	[tilespmem:$0x11F00] =	vst v63  }
0xbc: {  	s7 =	sadd.s32 $0x380, s17  }
0xbd: {  	[tilespmem:s24], [sflag:$0x8] =	stream.indirect.gather [hbm4b:s4+s14], $0x20, s7, s14, $0xb8;
	[tilespmem:$0x11F00] =	vst v63  }
0xbe: {  	_ =	swait.ge [sflag:s25], $0x1000  }
0xbf: {  	[sflag:s25] =	ssyncset.done $0x0  }
0xc0: {  	s8 =	sadd.s32 $0x2800, s17;
	[sflag:s25] =	ssyncadd.s32 $0xFFFFF000  }
0xc1: {  	[spmem:s2] =	stream.indirect.scatter.add.f32 [tilespmem:s15], [sflag:$0x9], $0x20, s8, s14, $0xb8;
	[tilespmem:$0x11F00] =	vst v63  }
0xc2: {  	_ =	swait.ge [sflag:s12], $0x1000  }
0xc3: {  	[sflag:s12] =	ssyncset.done $0x0  }
0xc4: {  	[sflag:s12] =	ssyncadd.s32 $0xFFFFF000  }
0xc5: {  	_ =	swait.ge [sflag:s26], $0x1000  }
0xc6: {  	[sflag:s26] =	ssyncset.done $0x0  }
0xc7: {  	s9 =	sadd.s32 $0x2880, s17;
	[sflag:s26] =	ssyncadd.s32 $0xFFFFF000  }
0xc8: {  	[spmem:s2] =	stream.indirect.scatter.add.f32 [tilespmem:s16], [sflag:$0x9], $0x20, s9, s14, $0xb8;
	[tilespmem:$0x11F00] =	vst v63  }
0xc9: {  	_ =	swait.ge [sflag:s12], $0x1000  }
0xca: {  	[sflag:s12] =	ssyncset.done $0x0  }
0xcb: {  	[sflag:s12] =	ssyncadd.s32 $0xFFFFF000  }
0xcc: {  	_ =	swait.ge [sflag:s28], $0x1000  }
0xcd: {  	[sflag:s28] =	ssyncset.done $0x0  }
0xce: {  	s10 =	sadd.s32 $0x2900, s17;
	[sflag:s28] =	ssyncadd.s32 $0xFFFFF000  }
0xcf: {  	[spmem:s2] =	stream.indirect.scatter.add.f32 [tilespmem:s18], [sflag:$0x9], $0x20, s10, s14, $0xb8;
	[tilespmem:$0x11F00] =	vst v63  }
0xd0: {  	_ =	swait.ge [sflag:s12], $0x1000  }
0xd1: {  	[sflag:s12] =	ssyncset.done $0x0  }
0xd2: {  	[sflag:s12] =	ssyncadd.s32 $0xFFFFF000  }
0xd3: {  	_ =	swait.ge [sflag:s29], $0x1000  }
0xd4: {  	[sflag:s29] =	ssyncset.done $0x0  }
0xd5: {  	p0 =	seq.s32 s19, $0x9000;
	s5 =	sadd.s32 $0x2980, s17;
	[sflag:s29] =	ssyncadd.s32 $0xFFFFF000  }
0xd6: {  	[spmem:s2] =	stream.indirect.scatter.add.f32 [tilespmem:s20], [sflag:$0x9], $0x20, s5, s14, $0xb8;
	[tilespmem:$0x11F00] =	vst v63  }
0xd7: {  	s3 =	sshra.s32 @!p0 s19, $0x2;
	_ =	swait.ge [sflag:s12], $0x1000  }
0xd8: {  	s7 =	sadd.s32 @!p0 $0x400, s3;
	[sflag:s12] =	ssyncset.done $0x0  }
0xd9: {  	s8 =	simm.s32 @!p0 $0x80;
	s5 =	simm.s32 @!p0 $0x5000;
	[sflag:s12] =	ssyncadd.s32 $0xFFFFF000  }
0xda: {  	[tilespmem:s5], [sflag:$0x1] =	stream.indirect.gather @!p0 [hbm4b:s4+s8], $0x20, s7, s8, $0xb8;
	[tilespmem:$0x11F00] =	vst v63  }
0xdb: {  	s5 =	sadd.s32 @!p0 $0x480, s3;
	s7 =	simm.s32 @!p0 $0x6000  }
0xdc: {  	[tilespmem:s7], [sflag:$0x2] =	stream.indirect.gather @!p0 [hbm4b:s4+s8], $0x20, s5, s8, $0xb8;
	[tilespmem:$0x11F00] =	vst v63  }
0xdd: {  	s5 =	sadd.s32 @!p0 $0x500, s3;
	s7 =	simm.s32 @!p0 $0x7000  }
0xde: {  	[tilespmem:s7], [sflag:$0x3] =	stream.indirect.gather @!p0 [hbm4b:s4+s8], $0x20, s5, s8, $0xb8;
	[tilespmem:$0x11F00] =	vst v63  }
0xdf: {  	s3 =	sadd.s32 @!p0 $0x580, s3;
	s5 =	simm.s32 @!p0 $0x8000  }
0xe0: {  	[tilespmem:s5], [sflag:$0x4] =	stream.indirect.gather @!p0 [hbm4b:s4+s8], $0x20, s3, s8, $0xb8;
	[tilespmem:$0x11F00] =	vst v63  }
0xe1: {  	_ =	swait.ge [sflag:s30], $0x1000  }
0xe2: {  	[sflag:s30] =	ssyncset.done $0x0  }
0xe3: {  	s7 =	sadd.s32 $0x2A00, s17;
	[sflag:s30] =	ssyncadd.s32 $0xFFFFF000  }
0xe4: {  	[spmem:s2] =	stream.indirect.scatter.add.f32 [tilespmem:s21], [sflag:$0x9], $0x20, s7, s14, $0xb8;
	[tilespmem:$0x11F00] =	vst v63  }
0xe5: {  	_ =	swait.ge [sflag:s12], $0x1000  }
0xe6: {  	[sflag:s12] =	ssyncset.done $0x0  }
0xe7: {  	[sflag:s12] =	ssyncadd.s32 $0xFFFFF000  }
0xe8: {  	_ =	swait.ge [sflag:s31], $0x1000  }
0xe9: {  	[sflag:s31] =	ssyncset.done $0x0  }
0xea: {  	s8 =	sadd.s32 $0x2A80, s17;
	[sflag:s31] =	ssyncadd.s32 $0xFFFFF000  }
0xeb: {  	[spmem:s2] =	stream.indirect.scatter.add.f32 [tilespmem:s22], [sflag:$0x9], $0x20, s8, s14, $0xb8;
	[tilespmem:$0x11F00] =	vst v63  }
0xec: {  	_ =	swait.ge [sflag:s12], $0x1000  }
0xed: {  	[sflag:s12] =	ssyncset.done $0x0  }
0xee: {  	[sflag:s12] =	ssyncadd.s32 $0xFFFFF000  }
0xef: {  	_ =	swait.ge [sflag:s1], $0x1000  }
0xf0: {  	[sflag:s1] =	ssyncset.done $0x0  }
0xf1: {  	s9 =	sadd.s32 $0x2B00, s17;
	[sflag:s1] =	ssyncadd.s32 $0xFFFFF000  }
0xf2: {  	[spmem:s2] =	stream.indirect.scatter.add.f32 [tilespmem:s23], [sflag:$0x9], $0x20, s9, s14, $0xb8;
	[tilespmem:$0x11F00] =	vst v63  }
0xf3: {  	_ =	swait.ge [sflag:s12], $0x1000  }
0xf4: {  	[sflag:s12] =	ssyncset.done $0x0  }
0xf5: {  	[sflag:s12] =	ssyncadd.s32 $0xFFFFF000  }
0xf6: {  	_ =	swait.ge [sflag:s0], $0x1000  }
0xf7: {  	[sflag:s0] =	ssyncset.done $0x0  }
0xf8: {  	s10 =	sadd.s32 $0x2B80, s17;
	[sflag:s0] =	ssyncadd.s32 $0xFFFFF000  }
0xf9: {  	[spmem:s2] =	stream.indirect.scatter.add.f32 [tilespmem:s24], [sflag:$0x9], $0x20, s10, s14, $0xb8;
	[tilespmem:$0x11F00] =	vst v63  }
0xfa: {  	_ =	swait.ge [sflag:s12], $0x1000  }
0xfb: {  	[sflag:s12] =	ssyncset.done $0x0  }
0xfc: {  	[sflag:s12] =	ssyncadd.s32 $0xFFFFF000  }
0xfd: {  	[bflag:$0x0] =	sbarrier.arrive $0xFFFF  }
0xfe: {  	s17 =	rddreg [dreg:$0x6]  }
0xff: {  	[hbm:s17], [sflag:s6] =	dma.local [spmem:s11], $0x9E0  }
0x100: {  	_ =	swait.ge [sflag:s12], $0x9E0  }
0x101: {  	s13 =	sadd.s32 $0x1, s13;
	s19 =	rddreg [dreg:$0x7]  }
0x102: {  	p0 =	sne.s32 s13, s19  }
.Ltmp1:
0x103: {  	_ = 	snop;
	(pc) =	sbr.rel @p0 .LBB2_1-.Ltmp1, $3  }
0x104: {  	_ =	sdelay $0x1  }
0x105: {  	[sflag:s12] =	ssyncset.done $0x0  }
0x106: {  	[sflag:s12] =	ssyncadd.s32 $0xFFFFF620  }
0x107: {  	_ =	sfence.sel $0x180000  }
0x108: {  	[bflag:$0x0] =	sbarrier.arrive $0xFFFF  }
0x109: {  	_ =	strace $0x9000004D  }
0x10a: {  	s0 =	stileid.u32;
	[bflag:$0x2] =	sbarrier.arrive $0xFFFF  }
0x10b: {  	p0 =	sne.s32 s0, $0x0;
	s0 =	rddreg [dreg:$0x2]  }
0x10c: {  	s0 =	sadd.s32 @!p0 $0x100000, s0  }
0x10d: {  	[sflag:s0] =	ssyncadd.tile.s32 @!p0 $0x1;
	_ =	shalt  }
.Lfunc_end2:
_tile_overlayer_lowered:
.L_overlay_start_2:
0x10e: {  	(tag) =	ssettag $0x2  }
0x10f: {  	s0 =	rddreg [dreg:$0x0];
	s2 =	stileid.u32  }
0x110: {  	s1 =	rddreg [dreg:$0x1];
	p0 =	sne.s32 s2, $0x0  }
0x111: {  	s3 =	rddreg [dreg:$0x2];
	[bflag:$0x3] =	sbarrier.arrive $0xFFFF;
	s2 =	simm.s32 @!p0 $0x1C09  }
0x112: {  	[timem:s3], [sflag:s2] =	dma.local @!p0 [hbm:s0], s1  }
0x113: {  	s0 =	simm.s32 @!p0 $0x9  }
0x114: {  	_ =	swait.ge @!p0 [sflag:s0], s1  }
0x115: {  	s1 =	ssub.s32 @!p0 $0x0, s1;
	[sflag:s0] =	ssyncset.done @!p0 $0x0  }
0x116: {  	[sflag:s0] =	ssyncadd.s32 @!p0 s1  }
0x117: {  	[bflag:$0x3] =	sbarrier.arrive $0xFFFF  }
0x118: {  	_ =	shalt  }

// kernel: kernel.8.cloned.1.call-start
scs
__scs_entry_jumppad:
0x0: {  	(pc) =	sbr.rel $0x88, $3  }
0x1: {  	(tag) =	ssettag $0x0;
	lr =	simm.s32 $0x1  }
0x2: {  	[smem:$0x3F98] =	sst lr;
	_ =	strace $0xD0000000  }
0x3: {  	_ = 	snop  }
0x4: {  	_ = 	snop  }
0x5: {  	_ = 	snop  }
0x6: {  	_ = 	snop  }
0x7: {  	_ = 	snop  }
__scs_overlays_trampoline_lowered:
0x8: {  	[smem:$0x3FA7] =	sst s0  }
0x9: {  	[smem:$0x3FA8] =	sst s1  }
0xa: {  	[smem:$0x3FA9] =	sst s2  }
0xb: {  	[smem:$0x3FAA] =	sst s3  }
0xc: {  	[smem:$0x3FAB] =	sst s4  }
0xd: {  	[smem:$0x3FAC] =	sst s5  }
0xe: {  	[smem:$0x3FAD] =	sst s6  }
0xf: {  	[smem:$0x3FAE] =	sst s7  }
0x10: {  	[smem:$0x3FAF] =	sst s8  }
0x11: {  	[smem:$0x3FB0] =	sst s9;
	s0 =	simm.s32 @!p0 $0x0  }
0x12: {  	s1 =	sld [smem:$0x3F96];
	s0 =	simm.s32 @p0 $0x1  }
0x13: {  	[smem:$0x3FB1] =	sst s0;
	s0 =	simm.s32 @!p1 $0x0  }
0x14: {  	s2 =	sld [smem:$0x3F95];
	s0 =	simm.s32 @p1 $0x1  }
0x15: {  	[smem:$0x3FB2] =	sst s0;
	s0 =	simm.s32 @!p2 $0x0  }
0x16: {  	s3 =	sld [smem:$0x3FDB];
	s0 =	simm.s32 @p2 $0x1  }
0x17: {  	s4 =	simm.s32 $0x1BF5;
	[smem:$0x3FB4] =	sst s0  }
0x18: {  	s0 =	sld [smem:$0x3F97];
	_ =	swait.ge [sflag:s4], $0x0  }
0x19: {  	s7 =	sld [smem:$0x3F98]  }
0x1a: {  	s8 =	sadd.s32 $0xFFFFE003, lr  }
0x1b: {  	s9 =	sadd.s32 $0xFFFFFEF7, lr;
	s5 =	simm.s32 $0xFFFFFFFF;
	p2 =	slt.u32 s8, $0xFFFFF086  }
0x1c: {  	p1 =	slt.u32 s9, $0xF7A;
	s5 =	simm.s32 @!p2 $0x0  }
0x1d: {  	s5 =	simm.s32 @p1 $0x1;
	p0 =	seq.s32 s7, s2  }
0x1e: {  	s7 =	smul.u32 @!p0 $0xF7A, s2;
	p2 =	seq.s32 @!p0 s5, $0x0  }
0x1f: {  	s9 =	smul.u32 $0xF7A, s1;
	s8 =	simm.s32 @!p0 $0x1BF5;
	p2 =	por !p2, p0  }
0x20: {  	[sflag:s8] =	ssyncset.s32 @!p0 $0xFFFFF086;
	s6 =	sadd.s32 @!p0 s3, s7;
	s7 =	simm.s32 @!p0 $0x108  }
0x21: {  	s3 =	sadd.s32 s3, s9;
	s6 =	sadd.s32 @!p0 $0x88, s6;
	s7 =	simm.s32 @p2 $0x1082  }
0x22: {  	[simem:s7], [sflag:s8] =	dma.local @!p0 [hbm:s6], $0xF7A  }
0x23: {  	s9 =	sor.u32 $0xD0000000, s2;
	s6 =	simm.s32 $0x108;
	_ =	swait.ge @!p0 [sflag:s8], $0x0  }
0x24: {  	s3 =	sadd.s32 $0x88, s3;
	s6 =	simm.s32 @!p1 $0x1082;
	[sflag:s4] =	ssyncset.s32 $0xFFFFF086  }
0x25: {  	[simem:s6], [sflag:s4] =	dma.local [hbm:s3], $0xF7A  }
0x26: {  	[smem:$0x3F98] =	sst s1;
	(tag) =	ssettag s2;
	_ =	strace s9  }
0x27: {  	s1 =	sld [smem:$0x3FA8]  }
0x28: {  	s2 =	sld [smem:$0x3FA9]  }
0x29: {  	s4 =	sld [smem:$0x3FAB]  }
0x2a: {  	p0 =	seq.s32 s5, $0x0;
	s5 =	sld [smem:$0x3FAC]  }
0x2b: {  	s6 =	sld [smem:$0x3FAD]  }
0x2c: {  	s7 =	sld [smem:$0x3FAE]  }
0x2d: {  	s3 =	simm.s32 $0x108;
	s8 =	sld [smem:$0x3FAF]  }
0x2e: {  	s3 =	simm.s32 @!p0 $0x1082;
	s9 =	sld [smem:$0x3FB0]  }
0x2f: {  	lr =	sadd.s32 s0, s3;
	s0 =	sld [smem:$0x3FA7]  }
0x30: {  	s3 =	sld [smem:$0x3FAA]  }
0x31: {  	[smem:$0x3FB3] =	sst s10  }
0x32: {  	s10 =	sld [smem:$0x3FB1];
	_ =	sdelay $0x3  }
0x33: {  	p0 =	seq.s32 s10, $0x1;
	s10 =	sld [smem:$0x3FB3];
	_ =	sdelay $0x3  }
0x34: {  	[smem:$0x3FB3] =	sst s10  }
0x35: {  	s10 =	sld [smem:$0x3FB2];
	_ =	sdelay $0x3  }
0x36: {  	p1 =	seq.s32 s10, $0x1;
	s10 =	sld [smem:$0x3FB3];
	_ =	sdelay $0x3  }
0x37: {  	[smem:$0x3FB3] =	sst s10  }
0x38: {  	s10 =	sld [smem:$0x3FB4]  }
0x39: {  	_ = 	snop;
	(pc) =	sbr.ind lr, $3  }
0x3a: {  	_ = 	snop  }
0x3b: {  	_ = 	snop  }
0x3c: {  	p2 =	seq.s32 s10, $0x1;
	s10 =	sld [smem:$0x3FB3]  }
0x3d: {  	_ =	shalt  }
0x3e: {  	_ =	shalt  }
0x3f: {  	_ =	shalt  }
0x40: {  	_ =	shalt  }
0x41: {  	_ =	shalt  }
0x42: {  	_ =	shalt  }
0x43: {  	_ =	shalt  }
0x44: {  	_ =	shalt  }
0x45: {  	_ =	shalt  }
0x46: {  	_ =	shalt  }
0x47: {  	_ =	shalt  }
0x48: {  	_ =	shalt  }
0x49: {  	_ =	shalt  }
0x4a: {  	_ =	shalt  }
0x4b: {  	_ =	shalt  }
0x4c: {  	_ =	shalt  }
0x4d: {  	_ =	shalt  }
0x4e: {  	_ =	shalt  }
0x4f: {  	_ =	shalt  }
0x50: {  	_ =	shalt  }
0x51: {  	_ =	shalt  }
0x52: {  	_ =	shalt  }
0x53: {  	_ =	shalt  }
0x54: {  	_ =	shalt  }
0x55: {  	_ =	shalt  }
0x56: {  	_ =	shalt  }
0x57: {  	_ =	shalt  }
0x58: {  	_ =	shalt  }
0x59: {  	_ =	shalt  }
0x5a: {  	_ =	shalt  }
0x5b: {  	_ =	shalt  }
0x5c: {  	_ =	shalt  }
0x5d: {  	_ =	shalt  }
0x5e: {  	_ =	shalt  }
0x5f: {  	_ =	shalt  }
0x60: {  	_ =	shalt  }
0x61: {  	_ =	shalt  }
0x62: {  	_ =	shalt  }
0x63: {  	_ =	shalt  }
0x64: {  	_ =	shalt  }
0x65: {  	_ =	shalt  }
0x66: {  	_ =	shalt  }
0x67: {  	_ =	shalt  }
0x68: {  	_ =	shalt  }
0x69: {  	_ =	shalt  }
0x6a: {  	_ =	shalt  }
0x6b: {  	_ =	shalt  }
0x6c: {  	_ =	shalt  }
0x6d: {  	_ =	shalt  }
0x6e: {  	_ =	shalt  }
0x6f: {  	_ =	shalt  }
0x70: {  	_ =	shalt  }
0x71: {  	_ =	shalt  }
0x72: {  	_ =	shalt  }
0x73: {  	_ =	shalt  }
0x74: {  	_ =	shalt  }
0x75: {  	_ =	shalt  }
0x76: {  	_ =	shalt  }
0x77: {  	_ =	shalt  }
0x78: {  	_ =	shalt  }
0x79: {  	_ =	shalt  }
0x7a: {  	_ =	shalt  }
0x7b: {  	_ =	shalt  }
0x7c: {  	_ =	shalt  }
0x7d: {  	_ =	shalt  }
0x7e: {  	_ =	shalt  }
0x7f: {  	_ =	shalt  }
0x80: {  	_ =	shalt  }
0x81: {  	_ =	shalt  }
0x82: {  	_ =	shalt  }
0x83: {  	_ =	shalt  }
0x84: {  	_ =	shalt  }
0x85: {  	_ =	shalt  }
0x86: {  	_ =	shalt  }
0x87: {  	_ =	shalt  }
.Lfunc_end0:
.L_simem_size_0:
called_computation_lowered:
.L_overlay_start_0:
0x88: {  	s2 =	sld [smem:$0x3FD9]  }
0x89: {  	s3 =	sld [smem:$0x3FFE];
	_ =	sdelay $0x1  }
0x8a: {  	s1 =	srdreg.scid  }
0x8b: {  	s0 =	sand.u32 $0x1, s1  }
0x8c: {  	s17 =	sshll.u32 s0, $0xA;
	s2 =	sadd.s32 s3, s2  }
0x8d: {  	s2 =	sadd.s32 s2, s17  }
0x8e: {  	[smem:$0x3FBF] =	sst s2  }
0x8f: {  	_ = 	snop  }
0x90: {  	s2 =	sld [smem:$0x3FD0];
	(tm) =	ssettm $0x1  }
0x91: {  	s18 =	sld [smem:$0x3FFB];
	_ =	sdelay $0x3  }
0x92: {  	_ =	strace s18  }
0x93: {  	s3 =	sld [smem:$0x3FFC];
	_ =	sdelay $0x3  }
0x94: {  	_ =	strace s3  }
0x95: {  	s3 =	sld [smem:$0x3FFD];
	_ =	sdelay $0x3  }
0x96: {  	_ =	strace s3  }
0x97: {  	_ =	strace $0x8FFFFFFF  }
0x98: {  	s19 =	sld [smem:$0x3FDB];
	_ =	sdelay $0x1  }
0x99: {  	s4 =	simm.s32 $_scs_section_size  }
0x9a: {  	s5 =	simm.s32 $_size__tile_overlayer_lowered;
	s6 =	simm.s32 $_tile_overlayer_lowered  }
0x9b: {  	s22 =	simm.s32 $0x1BFF;
	s21 =	sshll.u32 s6, $0x1;
	s3 =	sadd.s32 s4, s19  }
0x9c: {  	s7 =	simm.s32 $0x0;
	s20 =	sshll.u32 s5, $0x1;
	s5 =	sadd.s32 s21, s3  }
0x9d: {  	[timem:s7], [sflag:s22] =	dma.local [hbm:s5], s20  }
0x9e: {  	_ =	swait.ge [sflag:s22], s20  }
0x9f: {  	s4 =	ssub.s32 $0x0, s20;
	[sflag:s22] =	ssyncset.done $0x0  }
0xa0: {  	[sflag:s22] =	ssyncadd.s32 s4;
	_ =	sdelay $0x1  }
0xa1: {  	s23 =	simm.s32 $0x1B8B  }
0xa2: {  	_ =	swait.ge [sflag:s23], $0x1  }
0xa3: {  	[sflag:s23] =	ssyncset.done $0x0  }
0xa4: {  	s25 =	simm.s32 $0x1B8E;
	s24 =	sld [smem:$0x3FFE];
	[sflag:s23] =	ssyncadd.s32 $0xFFFFFFFF  }
0xa5: {  	s26 =	simm.s32 $execute0_lowered;
	[smem:$0x3FD2] =	sst s25  }
0xa6: {  	s5 =	sshll.u32 s26, $0x1;
	_ =	strace $0x80000046;
	[dreg:$0x1] =	wrdreg $0xFFFFFFFF  }
0xa7: {  	s28 =	simm.s32 $_size_execute0_lowered;
	s3 =	sadd.s32 s3, s5;
	[dreg:$0x0] =	wrdreg $0x0  }
0xa8: {  	s5 =	sshll.u32 s28, $0x1;
	[dreg:$0x2] =	wrdreg s3  }
0xa9: {  	[dreg:$0x3] =	wrdreg s5  }
0xaa: {  	[dreg:$0x4] =	wrdreg $0xC0  }
0xab: {  	_ =	task [dreg:s7], $0x5FFFF  }
0xac: {  	[dreg:$0x1] =	wrdreg $0xFFFFFFFF  }
0xad: {  	[dreg:$0x0] =	wrdreg $0x60  }
0xae: {  	[dreg:$0x2] =	wrdreg s24  }
0xaf: {  	[dreg:$0x3] =	wrdreg s2  }
0xb0: {  	[dreg:$0x4] =	wrdreg $0x30000  }
0xb1: {  	[dreg:$0x5] =	wrdreg $0x9  }
0xb2: {  	_ =	task.clear_ibuf [dreg:s7], $0x6FFFF;
	_ =	strace $0x90000046  }
0xb3: {  	s29 =	simm.s32 $0x9;
	_ =	strace $0x80000048  }
0xb4: {  	_ =	swait.ge [sflag:s29], $0x1  }
0xb5: {  	[sflag:s29] =	ssyncadd.s32 $0xFFFFFFFF  }
0xb6: {  	_ =	strace $0x90000048  }
0xb7: {  	_ =	sfence  }
0xb8: {  	s30 =	sld [smem:$0x0];
	_ =	sdelay $0x2  }
0xb9: {  	s31 =	sshll.u32 s1, $0xD;
	s1 =	sshrl.u32 s1, $0x2  }
0xba: {  	s3 =	sand.u32 $0x4000, s31;
	s1 =	sadd.s32 s1, s30  }
0xbb: {  	s0 =	sor.u32 s3, s0;
	s1 =	sshll.u32 s1, $0x11  }
0xbc: {  	s0 =	sor.u32 s1, s0  }
0xbd: {  	s0 =	sadd.s32 $0x8F2B, s0  }
0xbe: {  	[sflag:s0] =	ssyncadd.remote.s32 $0x1  }
0xbf: {  	_ =	sfence.sel $0xFFFF  }
0xc0: {  	[dreg:$0x0] =	wrdreg $0xFFFFFFFF;
	(pc) =	sbr.abs _section_cstart, $3  }
0xc1: {  	[dreg:$0x1] =	wrdreg $0xFFFFFFFF  }
0xc2: {  	_ =	task.clear_ibuf [dreg:s7], $0x2FFFF;
	_ =	strace $0x9FFFFFFF  }
0xc3: {  	(tm) =	ssettm $0x7FFFFFFF  }
tec
execute0_lowered:
.L_overlay_start_1:
0x0: {  	(tag) =	ssettag $0x1  }
0x1: {  	s6 =	rddreg [dreg:$0x0]  }
0x2: {  	s2 =	rddreg [dreg:$0x1]  }
0x3: {  	s0 =	srdreg.scid;
	s3 =	rddreg [dreg:$0x2]  }
0x4: {  	s1 =	stileid.u32;
	s4 =	simm.s32 $0x0;
	s12 =	simm.s32 $0x2800  }
0x5: {  	s13 =	simm.s32 $0x80;
	s5 =	sand.u32 $0x1, s0;
	s0 =	rddreg [dreg:$0x3]  }
0x6: {  	s14 =	simm.s32 $0x0;
	s8 =	smul.u32 $0x2780, s1;
	[smem:$0x7FF] =	sst s4  }
0x7: {  	s31 =	sshll.u32 s1, $0x6;
	s7 =	sshll.u32 s5, $0x4;
	s9 =	smul.u32 $0x27800, s5  }
0x8: {  	_ =	strace $0x80000047;
	s10 =	ssub.s32 $0x2, s5;
	s7 =	sor.u32 s1, s7  }
0x9: {  	s5 =	sadd.s32 $0xC200, s6;
	s7 =	smul.u32 $0x500, s7;
	s9 =	sadd.s32 s8, s9  }
0xa: {  	s30 =	sshrl.u32 s10, $0x1;
	s11 =	sadd.s32 s8, s3;
	s9 =	sshrl.u32 s9, $0x3  }
0xb: {  	s10 =	ssub.s32 s10, s30;
	s7 =	sadd.s32 s7, s6;
	s9 =	sadd.s32 s9, s6  }
0xc: {  	s6 =	sor.u32 $0x1C01, s31;
	s7 =	sadd.s32 $0x2200, s7;
	s8 =	sadd.s32 $0xC800, s9  }
0xd: {  	s9 =	smax.u32 s10, $0x1;
	s10 =	sshrl.u32 s11, $0x3;
	s11 =	simm.s32 $0x1  }
.LBB2_1:
0xe: {  	[spmem:s10], [sflag:s6] =	dma.local [hbm:s5], $0x4F0  }
0xf: {  	_ =	swait.ge [sflag:s11], $0x4F0  }
0x10: {  	[sflag:s11] =	ssyncset.done $0x0  }
0x11: {  	[sflag:s11] =	ssyncadd.s32 $0xFFFFFB10  }
0x12: {  	[tilespmem:s4], [sflag:$0x1] =	stream.linear.gather [hbm4b:s7+s4], $0x2800, $0x38;
	[tilespmem:$0x5780] =	vst v63  }
0x13: {  	_ =	swait.ge [sflag:s11], $0x2800  }
0x14: {  	[sflag:s11] =	ssyncset.done $0x0  }
0x15: {  	[sflag:s11] =	ssyncadd.s32 $0xFFFFD800  }
0x16: {  	[tilespmem:s12], [sflag:$0x1] =	stream.linear.gather [hbm4b:s2+s4], $0x800, $0x38;
	[tilespmem:$0x5780] =	vst v63  }
0x17: {  	_ =	swait.ge [sflag:s11], $0x800  }
0x18: {  	[sflag:s11] =	ssyncset.done $0x0  }
0x19: {  	[sflag:s11] =	ssyncadd.s32 $0xFFFFF800  }
0x1a: {  	s15 =	simm.s32 $0x0;
	[bflag:$0x0] =	sbarrier.arrive $0xFFFF  }
0x1b: {  	[spmem:s3] =	stream.indirect.scatter.add.f32 [tilespmem:s12], [sflag:$0x1], $0x10, s15, s13, $0xb8;
	[tilespmem:$0x5780] =	vst v63  }
0x1c: {  	_ =	swait.ge [sflag:s11], $0x800  }
0x1d: {  	s15 =	simm.s32 $0x200;
	[sflag:s11] =	ssyncset.done $0x0  }
.LBB2_2:
0x1e: {  	s16 =	sshra.s32 s15, $0x2;
	[sflag:s11] =	ssyncadd.s32 $0xFFFFF800;
	p0 =	sne.s32 s15, $0x9E00  }
0x1f: {  	[spmem:s3] =	stream.indirect.scatter.add.f32 [tilespmem:s12], [sflag:$0x1], $0x10, s16, s13, $0xb8;
	[tilespmem:$0x5780] =	vst v63  }
.Ltmp0:
0x20: {  	_ = 	snop;
	(pc) =	sbr.rel @p0 .LBB2_2-.Ltmp0, $4  }
0x21: {  	_ = 	snop  }
0x22: {  	s15 =	sadd.s32 $0x200, s15  }
0x23: {  	_ =	swait.ge [sflag:s11], $0x800  }
0x24: {  	[sflag:s11] =	ssyncset.done $0x0  }
0x25: {  	s14 =	sadd.s32 $0x1, s14  }
0x26: {  	[sflag:s11] =	ssyncadd.s32 $0xFFFFF800;
	p0 =	sne.s32 s14, s9  }
.Ltmp1:
0x27: {  	[bflag:$0x0] =	sbarrier.arrive $0xFFFF;
	(pc) =	sbr.rel @p0 .LBB2_1-.Ltmp1, $4  }
0x28: {  	[hbm:s8], [sflag:s6] =	dma.local [spmem:s10], $0x4F0  }
0x29: {  	_ =	swait.ge [sflag:s11], $0x4F0  }
0x2a: {  	[sflag:s11] =	ssyncset.done $0x0  }
0x2b: {  	[sflag:s11] =	ssyncadd.s32 $0xFFFFFB10  }
0x2c: {  	_ =	sfence.sel $0x180000  }
0x2d: {  	[bflag:$0x0] =	sbarrier.arrive $0xFFFF  }
0x2e: {  	p0 =	sne.s32 s1, $0x0;
	_ =	strace $0x90000047  }
0x2f: {  	s0 =	sadd.s32 @!p0 $0x100000, s0;
	[bflag:$0x2] =	sbarrier.arrive $0xFFFF  }
0x30: {  	[sflag:s0] =	ssyncadd.tile.s32 @!p0 $0x1;
	_ =	shalt  }
.Lfunc_end2:
_tile_overlayer_lowered:
.L_overlay_start_2:
0x31: {  	(tag) =	ssettag $0x2  }
0x32: {  	s0 =	rddreg [dreg:$0x0];
	s2 =	stileid.u32  }
0x33: {  	s1 =	rddreg [dreg:$0x1];
	p0 =	sne.s32 s2, $0x0  }
0x34: {  	s3 =	rddreg [dreg:$0x2];
	[bflag:$0x3] =	sbarrier.arrive $0xFFFF;
	s2 =	simm.s32 @!p0 $0x1C01  }
0x35: {  	[timem:s3], [sflag:s2] =	dma.local @!p0 [hbm:s0], s1  }
0x36: {  	s0 =	simm.s32 @!p0 $0x1  }
0x37: {  	_ =	swait.ge @!p0 [sflag:s0], s1  }
0x38: {  	s1 =	ssub.s32 @!p0 $0x0, s1;
	[sflag:s0] =	ssyncset.done @!p0 $0x0  }
0x39: {  	[sflag:s0] =	ssyncadd.s32 @!p0 s1  }
0x3a: {  	[bflag:$0x3] =	sbarrier.arrive $0xFFFF  }
0x3b: {  	_ =	shalt  }

</sc_bundles>
